<compile_context>
chip_gen: v7x
topology: tpu7x:2x2x1
jax: 0.10.2.dev20260603
libtpu: 0.0.44.dev20260713+nightly
codegen_flags: <defaults>
</compile_context>

<pallas_src>
import functools
import math

import jax
import jax.numpy as jnp
from jax import lax
from jax.experimental import pallas as pl
from jax.experimental.pallas import tpu as pltpu
from jax.experimental.pallas import tpu_sc as plsc

_TB = 2048
_SUB = 8192
_MP = 368


def _tc_body(w_ref, p_ref, a_ref, d2_ref):
    w = w_ref[...]
    p = p_ref[...]
    res = jnp.dot(w, p, preferred_element_type=jnp.float32)
    xv = res[0:24]
    yv = res[24:48]
    zv = res[48:72]
    a_ref[...] = jnp.arctan2(yv, xv)
    d2_ref[...] = xv * xv + yv * yv + zv * zv + 1.0


def _tc_stage(w_all, pts4):
    n = pts4.shape[1]
    return pl.pallas_call(
        _tc_body,
        grid=(n // _TB,),
        in_specs=[
            pl.BlockSpec((72, 4), lambda i: (0, 0)),
            pl.BlockSpec((4, _TB), lambda i: (0, i)),
        ],
        out_specs=[
            pl.BlockSpec((24, _TB), lambda i: (0, i)),
            pl.BlockSpec((24, _TB), lambda i: (0, i)),
        ],
        out_shape=[
            jax.ShapeDtypeStruct((24, n), jnp.float32),
            jax.ShapeDtypeStruct((24, n), jnp.float32),
        ],
    )(w_all, pts4)


def _sc_stage(a24, d224, al_tab, dl_tab, sl_tab, g0s, n, t, m):
    nc, ns, nl = 2, 16, 16
    try:
        info = plsc.get_sparse_core_info()
        nc, ns, nl = info.num_cores, info.num_subcores, info.num_lanes
    except Exception:
        pass
    nw = nc * ns
    chunk = n // nw
    nsub = chunk // _SUB
    tm = t * _MP
    invd = jnp.float32(1.0 / (2.0 * math.pi / (m - 2)))
    mesh = plsc.VectorSubcoreMesh(core_axis_name="c", subcore_axis_name="s")

    @functools.partial(
        pl.kernel,
        out_type=jax.ShapeDtypeStruct((n,), jnp.int32),
        mesh=mesh,
        scratch_types=[
            pltpu.VMEM_SHARED((t * _MP,), jnp.float32),
            pltpu.VMEM_SHARED((t * _MP,), jnp.float32),
            pltpu.VMEM_SHARED((t * _MP,), jnp.float32),
            [pltpu.VMEM((_SUB,), jnp.float32)] * 2,
            [pltpu.VMEM((_SUB,), jnp.float32)] * 2,
            [pltpu.VMEM((_SUB,), jnp.int32)] * 2,
            [pltpu.VMEM((_SUB,), jnp.float32)] * 2,
            [pltpu.VMEM((_SUB,), jnp.float32)] * 2,
            [pltpu.VMEM((_SUB,), jnp.float32)] * 2,
            pltpu.VMEM((_SUB,), jnp.int32),
            pltpu.VMEM((16,), jnp.float32),
            [pltpu.SemaphoreType.DMA] * 2,
        ],
    )
    def sc_kernel(a_hbm, d2_hbm, al_hbm, dl_hbm, sl_hbm, g0_hbm, out_hbm,
                  al_s, dl_s, sl_s, a_v, d2_v, idx_v, alg_v, dlg_v, slg_v,
                  out_v, g0_v, sem):
        cid = lax.axis_index("c")
        sid = lax.axis_index("s")
        wid = sid * nc + cid
        base = wid * chunk

        @pl.when(sid == 0)
        def _():
            pltpu.sync_copy(al_hbm, al_s)
            pltpu.sync_copy(dl_hbm, dl_s)
            pltpu.sync_copy(sl_hbm, sl_s)
        plsc.subcore_barrier()

        pltpu.sync_copy(g0_hbm, g0_v)
        g0 = g0_v[pl.ds(0, nl)]
        nv = _SUB // nl

        def load_rows(ts, sbase, par):
            pltpu.sync_copy(a_hbm.at[pl.ds(ts * n + sbase, _SUB)], a_v[par])
            pltpu.sync_copy(d2_hbm.at[pl.ds(ts * n + sbase, _SUB)], d2_v[par])

        def calc_idx(ts, par):
            @plsc.parallel_loop(0, _SUB, step=nl, unroll=4)
            def idx_body(i):
                sl = pl.ds(i, nl)
                av = a_v[par][sl]
                fidx = (av - g0) * invd
                idx = jnp.clip(fidx.astype(jnp.int32) + 1, 1, m - 1)
                idx_v[par][sl] = idx + ts * _MP

        def fire_gathers(par):
            pltpu.async_copy(al_s.at[idx_v[par]], alg_v[par], sem[par])
            pltpu.async_copy(dl_s.at[idx_v[par]], dlg_v[par], sem[par])
            pltpu.async_copy(sl_s.at[idx_v[par]], slg_v[par], sem[par])

        def wait_gathers(par):
            pltpu.make_async_copy(
                a_hbm.at[pl.ds(0, _SUB)], alg_v[par], sem[par]).wait()
            pltpu.make_async_copy(
                a_hbm.at[pl.ds(0, _SUB)], dlg_v[par], sem[par]).wait()
            pltpu.make_async_copy(
                a_hbm.at[pl.ds(0, _SUB)], slg_v[par], sem[par]).wait()

        for sub in range(nsub):
            sbase = base + sub * _SUB

            @plsc.parallel_loop(0, _SUB, step=nl, unroll=4)
            def zero_body(i):
                out_v[pl.ds(i, nl)] = jnp.zeros((nl,), jnp.int32)

            load_rows(0, sbase, 0)
            calc_idx(0, 0)
            fire_gathers(0)
            load_rows(1, sbase, 1)

            def pair_body(i, c):
                for par in (0, 1):
                    ts = 2 * i + par
                    wait_gathers(par)
                    w = jnp.where(ts == 0, jnp.int32(33), jnp.int32(1))
                    nxt = 1 - par

                    calc_idx(ts + 1, nxt)

                    @pl.when(ts < t - 1)
                    def _():
                        fire_gathers(nxt)

                    @plsc.parallel_loop(0, _SUB, step=nl, unroll=4)
                    def occ_body(j):
                        sl = pl.ds(j, nl)
                        av = a_v[par][sl]
                        dv = d2_v[par][sl]
                        surf = dlg_v[par][sl] + slg_v[par][sl] * (
                            av - alg_v[par][sl])
                        t1 = lax.bitcast_convert_type(
                            surf * surf - dv, jnp.int32)
                        t2 = lax.bitcast_convert_type(
                            dv - jnp.float32(9.0), jnp.int32)
                        occi = lax.shift_right_logical(t1 | t2, 31)
                        out_v[sl] = out_v[sl] + occi * w

                    @pl.when(ts < t - 2)
                    def _():
                        load_rows(ts + 2, sbase, par)
                return c

            lax.fori_loop(0, t // 2, pair_body, 0)

            pltpu.sync_copy(out_v, out_hbm.at[pl.ds(sbase, _SUB)])

    return sc_kernel(a24.reshape(-1), d224.reshape(-1), al_tab, dl_tab, sl_tab, g0s)


def kernel(pts, lidar_polar, velo_poses):
    n = pts.shape[0]
    t = lidar_polar.shape[0]
    m = lidar_polar.shape[1]
    w2v = jnp.linalg.inv(velo_poses)
    w_all = jnp.zeros((72, 4), jnp.float32)
    w_all = w_all.at[0:t].set(w2v[:, 0, :])
    w_all = w_all.at[24:24 + t].set(w2v[:, 1, :])
    w_all = w_all.at[48:48 + t].set(w2v[:, 2, :])
    pts4 = jnp.concatenate(
        [pts.T, jnp.ones((1, n), dtype=pts.dtype)], axis=0)

    a24, d224 = _tc_stage(w_all, pts4)

    ang = lidar_polar[0, :, 0]
    dist = lidar_polar[:, :, 1]
    al_row = jnp.concatenate([ang[:1], ang[:-1]])
    al_tab = jnp.broadcast_to(al_row, (t, m))
    dl_tab = jnp.concatenate([dist[:, :1], dist[:, :-1]], axis=1)
    slope = (dist[:, 1:] - dist[:, :-1]) / (ang[1:] - ang[:-1])
    sl_tab = jnp.concatenate([jnp.zeros((t, 1), jnp.float32), slope], axis=1)

    def flat(x):
        return jnp.pad(x, ((0, 0), (0, _MP - m))).reshape(-1)

    g0s = jnp.full((16,), ang[0], jnp.float32)
    enc = _sc_stage(a24, d224, flat(al_tab), flat(dl_tab), flat(sl_tab),
                    g0s, n, t, m)

    count = enc & 31
    occ0 = enc >> 5
    is_occupied = (1.0 + count.astype(jnp.float32)) / t > (t - 2) / t
    is_visible = occ0 == 0
    return (is_occupied, is_visible)

# --- scband reference (transcript-rebuilt; emitter-appended) ---
"""Pipeline reference for scband-kynwrapper-48661979463967 (READ-ONLY COPY).

The authoritative reference and input builder live on the scoring server;
editing this copy changes nothing except your own understanding.
"""

import jax, jax.numpy as jnp
import numpy as np
import math

N = 524288
T = 20
NB = 360
MIN_DIST = 3.0


def setup_inputs(seed: int = 0) -> dict:
    key = jax.random.key(seed)
    k1, k2, k3, k4, k5, k6 = jax.random.split(key, 6)
    # query points in world frame (dense grid region in front of camera)
    x = jax.random.uniform(k1, (N,), minval=-4.0, maxval=4.0)
    y = jax.random.uniform(k2, (N,), minval=0.0, maxval=0.75)
    z = jax.random.uniform(k3, (N,), minval=4.0, maxval=20.0)
    pts = jnp.stack([x, y, z], axis=-1).astype(jnp.float32)
    # binned polar lidar slices (as produced by get_lidar_slices):
    # sorted bin-center angles + wrap padding on both sides
    bin_borders = jnp.linspace(-math.pi, math.pi, NB + 1)
    centers = 0.5 * (bin_borders[:-1] + bin_borders[1:])
    dists = jax.random.uniform(k4, (T, NB), minval=5.0, maxval=60.0)
    ang = jnp.broadcast_to(centers, (T, NB))
    polar = jnp.stack([ang, dists], axis=-1)
    lead = jnp.stack([polar[:, -1, 0] - 2 * math.pi, polar[:, -1, 1]], axis=-1)[:, None, :]
    tail = jnp.stack([polar[:, 0, 0] + 2 * math.pi, polar[:, 0, 1]], axis=-1)[:, None, :]
    lidar_polar = jnp.concatenate([lead, polar, tail], axis=1).astype(jnp.float32)  # [T, NB+2, 2]
    # velodyne poses: small rotations about y + translations (guaranteed invertible)
    th = jax.random.uniform(k5, (T,), minval=-0.2, maxval=0.2)
    tr = jax.random.uniform(k6, (T, 3), minval=-1.0, maxval=1.0)
    c, s = jnp.cos(th), jnp.sin(th)
    zz = jnp.zeros_like(th)
    oo = jnp.ones_like(th)
    velo_poses = jnp.stack([
        jnp.stack([c, zz, s, tr[:, 0]], axis=-1),
        jnp.stack([zz, oo, zz, tr[:, 1]], axis=-1),
        jnp.stack([-s, zz, c, tr[:, 2]], axis=-1),
        jnp.stack([zz, zz, zz, oo], axis=-1),
    ], axis=1).astype(jnp.float32)  # [T, 4, 4]
    return {"pts": pts, "lidar_polar": lidar_polar, "velo_poses": velo_poses}


def reference(pts, lidar_polar, velo_poses):
    # Faithful jax port of check_occupancy (the core histogram/searchsorted
    # binning kernel of KYNWrapper GT-occupancy computation), y_res=1 slice.
    n = pts.shape[0]
    t = lidar_polar.shape[0]
    pts_h = jnp.concatenate([pts, jnp.ones((n, 1), dtype=pts.dtype)], axis=-1)  # [N,4]
    world_to_velos = jnp.linalg.inv(velo_poses)  # [T,4,4]

    def per_scan(w2v, polar):
        pts_velo = (w2v @ pts_h.T).T  # [N,4]
        angles = jnp.arctan2(pts_velo[:, 1], pts_velo[:, 0])
        dists = jnp.linalg.norm(pts_velo, axis=-1)
        idx = jnp.searchsorted(polar[:, 0], angles)
        idx = jnp.clip(idx, 1, polar.shape[0] - 1)
        left_angles = polar[idx - 1, 0]
        right_angles = polar[idx, 0]
        left_dists = polar[idx - 1, 1]
        right_dists = polar[idx, 1]
        interp = (angles - left_angles) / (right_angles - left_angles)
        surface_dist = left_dists * (1.0 - interp) + right_dists * interp
        is_occupied_velo = (dists > surface_dist) | (dists < MIN_DIST)
        return is_occupied_velo

    occ_all = jax.vmap(per_scan)(world_to_velos, lidar_polar)  # [T, N] bool
    is_occupied = jnp.ones((n,), dtype=jnp.float32) + occ_all.astype(jnp.float32).sum(axis=0)
    is_visible = ~occ_all[0]
    is_occupied = is_occupied / t
    thresh = (t - 2) / t
    is_occupied = is_occupied > thresh
    return (is_occupied, is_visible)

if __name__ == "__main__":
    import jax
    _d = setup_inputs()
    print(jax.jit(kernel)(*tuple(_d.values())))

</pallas_src>

<mosaic_0001>
#map = affine_map<(d0, d1) -> (0)>
module attributes {stable_mosaic.version = 14 : i64} {
  func.func @_rewritten_body(%arg0: i32, %arg1: i32, %arg2: memref<12582912xf32, #tpu.memory_space<hbm>>, %arg3: memref<12582912xf32, #tpu.memory_space<hbm>>, %arg4: memref<7360xf32, #tpu.memory_space<hbm>>, %arg5: memref<7360xf32, #tpu.memory_space<hbm>>, %arg6: memref<7360xf32, #tpu.memory_space<hbm>>, %arg7: memref<16xf32, #tpu.memory_space<hbm>>, %arg8: memref<1xf32, #tpu.memory_space<hbm>>, %arg9: memref<524288xi32, #tpu.memory_space<hbm>>, %arg10: memref<7360xf32, #tpu.memory_space<vmem_shared>>, %arg11: memref<7360xf32, #tpu.memory_space<vmem_shared>>, %arg12: memref<7360xf32, #tpu.memory_space<vmem_shared>>, %arg13: memref<8192xf32, #tpu.memory_space<vmem>>, %arg14: memref<8192xf32, #tpu.memory_space<vmem>>, %arg15: memref<8192xf32, #tpu.memory_space<vmem>>, %arg16: memref<8192xf32, #tpu.memory_space<vmem>>, %arg17: memref<8192xi32, #tpu.memory_space<vmem>>, %arg18: memref<8192xi32, #tpu.memory_space<vmem>>, %arg19: memref<8192xf32, #tpu.memory_space<vmem>>, %arg20: memref<8192xf32, #tpu.memory_space<vmem>>, %arg21: memref<8192xf32, #tpu.memory_space<vmem>>, %arg22: memref<8192xf32, #tpu.memory_space<vmem>>, %arg23: memref<8192xf32, #tpu.memory_space<vmem>>, %arg24: memref<8192xf32, #tpu.memory_space<vmem>>, %arg25: memref<8192xi32, #tpu.memory_space<vmem>>, %arg26: memref<16xf32, #tpu.memory_space<vmem>>, %arg27: memref<!tpu.dma_semaphore, #tpu.memory_space<semaphore_mem>>, %arg28: memref<!tpu.dma_semaphore, #tpu.memory_space<semaphore_mem>>) attributes {dimension_semantics = [#tpu.dimension_semantics<core_parallel>, #tpu.dimension_semantics<subcore_parallel>], iteration_bounds = array<i64: 2, 16>, scalar_prefetch = 0 : i64, scratch_operands = 19 : i64, tpu.core_type = #tpu.core_type<sc_vector_subcore>, window_params = [{transform_indices = #map}, {transform_indices = #map}, {transform_indices = #map}, {transform_indices = #map}, {transform_indices = #map}, {transform_indices = #map}, {transform_indices = #map}, {transform_indices = #map}]} {
    %empty_ref3A = memref.alloca() : memref<16xf32, #tpu.memory_space<vmem>>
    "tpu.region"() ({
      %run_scoped3A = tpu.sem_alloc : memref<!tpu.dma_semaphore, #tpu.memory_space<semaphore_mem>>
      %dma_start3A_63 = arith.constant 0 : i32
      %dma_start3A_64 = tpu.memref_slice %empty_ref3A[%dma_start3A_63] : memref<16xf32, #tpu.memory_space<vmem>> -> memref<1xf32, #tpu.memory_space<vmem>>
      %dma_start3A_65 = arith.constant 0 : i32
      %dma_start3A_66 = tpu.memref_slice %empty_ref3A[%dma_start3A_65] : memref<16xf32, #tpu.memory_space<vmem>> -> memref<1xf32, #tpu.memory_space<vmem>>
      tpu.enqueue_dma source(%arg8 : memref<1xf32, #tpu.memory_space<hbm>>) target(%dma_start3A_66 : memref<1xf32, #tpu.memory_space<vmem>>) target_semaphore(%run_scoped3A : memref<!tpu.dma_semaphore, #tpu.memory_space<semaphore_mem>>)
      %dma_wait3A = arith.constant 0 : i32
      %dma_wait3A_67 = tpu.memref_slice %empty_ref3A[%dma_wait3A] : memref<16xf32, #tpu.memory_space<vmem>> -> memref<1xf32, #tpu.memory_space<vmem>>
      %dma_wait3A_68 = arith.constant 0 : i32
      %dma_wait3A_69 = tpu.memref_slice %empty_ref3A[%dma_wait3A_68] : memref<16xf32, #tpu.memory_space<vmem>> -> memref<1xf32, #tpu.memory_space<vmem>>
      tpu.wait_dma2 semaphore(%run_scoped3A : memref<!tpu.dma_semaphore, #tpu.memory_space<semaphore_mem>>) src(%arg8 : memref<1xf32, #tpu.memory_space<hbm>>) dst(%dma_wait3A_69 : memref<1xf32, #tpu.memory_space<vmem>>)
      tpu.yield
    }) : () -> ()
    %get3A = arith.constant 0 : index
    %get3A_0 = tpu.vector_load %empty_ref3A[%get3A] {strides = array<i32>} : memref<16xf32, #tpu.memory_space<vmem>>, vector<16xf32>,
    %get3A_1 = vector.shape_cast %get3A_0 : vector<16xf32> to vector<16xf32>
    %slice3A = vector.extract_strided_slice %get3A_1 {offsets = [0], sizes = [1], strides = [1]} : vector<16xf32> to vector<1xf32>
    %squeeze3A = vector.extract %slice3A[0] : f32 from vector<1xf32>
    %mul3A = arith.constant 2 : i32
    %mul3A_2 = arith.muli %arg1, %mul3A : i32
    %add3A = arith.addi %mul3A_2, %arg0 : i32
    %mul3A_3 = arith.constant 16384 : i32
    %mul3A_4 = arith.muli %add3A, %mul3A_3 : i32
    %eq3A = arith.constant 0 : i32
    %eq3A_5 = arith.cmpi eq, %arg1, %eq3A : i32
    %convert_element_type3A = arith.extui %eq3A_5 : i1 to i32
    %cond3A = arith.constant 0 : i32
    %cond3A_6 = arith.cmpi ne, %convert_element_type3A, %cond3A : i32
    scf.if %cond3A_6 {
      "tpu.region"() ({
        %run_scoped3A = tpu.sem_alloc : memref<!tpu.dma_semaphore, #tpu.memory_space<semaphore_mem>>
        tpu.enqueue_dma source(%arg4 : memref<7360xf32, #tpu.memory_space<hbm>>) target(%arg10 : memref<7360xf32, #tpu.memory_space<vmem_shared>>) target_semaphore(%run_scoped3A : memref<!tpu.dma_semaphore, #tpu.memory_space<semaphore_mem>>)
        tpu.wait_dma2 semaphore(%run_scoped3A : memref<!tpu.dma_semaphore, #tpu.memory_space<semaphore_mem>>) src(%arg4 : memref<7360xf32, #tpu.memory_space<hbm>>) dst(%arg10 : memref<7360xf32, #tpu.memory_space<vmem_shared>>)
        tpu.yield
      }) : () -> ()
      "tpu.region"() ({
        %run_scoped3A = tpu.sem_alloc : memref<!tpu.dma_semaphore, #tpu.memory_space<semaphore_mem>>
        tpu.enqueue_dma source(%arg5 : memref<7360xf32, #tpu.memory_space<hbm>>) target(%arg11 : memref<7360xf32, #tpu.memory_space<vmem_shared>>) target_semaphore(%run_scoped3A : memref<!tpu.dma_semaphore, #tpu.memory_space<semaphore_mem>>)
        tpu.wait_dma2 semaphore(%run_scoped3A : memref<!tpu.dma_semaphore, #tpu.memory_space<semaphore_mem>>) src(%arg5 : memref<7360xf32, #tpu.memory_space<hbm>>) dst(%arg11 : memref<7360xf32, #tpu.memory_space<vmem_shared>>)
        tpu.yield
      }) : () -> ()
      "tpu.region"() ({
        %run_scoped3A = tpu.sem_alloc : memref<!tpu.dma_semaphore, #tpu.memory_space<semaphore_mem>>
        tpu.enqueue_dma source(%arg6 : memref<7360xf32, #tpu.memory_space<hbm>>) target(%arg12 : memref<7360xf32, #tpu.memory_space<vmem_shared>>) target_semaphore(%run_scoped3A : memref<!tpu.dma_semaphore, #tpu.memory_space<semaphore_mem>>)
        tpu.wait_dma2 semaphore(%run_scoped3A : memref<!tpu.dma_semaphore, #tpu.memory_space<semaphore_mem>>) src(%arg6 : memref<7360xf32, #tpu.memory_space<hbm>>) dst(%arg12 : memref<7360xf32, #tpu.memory_space<vmem_shared>>)
        tpu.yield
      }) : () -> ()
    } else {
    }
    %barrier3A = arith.constant 0 : index
    tpu.barrier barrier_id(%barrier3A)
    "tpu.region"() ({
      %run_scoped3A = tpu.sem_alloc : memref<!tpu.dma_semaphore, #tpu.memory_space<semaphore_mem>>
      tpu.enqueue_dma source(%arg7 : memref<16xf32, #tpu.memory_space<hbm>>) target(%arg26 : memref<16xf32, #tpu.memory_space<vmem>>) target_semaphore(%run_scoped3A : memref<!tpu.dma_semaphore, #tpu.memory_space<semaphore_mem>>)
      tpu.wait_dma2 semaphore(%run_scoped3A : memref<!tpu.dma_semaphore, #tpu.memory_space<semaphore_mem>>) src(%arg7 : memref<16xf32, #tpu.memory_space<hbm>>) dst(%arg26 : memref<16xf32, #tpu.memory_space<vmem>>)
      tpu.yield
    }) : () -> ()
    %get3A_7 = arith.constant 0 : index
    %get3A_8 = tpu.vector_load %arg26[%get3A_7] {strides = array<i32>} : memref<16xf32, #tpu.memory_space<vmem>>, vector<16xf32>,
    %get3A_9 = vector.shape_cast %get3A_8 : vector<16xf32> to vector<16xf32>
    %add3A_10 = arith.constant 0 : i32
    %add3A_11 = arith.addi %mul3A_4, %add3A_10 : i32
    %parallel_loop3A = arith.constant 0 : i32
    %parallel_loop3A_12 = arith.constant 8192 : i32
    %parallel_loop3A_13 = arith.constant 16 : i32
    scf.for %parallel_loop3A_63 = %parallel_loop3A to %parallel_loop3A_12 step %parallel_loop3A_13  : i32 {
      %parallel_loop3A_64 = arith.constant 0 : i32
      %parallel_loop3A_65 = vector.broadcast %parallel_loop3A_64 : i32 to vector<16xi32>
      %parallel_loop3A_66 = arith.index_cast %parallel_loop3A_63 : i32 to index
      %parallel_loop3A_67 = tpu.vector_load %arg25[%parallel_loop3A_66] {strides = array<i32>} : memref<8192xi32, #tpu.memory_space<vmem>>, vector<16xi32>,
      %parallel_loop3A_68 = vector.shape_cast %parallel_loop3A_67 : vector<16xi32> to vector<16xi32>
      %parallel_loop3A_69 = vector.shape_cast %parallel_loop3A_65 : vector<16xi32> to vector<16xi32>
      tpu.vector_store %arg25[%parallel_loop3A_66], %parallel_loop3A_69 {strides = array<i32>} : memref<8192xi32, #tpu.memory_space<vmem>>, vector<16xi32>,
    } {sc.loop_unroll_factor = 4 : i64, sc.parallel_access}
    %add3A_14 = arith.constant 0 : i32
    %add3A_15 = arith.addi %add3A_14, %add3A_11 : i32
    "tpu.region"() ({
      %run_scoped3A = tpu.sem_alloc : memref<!tpu.dma_semaphore, #tpu.memory_space<semaphore_mem>>
      %dma_start3A_63 = tpu.memref_slice %arg2[%add3A_15] : memref<12582912xf32, #tpu.memory_space<hbm>> -> memref<8192xf32, #tpu.memory_space<hbm>>
      %dma_start3A_64 = tpu.memref_slice %arg2[%add3A_15] : memref<12582912xf32, #tpu.memory_space<hbm>> -> memref<8192xf32, #tpu.memory_space<hbm>>
      tpu.enqueue_dma source(%dma_start3A_64 : memref<8192xf32, #tpu.memory_space<hbm>>) target(%arg13 : memref<8192xf32, #tpu.memory_space<vmem>>) target_semaphore(%run_scoped3A : memref<!tpu.dma_semaphore, #tpu.memory_space<semaphore_mem>>)
      %dma_wait3A = tpu.memref_slice %arg2[%add3A_15] : memref<12582912xf32, #tpu.memory_space<hbm>> -> memref<8192xf32, #tpu.memory_space<hbm>>
      %dma_wait3A_65 = tpu.memref_slice %arg2[%add3A_15] : memref<12582912xf32, #tpu.memory_space<hbm>> -> memref<8192xf32, #tpu.memory_space<hbm>>
      tpu.wait_dma2 semaphore(%run_scoped3A : memref<!tpu.dma_semaphore, #tpu.memory_space<semaphore_mem>>) src(%dma_wait3A_65 : memref<8192xf32, #tpu.memory_space<hbm>>) dst(%arg13 : memref<8192xf32, #tpu.memory_space<vmem>>)
      tpu.yield
    }) : () -> ()
    %add3A_16 = arith.constant 0 : i32
    %add3A_17 = arith.addi %add3A_16, %add3A_11 : i32
    "tpu.region"() ({
      %run_scoped3A = tpu.sem_alloc : memref<!tpu.dma_semaphore, #tpu.memory_space<semaphore_mem>>
      %dma_start3A_63 = tpu.memref_slice %arg3[%add3A_17] : memref<12582912xf32, #tpu.memory_space<hbm>> -> memref<8192xf32, #tpu.memory_space<hbm>>
      %dma_start3A_64 = tpu.memref_slice %arg3[%add3A_17] : memref<12582912xf32, #tpu.memory_space<hbm>> -> memref<8192xf32, #tpu.memory_space<hbm>>
      tpu.enqueue_dma source(%dma_start3A_64 : memref<8192xf32, #tpu.memory_space<hbm>>) target(%arg15 : memref<8192xf32, #tpu.memory_space<vmem>>) target_semaphore(%run_scoped3A : memref<!tpu.dma_semaphore, #tpu.memory_space<semaphore_mem>>)
      %dma_wait3A = tpu.memref_slice %arg3[%add3A_17] : memref<12582912xf32, #tpu.memory_space<hbm>> -> memref<8192xf32, #tpu.memory_space<hbm>>
      %dma_wait3A_65 = tpu.memref_slice %arg3[%add3A_17] : memref<12582912xf32, #tpu.memory_space<hbm>> -> memref<8192xf32, #tpu.memory_space<hbm>>
      tpu.wait_dma2 semaphore(%run_scoped3A : memref<!tpu.dma_semaphore, #tpu.memory_space<semaphore_mem>>) src(%dma_wait3A_65 : memref<8192xf32, #tpu.memory_space<hbm>>) dst(%arg15 : memref<8192xf32, #tpu.memory_space<vmem>>)
      tpu.yield
    }) : () -> ()
    %parallel_loop3A_18 = arith.constant 0 : i32
    %parallel_loop3A_19 = arith.constant 8192 : i32
    %parallel_loop3A_20 = arith.constant 16 : i32
    scf.for %parallel_loop3A_63 = %parallel_loop3A_18 to %parallel_loop3A_19 step %parallel_loop3A_20  : i32 {
      %parallel_loop3A_64 = arith.index_cast %parallel_loop3A_63 : i32 to index
      %parallel_loop3A_65 = tpu.vector_load %arg13[%parallel_loop3A_64] {strides = array<i32>} : memref<8192xf32, #tpu.memory_space<vmem>>, vector<16xf32>,
      %parallel_loop3A_66 = vector.shape_cast %parallel_loop3A_65 : vector<16xf32> to vector<16xf32>
      %parallel_loop3A_67 = arith.subf %parallel_loop3A_66, %get3A_9 : vector<16xf32>
      %parallel_loop3A_68 = vector.broadcast %squeeze3A : f32 to vector<16xf32>
      %parallel_loop3A_69 = arith.mulf %parallel_loop3A_67, %parallel_loop3A_68 : vector<16xf32>
      %parallel_loop3A_70 = arith.fptosi %parallel_loop3A_69 : vector<16xf32> to vector<16xi32>
      %parallel_loop3A_71 = arith.constant 1 : i32
      %parallel_loop3A_72 = vector.broadcast %parallel_loop3A_71 : i32 to vector<16xi32>
      %parallel_loop3A_73 = arith.addi %parallel_loop3A_70, %parallel_loop3A_72 : vector<16xi32>
      %parallel_loop3A_74 = arith.constant 1 : i32
      %parallel_loop3A_75 = arith.constant 361 : i32
      %parallel_loop3A_76 = vector.broadcast %parallel_loop3A_74 : i32 to vector<16xi32>
      %parallel_loop3A_77 = arith.maxsi %parallel_loop3A_76, %parallel_loop3A_73 : vector<16xi32>
      %parallel_loop3A_78 = vector.broadcast %parallel_loop3A_75 : i32 to vector<16xi32>
      %parallel_loop3A_79 = arith.minsi %parallel_loop3A_78, %parallel_loop3A_77 : vector<16xi32>
      %parallel_loop3A_80 = arith.constant 0 : i32
      %parallel_loop3A_81 = vector.broadcast %parallel_loop3A_80 : i32 to vector<16xi32>
      %parallel_loop3A_82 = arith.addi %parallel_loop3A_79, %parallel_loop3A_81 : vector<16xi32>
      %parallel_loop3A_83 = arith.index_cast %parallel_loop3A_63 : i32 to index
      %parallel_loop3A_84 = tpu.vector_load %arg17[%parallel_loop3A_83] {strides = array<i32>} : memref<8192xi32, #tpu.memory_space<vmem>>, vector<16xi32>,
      %parallel_loop3A_85 = vector.shape_cast %parallel_loop3A_84 : vector<16xi32> to vector<16xi32>
      %parallel_loop3A_86 = vector.shape_cast %parallel_loop3A_82 : vector<16xi32> to vector<16xi32>
      tpu.vector_store %arg17[%parallel_loop3A_83], %parallel_loop3A_86 {strides = array<i32>} : memref<8192xi32, #tpu.memory_space<vmem>>, vector<16xi32>,
    } {sc.loop_unroll_factor = 4 : i64, sc.parallel_access}
    %dma_start3A = arith.constant 0 : i32
    %dma_start3A_21 = tpu.memref_slice %arg10[%dma_start3A] : memref<7360xf32, #tpu.memory_space<vmem_shared>> -> memref<7360xf32, #tpu.memory_space<vmem_shared>>
    tpu.enqueue_indirect_dma source(%dma_start3A_21 : memref<7360xf32, #tpu.memory_space<vmem_shared>>) target(%arg19 : memref<8192xf32, #tpu.memory_space<vmem>>) offsets(%arg17 : memref<8192xi32, #tpu.memory_space<vmem>>) semaphore(%arg27 : memref<!tpu.dma_semaphore, #tpu.memory_space<semaphore_mem>>)
    %dma_start3A_22 = arith.constant 0 : i32
    %dma_start3A_23 = tpu.memref_slice %arg11[%dma_start3A_22] : memref<7360xf32, #tpu.memory_space<vmem_shared>> -> memref<7360xf32, #tpu.memory_space<vmem_shared>>
    tpu.enqueue_indirect_dma source(%dma_start3A_23 : memref<7360xf32, #tpu.memory_space<vmem_shared>>) target(%arg21 : memref<8192xf32, #tpu.memory_space<vmem>>) offsets(%arg17 : memref<8192xi32, #tpu.memory_space<vmem>>) semaphore(%arg27 : memref<!tpu.dma_semaphore, #tpu.memory_space<semaphore_mem>>)
    %dma_start3A_24 = arith.constant 0 : i32
    %dma_start3A_25 = tpu.memref_slice %arg12[%dma_start3A_24] : memref<7360xf32, #tpu.memory_space<vmem_shared>> -> memref<7360xf32, #tpu.memory_space<vmem_shared>>
    tpu.enqueue_indirect_dma source(%dma_start3A_25 : memref<7360xf32, #tpu.memory_space<vmem_shared>>) target(%arg23 : memref<8192xf32, #tpu.memory_space<vmem>>) offsets(%arg17 : memref<8192xi32, #tpu.memory_space<vmem>>) semaphore(%arg27 : memref<!tpu.dma_semaphore, #tpu.memory_space<semaphore_mem>>)
    %add3A_26 = arith.constant 524288 : i32
    %add3A_27 = arith.addi %add3A_26, %add3A_11 : i32
    "tpu.region"() ({
      %run_scoped3A = tpu.sem_alloc : memref<!tpu.dma_semaphore, #tpu.memory_space<semaphore_mem>>
      %dma_start3A_63 = tpu.memref_slice %arg2[%add3A_27] : memref<12582912xf32, #tpu.memory_space<hbm>> -> memref<8192xf32, #tpu.memory_space<hbm>>
      %dma_start3A_64 = tpu.memref_slice %arg2[%add3A_27] : memref<12582912xf32, #tpu.memory_space<hbm>> -> memref<8192xf32, #tpu.memory_space<hbm>>
      tpu.enqueue_dma source(%dma_start3A_64 : memref<8192xf32, #tpu.memory_space<hbm>>) target(%arg14 : memref<8192xf32, #tpu.memory_space<vmem>>) target_semaphore(%run_scoped3A : memref<!tpu.dma_semaphore, #tpu.memory_space<semaphore_mem>>)
      %dma_wait3A = tpu.memref_slice %arg2[%add3A_27] : memref<12582912xf32, #tpu.memory_space<hbm>> -> memref<8192xf32, #tpu.memory_space<hbm>>
      %dma_wait3A_65 = tpu.memref_slice %arg2[%add3A_27] : memref<12582912xf32, #tpu.memory_space<hbm>> -> memref<8192xf32, #tpu.memory_space<hbm>>
      tpu.wait_dma2 semaphore(%run_scoped3A : memref<!tpu.dma_semaphore, #tpu.memory_space<semaphore_mem>>) src(%dma_wait3A_65 : memref<8192xf32, #tpu.memory_space<hbm>>) dst(%arg14 : memref<8192xf32, #tpu.memory_space<vmem>>)
      tpu.yield
    }) : () -> ()
    %add3A_28 = arith.constant 524288 : i32
    %add3A_29 = arith.addi %add3A_28, %add3A_11 : i32
    "tpu.region"() ({
      %run_scoped3A = tpu.sem_alloc : memref<!tpu.dma_semaphore, #tpu.memory_space<semaphore_mem>>
      %dma_start3A_63 = tpu.memref_slice %arg3[%add3A_29] : memref<12582912xf32, #tpu.memory_space<hbm>> -> memref<8192xf32, #tpu.memory_space<hbm>>
      %dma_start3A_64 = tpu.memref_slice %arg3[%add3A_29] : memref<12582912xf32, #tpu.memory_space<hbm>> -> memref<8192xf32, #tpu.memory_space<hbm>>
      tpu.enqueue_dma source(%dma_start3A_64 : memref<8192xf32, #tpu.memory_space<hbm>>) target(%arg16 : memref<8192xf32, #tpu.memory_space<vmem>>) target_semaphore(%run_scoped3A : memref<!tpu.dma_semaphore, #tpu.memory_space<semaphore_mem>>)
      %dma_wait3A = tpu.memref_slice %arg3[%add3A_29] : memref<12582912xf32, #tpu.memory_space<hbm>> -> memref<8192xf32, #tpu.memory_space<hbm>>
      %dma_wait3A_65 = tpu.memref_slice %arg3[%add3A_29] : memref<12582912xf32, #tpu.memory_space<hbm>> -> memref<8192xf32, #tpu.memory_space<hbm>>
      tpu.wait_dma2 semaphore(%run_scoped3A : memref<!tpu.dma_semaphore, #tpu.memory_space<semaphore_mem>>) src(%dma_wait3A_65 : memref<8192xf32, #tpu.memory_space<hbm>>) dst(%arg16 : memref<8192xf32, #tpu.memory_space<vmem>>)
      tpu.yield
    }) : () -> ()
    %scan3A = arith.constant 0 : i32
    %scan3A_30 = arith.constant 0 : i32
    %scan3A_31 = arith.constant 10 : i32
    %scan3A_32 = arith.addi %scan3A_30, %scan3A_31 : i32
    %scan3A_33 = arith.constant 1 : i32
    scf.for %scan3A_63 = %scan3A_30 to %scan3A_32 step %scan3A_33  : i32 {
      %mul3A_64 = arith.constant 2 : i32
      %mul3A_65 = arith.muli %mul3A_64, %scan3A_63 : i32
      %add3A_66 = arith.constant 0 : i32
      %add3A_67 = arith.addi %mul3A_65, %add3A_66 : i32
      %dma_wait3A = arith.constant 0 : i32
      %dma_wait3A_68 = tpu.memref_slice %arg2[%dma_wait3A] : memref<12582912xf32, #tpu.memory_space<hbm>> -> memref<8192xf32, #tpu.memory_space<hbm>>
      %dma_wait3A_69 = arith.constant 0 : i32
      %dma_wait3A_70 = tpu.memref_slice %arg2[%dma_wait3A_69] : memref<12582912xf32, #tpu.memory_space<hbm>> -> memref<8192xf32, #tpu.memory_space<hbm>>
      tpu.wait_dma2 semaphore(%arg27 : memref<!tpu.dma_semaphore, #tpu.memory_space<semaphore_mem>>) src(%dma_wait3A_70 : memref<8192xf32, #tpu.memory_space<hbm>>) dst(%arg19 : memref<8192xf32, #tpu.memory_space<vmem>>)
      %dma_wait3A_71 = arith.constant 0 : i32
      %dma_wait3A_72 = tpu.memref_slice %arg2[%dma_wait3A_71] : memref<12582912xf32, #tpu.memory_space<hbm>> -> memref<8192xf32, #tpu.memory_space<hbm>>
      %dma_wait3A_73 = arith.constant 0 : i32
      %dma_wait3A_74 = tpu.memref_slice %arg2[%dma_wait3A_73] : memref<12582912xf32, #tpu.memory_space<hbm>> -> memref<8192xf32, #tpu.memory_space<hbm>>
      tpu.wait_dma2 semaphore(%arg27 : memref<!tpu.dma_semaphore, #tpu.memory_space<semaphore_mem>>) src(%dma_wait3A_74 : memref<8192xf32, #tpu.memory_space<hbm>>) dst(%arg21 : memref<8192xf32, #tpu.memory_space<vmem>>)
      %dma_wait3A_75 = arith.constant 0 : i32
      %dma_wait3A_76 = tpu.memref_slice %arg2[%dma_wait3A_75] : memref<12582912xf32, #tpu.memory_space<hbm>> -> memref<8192xf32, #tpu.memory_space<hbm>>
      %dma_wait3A_77 = arith.constant 0 : i32
      %dma_wait3A_78 = tpu.memref_slice %arg2[%dma_wait3A_77] : memref<12582912xf32, #tpu.memory_space<hbm>> -> memref<8192xf32, #tpu.memory_space<hbm>>
      tpu.wait_dma2 semaphore(%arg27 : memref<!tpu.dma_semaphore, #tpu.memory_space<semaphore_mem>>) src(%dma_wait3A_78 : memref<8192xf32, #tpu.memory_space<hbm>>) dst(%arg23 : memref<8192xf32, #tpu.memory_space<vmem>>)
      %eq3A_79 = arith.constant 0 : i32
      %eq3A_80 = arith.cmpi eq, %add3A_67, %eq3A_79 : i32
      %jit3A = arith.constant 33 : i32
      %jit3A_81 = arith.constant 1 : i32
      %select_n3A = arith.select %eq3A_80, %jit3A, %jit3A_81 : i32
      %add3A_82 = arith.constant 1 : i32
      %add3A_83 = arith.addi %add3A_67, %add3A_82 : i32
      %parallel_loop3A_84 = arith.constant 0 : i32
      %parallel_loop3A_85 = arith.constant 8192 : i32
      %parallel_loop3A_86 = arith.constant 16 : i32
      scf.for %parallel_loop3A_138 = %parallel_loop3A_84 to %parallel_loop3A_85 step %parallel_loop3A_86  : i32 {
        %parallel_loop3A_139 = arith.index_cast %parallel_loop3A_138 : i32 to index
        %parallel_loop3A_140 = tpu.vector_load %arg14[%parallel_loop3A_139] {strides = array<i32>} : memref<8192xf32, #tpu.memory_space<vmem>>, vector<16xf32>,
        %parallel_loop3A_141 = vector.shape_cast %parallel_loop3A_140 : vector<16xf32> to vector<16xf32>
        %parallel_loop3A_142 = arith.subf %parallel_loop3A_141, %get3A_9 : vector<16xf32>
        %parallel_loop3A_143 = vector.broadcast %squeeze3A : f32 to vector<16xf32>
        %parallel_loop3A_144 = arith.mulf %parallel_loop3A_142, %parallel_loop3A_143 : vector<16xf32>
        %parallel_loop3A_145 = arith.fptosi %parallel_loop3A_144 : vector<16xf32> to vector<16xi32>
        %parallel_loop3A_146 = arith.constant 1 : i32
        %parallel_loop3A_147 = vector.broadcast %parallel_loop3A_146 : i32 to vector<16xi32>
        %parallel_loop3A_148 = arith.addi %parallel_loop3A_145, %parallel_loop3A_147 : vector<16xi32>
        %parallel_loop3A_149 = arith.constant 1 : i32
        %parallel_loop3A_150 = arith.constant 361 : i32
        %parallel_loop3A_151 = vector.broadcast %parallel_loop3A_149 : i32 to vector<16xi32>
        %parallel_loop3A_152 = arith.maxsi %parallel_loop3A_151, %parallel_loop3A_148 : vector<16xi32>
        %parallel_loop3A_153 = vector.broadcast %parallel_loop3A_150 : i32 to vector<16xi32>
        %parallel_loop3A_154 = arith.minsi %parallel_loop3A_153, %parallel_loop3A_152 : vector<16xi32>
        %parallel_loop3A_155 = arith.constant 368 : i32
        %parallel_loop3A_156 = arith.muli %add3A_83, %parallel_loop3A_155 : i32
        %parallel_loop3A_157 = vector.broadcast %parallel_loop3A_156 : i32 to vector<16xi32>
        %parallel_loop3A_158 = arith.addi %parallel_loop3A_154, %parallel_loop3A_157 : vector<16xi32>
        %parallel_loop3A_159 = arith.index_cast %parallel_loop3A_138 : i32 to index
        %parallel_loop3A_160 = tpu.vector_load %arg18[%parallel_loop3A_159] {strides = array<i32>} : memref<8192xi32, #tpu.memory_space<vmem>>, vector<16xi32>,
        %parallel_loop3A_161 = vector.shape_cast %parallel_loop3A_160 : vector<16xi32> to vector<16xi32>
        %parallel_loop3A_162 = vector.shape_cast %parallel_loop3A_158 : vector<16xi32> to vector<16xi32>
        tpu.vector_store %arg18[%parallel_loop3A_159], %parallel_loop3A_162 {strides = array<i32>} : memref<8192xi32, #tpu.memory_space<vmem>>, vector<16xi32>,
      } {sc.loop_unroll_factor = 4 : i64, sc.parallel_access}
      %lt3A = arith.constant 19 : i32
      %lt3A_87 = arith.cmpi slt, %add3A_67, %lt3A : i32
      %convert_element_type3A_88 = arith.extui %lt3A_87 : i1 to i32
      %cond3A_89 = arith.constant 0 : i32
      %cond3A_90 = arith.cmpi ne, %convert_element_type3A_88, %cond3A_89 : i32
      scf.if %cond3A_90 {
        %dma_start3A_138 = arith.constant 0 : i32
        %dma_start3A_139 = tpu.memref_slice %arg10[%dma_start3A_138] : memref<7360xf32, #tpu.memory_space<vmem_shared>> -> memref<7360xf32, #tpu.memory_space<vmem_shared>>
        tpu.enqueue_indirect_dma source(%dma_start3A_139 : memref<7360xf32, #tpu.memory_space<vmem_shared>>) target(%arg20 : memref<8192xf32, #tpu.memory_space<vmem>>) offsets(%arg18 : memref<8192xi32, #tpu.memory_space<vmem>>) semaphore(%arg28 : memref<!tpu.dma_semaphore, #tpu.memory_space<semaphore_mem>>)
        %dma_start3A_140 = arith.constant 0 : i32
        %dma_start3A_141 = tpu.memref_slice %arg11[%dma_start3A_140] : memref<7360xf32, #tpu.memory_space<vmem_shared>> -> memref<7360xf32, #tpu.memory_space<vmem_shared>>
        tpu.enqueue_indirect_dma source(%dma_start3A_141 : memref<7360xf32, #tpu.memory_space<vmem_shared>>) target(%arg22 : memref<8192xf32, #tpu.memory_space<vmem>>) offsets(%arg18 : memref<8192xi32, #tpu.memory_space<vmem>>) semaphore(%arg28 : memref<!tpu.dma_semaphore, #tpu.memory_space<semaphore_mem>>)
        %dma_start3A_142 = arith.constant 0 : i32
        %dma_start3A_143 = tpu.memref_slice %arg12[%dma_start3A_142] : memref<7360xf32, #tpu.memory_space<vmem_shared>> -> memref<7360xf32, #tpu.memory_space<vmem_shared>>
        tpu.enqueue_indirect_dma source(%dma_start3A_143 : memref<7360xf32, #tpu.memory_space<vmem_shared>>) target(%arg24 : memref<8192xf32, #tpu.memory_space<vmem>>) offsets(%arg18 : memref<8192xi32, #tpu.memory_space<vmem>>) semaphore(%arg28 : memref<!tpu.dma_semaphore, #tpu.memory_space<semaphore_mem>>)
      } else {
      }
      %parallel_loop3A_91 = arith.constant 0 : i32
      %parallel_loop3A_92 = arith.constant 8192 : i32
      %parallel_loop3A_93 = arith.constant 16 : i32
      scf.for %parallel_loop3A_138 = %parallel_loop3A_91 to %parallel_loop3A_92 step %parallel_loop3A_93  : i32 {
        %parallel_loop3A_139 = arith.index_cast %parallel_loop3A_138 : i32 to index
        %parallel_loop3A_140 = tpu.vector_load %arg13[%parallel_loop3A_139] {strides = array<i32>} : memref<8192xf32, #tpu.memory_space<vmem>>, vector<16xf32>,
        %parallel_loop3A_141 = vector.shape_cast %parallel_loop3A_140 : vector<16xf32> to vector<16xf32>
        %parallel_loop3A_142 = arith.index_cast %parallel_loop3A_138 : i32 to index
        %parallel_loop3A_143 = tpu.vector_load %arg15[%parallel_loop3A_142] {strides = array<i32>} : memref<8192xf32, #tpu.memory_space<vmem>>, vector<16xf32>,
        %parallel_loop3A_144 = vector.shape_cast %parallel_loop3A_143 : vector<16xf32> to vector<16xf32>
        %parallel_loop3A_145 = arith.index_cast %parallel_loop3A_138 : i32 to index
        %parallel_loop3A_146 = tpu.vector_load %arg21[%parallel_loop3A_145] {strides = array<i32>} : memref<8192xf32, #tpu.memory_space<vmem>>, vector<16xf32>,
        %parallel_loop3A_147 = vector.shape_cast %parallel_loop3A_146 : vector<16xf32> to vector<16xf32>
        %parallel_loop3A_148 = arith.index_cast %parallel_loop3A_138 : i32 to index
        %parallel_loop3A_149 = tpu.vector_load %arg23[%parallel_loop3A_148] {strides = array<i32>} : memref<8192xf32, #tpu.memory_space<vmem>>, vector<16xf32>,
        %parallel_loop3A_150 = vector.shape_cast %parallel_loop3A_149 : vector<16xf32> to vector<16xf32>
        %parallel_loop3A_151 = arith.index_cast %parallel_loop3A_138 : i32 to index
        %parallel_loop3A_152 = tpu.vector_load %arg19[%parallel_loop3A_151] {strides = array<i32>} : memref<8192xf32, #tpu.memory_space<vmem>>, vector<16xf32>,
        %parallel_loop3A_153 = vector.shape_cast %parallel_loop3A_152 : vector<16xf32> to vector<16xf32>
        %parallel_loop3A_154 = arith.subf %parallel_loop3A_141, %parallel_loop3A_153 : vector<16xf32>
        %parallel_loop3A_155 = arith.mulf %parallel_loop3A_150, %parallel_loop3A_154 : vector<16xf32>
        %parallel_loop3A_156 = arith.addf %parallel_loop3A_147, %parallel_loop3A_155 : vector<16xf32>
        %parallel_loop3A_157 = arith.mulf %parallel_loop3A_156, %parallel_loop3A_156 : vector<16xf32>
        %parallel_loop3A_158 = arith.subf %parallel_loop3A_157, %parallel_loop3A_144 : vector<16xf32>
        %parallel_loop3A_159 = tpu.bitcast %parallel_loop3A_158 : vector<16xf32> -> vector<16xi32>
        %parallel_loop3A_160 = arith.constant 9.000000e+00 : f32
        %parallel_loop3A_161 = vector.broadcast %parallel_loop3A_160 : f32 to vector<16xf32>
        %parallel_loop3A_162 = arith.subf %parallel_loop3A_144, %parallel_loop3A_161 : vector<16xf32>
        %parallel_loop3A_163 = tpu.bitcast %parallel_loop3A_162 : vector<16xf32> -> vector<16xi32>
        %parallel_loop3A_164 = arith.ori %parallel_loop3A_159, %parallel_loop3A_163 : vector<16xi32>
        %parallel_loop3A_165 = arith.constant 31 : i32
        %parallel_loop3A_166 = vector.broadcast %parallel_loop3A_165 : i32 to vector<16xi32>
        %parallel_loop3A_167 = arith.shrui %parallel_loop3A_164, %parallel_loop3A_166 : vector<16xi32>
        %parallel_loop3A_168 = arith.index_cast %parallel_loop3A_138 : i32 to index
        %parallel_loop3A_169 = tpu.vector_load %arg25[%parallel_loop3A_168] {strides = array<i32>} : memref<8192xi32, #tpu.memory_space<vmem>>, vector<16xi32>,
        %parallel_loop3A_170 = vector.shape_cast %parallel_loop3A_169 : vector<16xi32> to vector<16xi32>
        %parallel_loop3A_171 = vector.broadcast %select_n3A : i32 to vector<16xi32>
        %parallel_loop3A_172 = arith.muli %parallel_loop3A_167, %parallel_loop3A_171 : vector<16xi32>
        %parallel_loop3A_173 = arith.addi %parallel_loop3A_170, %parallel_loop3A_172 : vector<16xi32>
        %parallel_loop3A_174 = arith.index_cast %parallel_loop3A_138 : i32 to index
        %parallel_loop3A_175 = tpu.vector_load %arg25[%parallel_loop3A_174] {strides = array<i32>} : memref<8192xi32, #tpu.memory_space<vmem>>, vector<16xi32>,
        %parallel_loop3A_176 = vector.shape_cast %parallel_loop3A_175 : vector<16xi32> to vector<16xi32>
        %parallel_loop3A_177 = vector.shape_cast %parallel_loop3A_173 : vector<16xi32> to vector<16xi32>
        tpu.vector_store %arg25[%parallel_loop3A_174], %parallel_loop3A_177 {strides = array<i32>} : memref<8192xi32, #tpu.memory_space<vmem>>, vector<16xi32>,
      } {sc.loop_unroll_factor = 4 : i64, sc.parallel_access}
      %lt3A_94 = arith.constant 18 : i32
      %lt3A_95 = arith.cmpi slt, %add3A_67, %lt3A_94 : i32
      %convert_element_type3A_96 = arith.extui %lt3A_95 : i1 to i32
      %cond3A_97 = arith.constant 0 : i32
      %cond3A_98 = arith.cmpi ne, %convert_element_type3A_96, %cond3A_97 : i32
      scf.if %cond3A_98 {
        %add3A_138 = arith.constant 2 : i32
        %add3A_139 = arith.addi %add3A_67, %add3A_138 : i32
        %mul3A_140 = arith.constant 524288 : i32
        %mul3A_141 = arith.muli %add3A_139, %mul3A_140 : i32
        %add3A_142 = arith.addi %mul3A_141, %add3A_11 : i32
        "tpu.region"() ({
          %run_scoped3A = tpu.sem_alloc : memref<!tpu.dma_semaphore, #tpu.memory_space<semaphore_mem>>
          %dma_start3A_146 = tpu.memref_slice %arg2[%add3A_142] : memref<12582912xf32, #tpu.memory_space<hbm>> -> memref<8192xf32, #tpu.memory_space<hbm>>
          %dma_start3A_147 = tpu.memref_slice %arg2[%add3A_142] : memref<12582912xf32, #tpu.memory_space<hbm>> -> memref<8192xf32, #tpu.memory_space<hbm>>
          tpu.enqueue_dma source(%dma_start3A_147 : memref<8192xf32, #tpu.memory_space<hbm>>) target(%arg13 : memref<8192xf32, #tpu.memory_space<vmem>>) target_semaphore(%run_scoped3A : memref<!tpu.dma_semaphore, #tpu.memory_space<semaphore_mem>>)
          %dma_wait3A_148 = tpu.memref_slice %arg2[%add3A_142] : memref<12582912xf32, #tpu.memory_space<hbm>> -> memref<8192xf32, #tpu.memory_space<hbm>>
          %dma_wait3A_149 = tpu.memref_slice %arg2[%add3A_142] : memref<12582912xf32, #tpu.memory_space<hbm>> -> memref<8192xf32, #tpu.memory_space<hbm>>
          tpu.wait_dma2 semaphore(%run_scoped3A : memref<!tpu.dma_semaphore, #tpu.memory_space<semaphore_mem>>) src(%dma_wait3A_149 : memref<8192xf32, #tpu.memory_space<hbm>>) dst(%arg13 : memref<8192xf32, #tpu.memory_space<vmem>>)
          tpu.yield
        }) : () -> ()
        %mul3A_143 = arith.constant 524288 : i32
        %mul3A_144 = arith.muli %add3A_139, %mul3A_143 : i32
        %add3A_145 = arith.addi %mul3A_144, %add3A_11 : i32
        "tpu.region"() ({
          %run_scoped3A = tpu.sem_alloc : memref<!tpu.dma_semaphore, #tpu.memory_space<semaphore_mem>>
          %dma_start3A_146 = tpu.memref_slice %arg3[%add3A_145] : memref<12582912xf32, #tpu.memory_space<hbm>> -> memref<8192xf32, #tpu.memory_space<hbm>>
          %dma_start3A_147 = tpu.memref_slice %arg3[%add3A_145] : memref<12582912xf32, #tpu.memory_space<hbm>> -> memref<8192xf32, #tpu.memory_space<hbm>>
          tpu.enqueue_dma source(%dma_start3A_147 : memref<8192xf32, #tpu.memory_space<hbm>>) target(%arg15 : memref<8192xf32, #tpu.memory_space<vmem>>) target_semaphore(%run_scoped3A : memref<!tpu.dma_semaphore, #tpu.memory_space<semaphore_mem>>)
          %dma_wait3A_148 = tpu.memref_slice %arg3[%add3A_145] : memref<12582912xf32, #tpu.memory_space<hbm>> -> memref<8192xf32, #tpu.memory_space<hbm>>
          %dma_wait3A_149 = tpu.memref_slice %arg3[%add3A_145] : memref<12582912xf32, #tpu.memory_space<hbm>> -> memref<8192xf32, #tpu.memory_space<hbm>>
          tpu.wait_dma2 semaphore(%run_scoped3A : memref<!tpu.dma_semaphore, #tpu.memory_space<semaphore_mem>>) src(%dma_wait3A_149 : memref<8192xf32, #tpu.memory_space<hbm>>) dst(%arg15 : memref<8192xf32, #tpu.memory_space<vmem>>)
          tpu.yield
        }) : () -> ()
      } else {
      }
      %mul3A_99 = arith.constant 2 : i32
      %mul3A_100 = arith.muli %mul3A_99, %scan3A_63 : i32
      %add3A_101 = arith.constant 1 : i32
      %add3A_102 = arith.addi %mul3A_100, %add3A_101 : i32
      %dma_wait3A_103 = arith.constant 0 : i32
      %dma_wait3A_104 = tpu.memref_slice %arg2[%dma_wait3A_103] : memref<12582912xf32, #tpu.memory_space<hbm>> -> memref<8192xf32, #tpu.memory_space<hbm>>
      %dma_wait3A_105 = arith.constant 0 : i32
      %dma_wait3A_106 = tpu.memref_slice %arg2[%dma_wait3A_105] : memref<12582912xf32, #tpu.memory_space<hbm>> -> memref<8192xf32, #tpu.memory_space<hbm>>
      tpu.wait_dma2 semaphore(%arg28 : memref<!tpu.dma_semaphore, #tpu.memory_space<semaphore_mem>>) src(%dma_wait3A_106 : memref<8192xf32, #tpu.memory_space<hbm>>) dst(%arg20 : memref<8192xf32, #tpu.memory_space<vmem>>)
      %dma_wait3A_107 = arith.constant 0 : i32
      %dma_wait3A_108 = tpu.memref_slice %arg2[%dma_wait3A_107] : memref<12582912xf32, #tpu.memory_space<hbm>> -> memref<8192xf32, #tpu.memory_space<hbm>>
      %dma_wait3A_109 = arith.constant 0 : i32
      %dma_wait3A_110 = tpu.memref_slice %arg2[%dma_wait3A_109] : memref<12582912xf32, #tpu.memory_space<hbm>> -> memref<8192xf32, #tpu.memory_space<hbm>>
      tpu.wait_dma2 semaphore(%arg28 : memref<!tpu.dma_semaphore, #tpu.memory_space<semaphore_mem>>) src(%dma_wait3A_110 : memref<8192xf32, #tpu.memory_space<hbm>>) dst(%arg22 : memref<8192xf32, #tpu.memory_space<vmem>>)
      %dma_wait3A_111 = arith.constant 0 : i32
      %dma_wait3A_112 = tpu.memref_slice %arg2[%dma_wait3A_111] : memref<12582912xf32, #tpu.memory_space<hbm>> -> memref<8192xf32, #tpu.memory_space<hbm>>
      %dma_wait3A_113 = arith.constant 0 : i32
      %dma_wait3A_114 = tpu.memref_slice %arg2[%dma_wait3A_113] : memref<12582912xf32, #tpu.memory_space<hbm>> -> memref<8192xf32, #tpu.memory_space<hbm>>
      tpu.wait_dma2 semaphore(%arg28 : memref<!tpu.dma_semaphore, #tpu.memory_space<semaphore_mem>>) src(%dma_wait3A_114 : memref<8192xf32, #tpu.memory_space<hbm>>) dst(%arg24 : memref<8192xf32, #tpu.memory_space<vmem>>)
      %eq3A_115 = arith.constant 0 : i32
      %eq3A_116 = arith.cmpi eq, %add3A_102, %eq3A_115 : i32
      %jit3A_117 = arith.constant 33 : i32
      %jit3A_118 = arith.constant 1 : i32
      %select_n3A_119 = arith.select %eq3A_116, %jit3A_117, %jit3A_118 : i32
      %add3A_120 = arith.constant 1 : i32
      %add3A_121 = arith.addi %add3A_102, %add3A_120 : i32
      %parallel_loop3A_122 = arith.constant 0 : i32
      %parallel_loop3A_123 = arith.constant 8192 : i32
      %parallel_loop3A_124 = arith.constant 16 : i32
      scf.for %parallel_loop3A_138 = %parallel_loop3A_122 to %parallel_loop3A_123 step %parallel_loop3A_124  : i32 {
        %parallel_loop3A_139 = arith.index_cast %parallel_loop3A_138 : i32 to index
        %parallel_loop3A_140 = tpu.vector_load %arg13[%parallel_loop3A_139] {strides = array<i32>} : memref<8192xf32, #tpu.memory_space<vmem>>, vector<16xf32>,
        %parallel_loop3A_141 = vector.shape_cast %parallel_loop3A_140 : vector<16xf32> to vector<16xf32>
        %parallel_loop3A_142 = arith.subf %parallel_loop3A_141, %get3A_9 : vector<16xf32>
        %parallel_loop3A_143 = vector.broadcast %squeeze3A : f32 to vector<16xf32>
        %parallel_loop3A_144 = arith.mulf %parallel_loop3A_142, %parallel_loop3A_143 : vector<16xf32>
        %parallel_loop3A_145 = arith.fptosi %parallel_loop3A_144 : vector<16xf32> to vector<16xi32>
        %parallel_loop3A_146 = arith.constant 1 : i32
        %parallel_loop3A_147 = vector.broadcast %parallel_loop3A_146 : i32 to vector<16xi32>
        %parallel_loop3A_148 = arith.addi %parallel_loop3A_145, %parallel_loop3A_147 : vector<16xi32>
        %parallel_loop3A_149 = arith.constant 1 : i32
        %parallel_loop3A_150 = arith.constant 361 : i32
        %parallel_loop3A_151 = vector.broadcast %parallel_loop3A_149 : i32 to vector<16xi32>
        %parallel_loop3A_152 = arith.maxsi %parallel_loop3A_151, %parallel_loop3A_148 : vector<16xi32>
        %parallel_loop3A_153 = vector.broadcast %parallel_loop3A_150 : i32 to vector<16xi32>
        %parallel_loop3A_154 = arith.minsi %parallel_loop3A_153, %parallel_loop3A_152 : vector<16xi32>
        %parallel_loop3A_155 = arith.constant 368 : i32
        %parallel_loop3A_156 = arith.muli %add3A_121, %parallel_loop3A_155 : i32
        %parallel_loop3A_157 = vector.broadcast %parallel_loop3A_156 : i32 to vector<16xi32>
        %parallel_loop3A_158 = arith.addi %parallel_loop3A_154, %parallel_loop3A_157 : vector<16xi32>
        %parallel_loop3A_159 = arith.index_cast %parallel_loop3A_138 : i32 to index
        %parallel_loop3A_160 = tpu.vector_load %arg17[%parallel_loop3A_159] {strides = array<i32>} : memref<8192xi32, #tpu.memory_space<vmem>>, vector<16xi32>,
        %parallel_loop3A_161 = vector.shape_cast %parallel_loop3A_160 : vector<16xi32> to vector<16xi32>
        %parallel_loop3A_162 = vector.shape_cast %parallel_loop3A_158 : vector<16xi32> to vector<16xi32>
        tpu.vector_store %arg17[%parallel_loop3A_159], %parallel_loop3A_162 {strides = array<i32>} : memref<8192xi32, #tpu.memory_space<vmem>>, vector<16xi32>,
      } {sc.loop_unroll_factor = 4 : i64, sc.parallel_access}
      %lt3A_125 = arith.constant 19 : i32
      %lt3A_126 = arith.cmpi slt, %add3A_102, %lt3A_125 : i32
      %convert_element_type3A_127 = arith.extui %lt3A_126 : i1 to i32
      %cond3A_128 = arith.constant 0 : i32
      %cond3A_129 = arith.cmpi ne, %convert_element_type3A_127, %cond3A_128 : i32
      scf.if %cond3A_129 {
        %dma_start3A_138 = arith.constant 0 : i32
        %dma_start3A_139 = tpu.memref_slice %arg10[%dma_start3A_138] : memref<7360xf32, #tpu.memory_space<vmem_shared>> -> memref<7360xf32, #tpu.memory_space<vmem_shared>>
        tpu.enqueue_indirect_dma source(%dma_start3A_139 : memref<7360xf32, #tpu.memory_space<vmem_shared>>) target(%arg19 : memref<8192xf32, #tpu.memory_space<vmem>>) offsets(%arg17 : memref<8192xi32, #tpu.memory_space<vmem>>) semaphore(%arg27 : memref<!tpu.dma_semaphore, #tpu.memory_space<semaphore_mem>>)
        %dma_start3A_140 = arith.constant 0 : i32
        %dma_start3A_141 = tpu.memref_slice %arg11[%dma_start3A_140] : memref<7360xf32, #tpu.memory_space<vmem_shared>> -> memref<7360xf32, #tpu.memory_space<vmem_shared>>
        tpu.enqueue_indirect_dma source(%dma_start3A_141 : memref<7360xf32, #tpu.memory_space<vmem_shared>>) target(%arg21 : memref<8192xf32, #tpu.memory_space<vmem>>) offsets(%arg17 : memref<8192xi32, #tpu.memory_space<vmem>>) semaphore(%arg27 : memref<!tpu.dma_semaphore, #tpu.memory_space<semaphore_mem>>)
        %dma_start3A_142 = arith.constant 0 : i32
        %dma_start3A_143 = tpu.memref_slice %arg12[%dma_start3A_142] : memref<7360xf32, #tpu.memory_space<vmem_shared>> -> memref<7360xf32, #tpu.memory_space<vmem_shared>>
        tpu.enqueue_indirect_dma source(%dma_start3A_143 : memref<7360xf32, #tpu.memory_space<vmem_shared>>) target(%arg23 : memref<8192xf32, #tpu.memory_space<vmem>>) offsets(%arg17 : memref<8192xi32, #tpu.memory_space<vmem>>) semaphore(%arg27 : memref<!tpu.dma_semaphore, #tpu.memory_space<semaphore_mem>>)
      } else {
      }
      %parallel_loop3A_130 = arith.constant 0 : i32
      %parallel_loop3A_131 = arith.constant 8192 : i32
      %parallel_loop3A_132 = arith.constant 16 : i32
      scf.for %parallel_loop3A_138 = %parallel_loop3A_130 to %parallel_loop3A_131 step %parallel_loop3A_132  : i32 {
        %parallel_loop3A_139 = arith.index_cast %parallel_loop3A_138 : i32 to index
        %parallel_loop3A_140 = tpu.vector_load %arg14[%parallel_loop3A_139] {strides = array<i32>} : memref<8192xf32, #tpu.memory_space<vmem>>, vector<16xf32>,
        %parallel_loop3A_141 = vector.shape_cast %parallel_loop3A_140 : vector<16xf32> to vector<16xf32>
        %parallel_loop3A_142 = arith.index_cast %parallel_loop3A_138 : i32 to index
        %parallel_loop3A_143 = tpu.vector_load %arg16[%parallel_loop3A_142] {strides = array<i32>} : memref<8192xf32, #tpu.memory_space<vmem>>, vector<16xf32>,
        %parallel_loop3A_144 = vector.shape_cast %parallel_loop3A_143 : vector<16xf32> to vector<16xf32>
        %parallel_loop3A_145 = arith.index_cast %parallel_loop3A_138 : i32 to index
        %parallel_loop3A_146 = tpu.vector_load %arg22[%parallel_loop3A_145] {strides = array<i32>} : memref<8192xf32, #tpu.memory_space<vmem>>, vector<16xf32>,
        %parallel_loop3A_147 = vector.shape_cast %parallel_loop3A_146 : vector<16xf32> to vector<16xf32>
        %parallel_loop3A_148 = arith.index_cast %parallel_loop3A_138 : i32 to index
        %parallel_loop3A_149 = tpu.vector_load %arg24[%parallel_loop3A_148] {strides = array<i32>} : memref<8192xf32, #tpu.memory_space<vmem>>, vector<16xf32>,
        %parallel_loop3A_150 = vector.shape_cast %parallel_loop3A_149 : vector<16xf32> to vector<16xf32>
        %parallel_loop3A_151 = arith.index_cast %parallel_loop3A_138 : i32 to index
        %parallel_loop3A_152 = tpu.vector_load %arg20[%parallel_loop3A_151] {strides = array<i32>} : memref<8192xf32, #tpu.memory_space<vmem>>, vector<16xf32>,
        %parallel_loop3A_153 = vector.shape_cast %parallel_loop3A_152 : vector<16xf32> to vector<16xf32>
        %parallel_loop3A_154 = arith.subf %parallel_loop3A_141, %parallel_loop3A_153 : vector<16xf32>
        %parallel_loop3A_155 = arith.mulf %parallel_loop3A_150, %parallel_loop3A_154 : vector<16xf32>
        %parallel_loop3A_156 = arith.addf %parallel_loop3A_147, %parallel_loop3A_155 : vector<16xf32>
        %parallel_loop3A_157 = arith.mulf %parallel_loop3A_156, %parallel_loop3A_156 : vector<16xf32>
        %parallel_loop3A_158 = arith.subf %parallel_loop3A_157, %parallel_loop3A_144 : vector<16xf32>
        %parallel_loop3A_159 = tpu.bitcast %parallel_loop3A_158 : vector<16xf32> -> vector<16xi32>
        %parallel_loop3A_160 = arith.constant 9.000000e+00 : f32
        %parallel_loop3A_161 = vector.broadcast %parallel_loop3A_160 : f32 to vector<16xf32>
        %parallel_loop3A_162 = arith.subf %parallel_loop3A_144, %parallel_loop3A_161 : vector<16xf32>
        %parallel_loop3A_163 = tpu.bitcast %parallel_loop3A_162 : vector<16xf32> -> vector<16xi32>
        %parallel_loop3A_164 = arith.ori %parallel_loop3A_159, %parallel_loop3A_163 : vector<16xi32>
        %parallel_loop3A_165 = arith.constant 31 : i32
        %parallel_loop3A_166 = vector.broadcast %parallel_loop3A_165 : i32 to vector<16xi32>
        %parallel_loop3A_167 = arith.shrui %parallel_loop3A_164, %parallel_loop3A_166 : vector<16xi32>
        %parallel_loop3A_168 = arith.index_cast %parallel_loop3A_138 : i32 to index
        %parallel_loop3A_169 = tpu.vector_load %arg25[%parallel_loop3A_168] {strides = array<i32>} : memref<8192xi32, #tpu.memory_space<vmem>>, vector<16xi32>,
        %parallel_loop3A_170 = vector.shape_cast %parallel_loop3A_169 : vector<16xi32> to vector<16xi32>
        %parallel_loop3A_171 = vector.broadcast %select_n3A_119 : i32 to vector<16xi32>
        %parallel_loop3A_172 = arith.muli %parallel_loop3A_167, %parallel_loop3A_171 : vector<16xi32>
        %parallel_loop3A_173 = arith.addi %parallel_loop3A_170, %parallel_loop3A_172 : vector<16xi32>
        %parallel_loop3A_174 = arith.index_cast %parallel_loop3A_138 : i32 to index
        %parallel_loop3A_175 = tpu.vector_load %arg25[%parallel_loop3A_174] {strides = array<i32>} : memref<8192xi32, #tpu.memory_space<vmem>>, vector<16xi32>,
        %parallel_loop3A_176 = vector.shape_cast %parallel_loop3A_175 : vector<16xi32> to vector<16xi32>
        %parallel_loop3A_177 = vector.shape_cast %parallel_loop3A_173 : vector<16xi32> to vector<16xi32>
        tpu.vector_store %arg25[%parallel_loop3A_174], %parallel_loop3A_177 {strides = array<i32>} : memref<8192xi32, #tpu.memory_space<vmem>>, vector<16xi32>,
      } {sc.loop_unroll_factor = 4 : i64, sc.parallel_access}
      %lt3A_133 = arith.constant 18 : i32
      %lt3A_134 = arith.cmpi slt, %add3A_102, %lt3A_133 : i32
      %convert_element_type3A_135 = arith.extui %lt3A_134 : i1 to i32
      %cond3A_136 = arith.constant 0 : i32
      %cond3A_137 = arith.cmpi ne, %convert_element_type3A_135, %cond3A_136 : i32
      scf.if %cond3A_137 {
        %add3A_138 = arith.constant 2 : i32
        %add3A_139 = arith.addi %add3A_102, %add3A_138 : i32
        %mul3A_140 = arith.constant 524288 : i32
        %mul3A_141 = arith.muli %add3A_139, %mul3A_140 : i32
        %add3A_142 = arith.addi %mul3A_141, %add3A_11 : i32
        "tpu.region"() ({
          %run_scoped3A = tpu.sem_alloc : memref<!tpu.dma_semaphore, #tpu.memory_space<semaphore_mem>>
          %dma_start3A_146 = tpu.memref_slice %arg2[%add3A_142] : memref<12582912xf32, #tpu.memory_space<hbm>> -> memref<8192xf32, #tpu.memory_space<hbm>>
          %dma_start3A_147 = tpu.memref_slice %arg2[%add3A_142] : memref<12582912xf32, #tpu.memory_space<hbm>> -> memref<8192xf32, #tpu.memory_space<hbm>>
          tpu.enqueue_dma source(%dma_start3A_147 : memref<8192xf32, #tpu.memory_space<hbm>>) target(%arg14 : memref<8192xf32, #tpu.memory_space<vmem>>) target_semaphore(%run_scoped3A : memref<!tpu.dma_semaphore, #tpu.memory_space<semaphore_mem>>)
          %dma_wait3A_148 = tpu.memref_slice %arg2[%add3A_142] : memref<12582912xf32, #tpu.memory_space<hbm>> -> memref<8192xf32, #tpu.memory_space<hbm>>
          %dma_wait3A_149 = tpu.memref_slice %arg2[%add3A_142] : memref<12582912xf32, #tpu.memory_space<hbm>> -> memref<8192xf32, #tpu.memory_space<hbm>>
          tpu.wait_dma2 semaphore(%run_scoped3A : memref<!tpu.dma_semaphore, #tpu.memory_space<semaphore_mem>>) src(%dma_wait3A_149 : memref<8192xf32, #tpu.memory_space<hbm>>) dst(%arg14 : memref<8192xf32, #tpu.memory_space<vmem>>)
          tpu.yield
        }) : () -> ()
        %mul3A_143 = arith.constant 524288 : i32
        %mul3A_144 = arith.muli %add3A_139, %mul3A_143 : i32
        %add3A_145 = arith.addi %mul3A_144, %add3A_11 : i32
        "tpu.region"() ({
          %run_scoped3A = tpu.sem_alloc : memref<!tpu.dma_semaphore, #tpu.memory_space<semaphore_mem>>
          %dma_start3A_146 = tpu.memref_slice %arg3[%add3A_145] : memref<12582912xf32, #tpu.memory_space<hbm>> -> memref<8192xf32, #tpu.memory_space<hbm>>
          %dma_start3A_147 = tpu.memref_slice %arg3[%add3A_145] : memref<12582912xf32, #tpu.memory_space<hbm>> -> memref<8192xf32, #tpu.memory_space<hbm>>
          tpu.enqueue_dma source(%dma_start3A_147 : memref<8192xf32, #tpu.memory_space<hbm>>) target(%arg16 : memref<8192xf32, #tpu.memory_space<vmem>>) target_semaphore(%run_scoped3A : memref<!tpu.dma_semaphore, #tpu.memory_space<semaphore_mem>>)
          %dma_wait3A_148 = tpu.memref_slice %arg3[%add3A_145] : memref<12582912xf32, #tpu.memory_space<hbm>> -> memref<8192xf32, #tpu.memory_space<hbm>>
          %dma_wait3A_149 = tpu.memref_slice %arg3[%add3A_145] : memref<12582912xf32, #tpu.memory_space<hbm>> -> memref<8192xf32, #tpu.memory_space<hbm>>
          tpu.wait_dma2 semaphore(%run_scoped3A : memref<!tpu.dma_semaphore, #tpu.memory_space<semaphore_mem>>) src(%dma_wait3A_149 : memref<8192xf32, #tpu.memory_space<hbm>>) dst(%arg16 : memref<8192xf32, #tpu.memory_space<vmem>>)
          tpu.yield
        }) : () -> ()
      } else {
      }
    }
    %scan3A_34 = arith.constant 10 : i32
    "tpu.region"() ({
      %run_scoped3A = tpu.sem_alloc : memref<!tpu.dma_semaphore, #tpu.memory_space<semaphore_mem>>
      %dma_start3A_63 = tpu.memref_slice %arg9[%add3A_11] : memref<524288xi32, #tpu.memory_space<hbm>> -> memref<8192xi32, #tpu.memory_space<hbm>>
      %dma_start3A_64 = tpu.memref_slice %arg9[%add3A_11] : memref<524288xi32, #tpu.memory_space<hbm>> -> memref<8192xi32, #tpu.memory_space<hbm>>
      tpu.enqueue_dma source(%arg25 : memref<8192xi32, #tpu.memory_space<vmem>>) target(%dma_start3A_64 : memref<8192xi32, #tpu.memory_space<hbm>>) target_semaphore(%run_scoped3A : memref<!tpu.dma_semaphore, #tpu.memory_space<semaphore_mem>>)
      %dma_wait3A = tpu.memref_slice %arg9[%add3A_11] : memref<524288xi32, #tpu.memory_space<hbm>> -> memref<8192xi32, #tpu.memory_space<hbm>>
      %dma_wait3A_65 = tpu.memref_slice %arg9[%add3A_11] : memref<524288xi32, #tpu.memory_space<hbm>> -> memref<8192xi32, #tpu.memory_space<hbm>>
      tpu.wait_dma2 semaphore(%run_scoped3A : memref<!tpu.dma_semaphore, #tpu.memory_space<semaphore_mem>>) src(%arg25 : memref<8192xi32, #tpu.memory_space<vmem>>) dst(%dma_wait3A_65 : memref<8192xi32, #tpu.memory_space<hbm>>)
      tpu.yield
    }) : () -> ()
    %add3A_35 = arith.constant 8192 : i32
    %add3A_36 = arith.addi %mul3A_4, %add3A_35 : i32
    %parallel_loop3A_37 = arith.constant 0 : i32
    %parallel_loop3A_38 = arith.constant 8192 : i32
    %parallel_loop3A_39 = arith.constant 16 : i32
    scf.for %parallel_loop3A_63 = %parallel_loop3A_37 to %parallel_loop3A_38 step %parallel_loop3A_39  : i32 {
      %parallel_loop3A_64 = arith.constant 0 : i32
      %parallel_loop3A_65 = vector.broadcast %parallel_loop3A_64 : i32 to vector<16xi32>
      %parallel_loop3A_66 = arith.index_cast %parallel_loop3A_63 : i32 to index
      %parallel_loop3A_67 = tpu.vector_load %arg25[%parallel_loop3A_66] {strides = array<i32>} : memref<8192xi32, #tpu.memory_space<vmem>>, vector<16xi32>,
      %parallel_loop3A_68 = vector.shape_cast %parallel_loop3A_67 : vector<16xi32> to vector<16xi32>
      %parallel_loop3A_69 = vector.shape_cast %parallel_loop3A_65 : vector<16xi32> to vector<16xi32>
      tpu.vector_store %arg25[%parallel_loop3A_66], %parallel_loop3A_69 {strides = array<i32>} : memref<8192xi32, #tpu.memory_space<vmem>>, vector<16xi32>,
    } {sc.loop_unroll_factor = 4 : i64, sc.parallel_access}
    %add3A_40 = arith.constant 0 : i32
    %add3A_41 = arith.addi %add3A_40, %add3A_36 : i32
    "tpu.region"() ({
      %run_scoped3A = tpu.sem_alloc : memref<!tpu.dma_semaphore, #tpu.memory_space<semaphore_mem>>
      %dma_start3A_63 = tpu.memref_slice %arg2[%add3A_41] : memref<12582912xf32, #tpu.memory_space<hbm>> -> memref<8192xf32, #tpu.memory_space<hbm>>
      %dma_start3A_64 = tpu.memref_slice %arg2[%add3A_41] : memref<12582912xf32, #tpu.memory_space<hbm>> -> memref<8192xf32, #tpu.memory_space<hbm>>
      tpu.enqueue_dma source(%dma_start3A_64 : memref<8192xf32, #tpu.memory_space<hbm>>) target(%arg13 : memref<8192xf32, #tpu.memory_space<vmem>>) target_semaphore(%run_scoped3A : memref<!tpu.dma_semaphore, #tpu.memory_space<semaphore_mem>>)
      %dma_wait3A = tpu.memref_slice %arg2[%add3A_41] : memref<12582912xf32, #tpu.memory_space<hbm>> -> memref<8192xf32, #tpu.memory_space<hbm>>
      %dma_wait3A_65 = tpu.memref_slice %arg2[%add3A_41] : memref<12582912xf32, #tpu.memory_space<hbm>> -> memref<8192xf32, #tpu.memory_space<hbm>>
      tpu.wait_dma2 semaphore(%run_scoped3A : memref<!tpu.dma_semaphore, #tpu.memory_space<semaphore_mem>>) src(%dma_wait3A_65 : memref<8192xf32, #tpu.memory_space<hbm>>) dst(%arg13 : memref<8192xf32, #tpu.memory_space<vmem>>)
      tpu.yield
    }) : () -> ()
    %add3A_42 = arith.constant 0 : i32
    %add3A_43 = arith.addi %add3A_42, %add3A_36 : i32
    "tpu.region"() ({
      %run_scoped3A = tpu.sem_alloc : memref<!tpu.dma_semaphore, #tpu.memory_space<semaphore_mem>>
      %dma_start3A_63 = tpu.memref_slice %arg3[%add3A_43] : memref<12582912xf32, #tpu.memory_space<hbm>> -> memref<8192xf32, #tpu.memory_space<hbm>>
      %dma_start3A_64 = tpu.memref_slice %arg3[%add3A_43] : memref<12582912xf32, #tpu.memory_space<hbm>> -> memref<8192xf32, #tpu.memory_space<hbm>>
      tpu.enqueue_dma source(%dma_start3A_64 : memref<8192xf32, #tpu.memory_space<hbm>>) target(%arg15 : memref<8192xf32, #tpu.memory_space<vmem>>) target_semaphore(%run_scoped3A : memref<!tpu.dma_semaphore, #tpu.memory_space<semaphore_mem>>)
      %dma_wait3A = tpu.memref_slice %arg3[%add3A_43] : memref<12582912xf32, #tpu.memory_space<hbm>> -> memref<8192xf32, #tpu.memory_space<hbm>>
      %dma_wait3A_65 = tpu.memref_slice %arg3[%add3A_43] : memref<12582912xf32, #tpu.memory_space<hbm>> -> memref<8192xf32, #tpu.memory_space<hbm>>
      tpu.wait_dma2 semaphore(%run_scoped3A : memref<!tpu.dma_semaphore, #tpu.memory_space<semaphore_mem>>) src(%dma_wait3A_65 : memref<8192xf32, #tpu.memory_space<hbm>>) dst(%arg15 : memref<8192xf32, #tpu.memory_space<vmem>>)
      tpu.yield
    }) : () -> ()
    %parallel_loop3A_44 = arith.constant 0 : i32
    %parallel_loop3A_45 = arith.constant 8192 : i32
    %parallel_loop3A_46 = arith.constant 16 : i32
    scf.for %parallel_loop3A_63 = %parallel_loop3A_44 to %parallel_loop3A_45 step %parallel_loop3A_46  : i32 {
      %parallel_loop3A_64 = arith.index_cast %parallel_loop3A_63 : i32 to index
      %parallel_loop3A_65 = tpu.vector_load %arg13[%parallel_loop3A_64] {strides = array<i32>} : memref<8192xf32, #tpu.memory_space<vmem>>, vector<16xf32>,
      %parallel_loop3A_66 = vector.shape_cast %parallel_loop3A_65 : vector<16xf32> to vector<16xf32>
      %parallel_loop3A_67 = arith.subf %parallel_loop3A_66, %get3A_9 : vector<16xf32>
      %parallel_loop3A_68 = vector.broadcast %squeeze3A : f32 to vector<16xf32>
      %parallel_loop3A_69 = arith.mulf %parallel_loop3A_67, %parallel_loop3A_68 : vector<16xf32>
      %parallel_loop3A_70 = arith.fptosi %parallel_loop3A_69 : vector<16xf32> to vector<16xi32>
      %parallel_loop3A_71 = arith.constant 1 : i32
      %parallel_loop3A_72 = vector.broadcast %parallel_loop3A_71 : i32 to vector<16xi32>
      %parallel_loop3A_73 = arith.addi %parallel_loop3A_70, %parallel_loop3A_72 : vector<16xi32>
      %parallel_loop3A_74 = arith.constant 1 : i32
      %parallel_loop3A_75 = arith.constant 361 : i32
      %parallel_loop3A_76 = vector.broadcast %parallel_loop3A_74 : i32 to vector<16xi32>
      %parallel_loop3A_77 = arith.maxsi %parallel_loop3A_76, %parallel_loop3A_73 : vector<16xi32>
      %parallel_loop3A_78 = vector.broadcast %parallel_loop3A_75 : i32 to vector<16xi32>
      %parallel_loop3A_79 = arith.minsi %parallel_loop3A_78, %parallel_loop3A_77 : vector<16xi32>
      %parallel_loop3A_80 = arith.constant 0 : i32
      %parallel_loop3A_81 = vector.broadcast %parallel_loop3A_80 : i32 to vector<16xi32>
      %parallel_loop3A_82 = arith.addi %parallel_loop3A_79, %parallel_loop3A_81 : vector<16xi32>
      %parallel_loop3A_83 = arith.index_cast %parallel_loop3A_63 : i32 to index
      %parallel_loop3A_84 = tpu.vector_load %arg17[%parallel_loop3A_83] {strides = array<i32>} : memref<8192xi32, #tpu.memory_space<vmem>>, vector<16xi32>,
      %parallel_loop3A_85 = vector.shape_cast %parallel_loop3A_84 : vector<16xi32> to vector<16xi32>
      %parallel_loop3A_86 = vector.shape_cast %parallel_loop3A_82 : vector<16xi32> to vector<16xi32>
      tpu.vector_store %arg17[%parallel_loop3A_83], %parallel_loop3A_86 {strides = array<i32>} : memref<8192xi32, #tpu.memory_space<vmem>>, vector<16xi32>,
    } {sc.loop_unroll_factor = 4 : i64, sc.parallel_access}
    %dma_start3A_47 = arith.constant 0 : i32
    %dma_start3A_48 = tpu.memref_slice %arg10[%dma_start3A_47] : memref<7360xf32, #tpu.memory_space<vmem_shared>> -> memref<7360xf32, #tpu.memory_space<vmem_shared>>
    tpu.enqueue_indirect_dma source(%dma_start3A_48 : memref<7360xf32, #tpu.memory_space<vmem_shared>>) target(%arg19 : memref<8192xf32, #tpu.memory_space<vmem>>) offsets(%arg17 : memref<8192xi32, #tpu.memory_space<vmem>>) semaphore(%arg27 : memref<!tpu.dma_semaphore, #tpu.memory_space<semaphore_mem>>)
    %dma_start3A_49 = arith.constant 0 : i32
    %dma_start3A_50 = tpu.memref_slice %arg11[%dma_start3A_49] : memref<7360xf32, #tpu.memory_space<vmem_shared>> -> memref<7360xf32, #tpu.memory_space<vmem_shared>>
    tpu.enqueue_indirect_dma source(%dma_start3A_50 : memref<7360xf32, #tpu.memory_space<vmem_shared>>) target(%arg21 : memref<8192xf32, #tpu.memory_space<vmem>>) offsets(%arg17 : memref<8192xi32, #tpu.memory_space<vmem>>) semaphore(%arg27 : memref<!tpu.dma_semaphore, #tpu.memory_space<semaphore_mem>>)
    %dma_start3A_51 = arith.constant 0 : i32
    %dma_start3A_52 = tpu.memref_slice %arg12[%dma_start3A_51] : memref<7360xf32, #tpu.memory_space<vmem_shared>> -> memref<7360xf32, #tpu.memory_space<vmem_shared>>
    tpu.enqueue_indirect_dma source(%dma_start3A_52 : memref<7360xf32, #tpu.memory_space<vmem_shared>>) target(%arg23 : memref<8192xf32, #tpu.memory_space<vmem>>) offsets(%arg17 : memref<8192xi32, #tpu.memory_space<vmem>>) semaphore(%arg27 : memref<!tpu.dma_semaphore, #tpu.memory_space<semaphore_mem>>)
    %add3A_53 = arith.constant 524288 : i32
    %add3A_54 = arith.addi %add3A_53, %add3A_36 : i32
    "tpu.region"() ({
      %run_scoped3A = tpu.sem_alloc : memref<!tpu.dma_semaphore, #tpu.memory_space<semaphore_mem>>
      %dma_start3A_63 = tpu.memref_slice %arg2[%add3A_54] : memref<12582912xf32, #tpu.memory_space<hbm>> -> memref<8192xf32, #tpu.memory_space<hbm>>
      %dma_start3A_64 = tpu.memref_slice %arg2[%add3A_54] : memref<12582912xf32, #tpu.memory_space<hbm>> -> memref<8192xf32, #tpu.memory_space<hbm>>
      tpu.enqueue_dma source(%dma_start3A_64 : memref<8192xf32, #tpu.memory_space<hbm>>) target(%arg14 : memref<8192xf32, #tpu.memory_space<vmem>>) target_semaphore(%run_scoped3A : memref<!tpu.dma_semaphore, #tpu.memory_space<semaphore_mem>>)
      %dma_wait3A = tpu.memref_slice %arg2[%add3A_54] : memref<12582912xf32, #tpu.memory_space<hbm>> -> memref<8192xf32, #tpu.memory_space<hbm>>
      %dma_wait3A_65 = tpu.memref_slice %arg2[%add3A_54] : memref<12582912xf32, #tpu.memory_space<hbm>> -> memref<8192xf32, #tpu.memory_space<hbm>>
      tpu.wait_dma2 semaphore(%run_scoped3A : memref<!tpu.dma_semaphore, #tpu.memory_space<semaphore_mem>>) src(%dma_wait3A_65 : memref<8192xf32, #tpu.memory_space<hbm>>) dst(%arg14 : memref<8192xf32, #tpu.memory_space<vmem>>)
      tpu.yield
    }) : () -> ()
    %add3A_55 = arith.constant 524288 : i32
    %add3A_56 = arith.addi %add3A_55, %add3A_36 : i32
    "tpu.region"() ({
      %run_scoped3A = tpu.sem_alloc : memref<!tpu.dma_semaphore, #tpu.memory_space<semaphore_mem>>
      %dma_start3A_63 = tpu.memref_slice %arg3[%add3A_56] : memref<12582912xf32, #tpu.memory_space<hbm>> -> memref<8192xf32, #tpu.memory_space<hbm>>
      %dma_start3A_64 = tpu.memref_slice %arg3[%add3A_56] : memref<12582912xf32, #tpu.memory_space<hbm>> -> memref<8192xf32, #tpu.memory_space<hbm>>
      tpu.enqueue_dma source(%dma_start3A_64 : memref<8192xf32, #tpu.memory_space<hbm>>) target(%arg16 : memref<8192xf32, #tpu.memory_space<vmem>>) target_semaphore(%run_scoped3A : memref<!tpu.dma_semaphore, #tpu.memory_space<semaphore_mem>>)
      %dma_wait3A = tpu.memref_slice %arg3[%add3A_56] : memref<12582912xf32, #tpu.memory_space<hbm>> -> memref<8192xf32, #tpu.memory_space<hbm>>
      %dma_wait3A_65 = tpu.memref_slice %arg3[%add3A_56] : memref<12582912xf32, #tpu.memory_space<hbm>> -> memref<8192xf32, #tpu.memory_space<hbm>>
      tpu.wait_dma2 semaphore(%run_scoped3A : memref<!tpu.dma_semaphore, #tpu.memory_space<semaphore_mem>>) src(%dma_wait3A_65 : memref<8192xf32, #tpu.memory_space<hbm>>) dst(%arg16 : memref<8192xf32, #tpu.memory_space<vmem>>)
      tpu.yield
    }) : () -> ()
    %scan3A_57 = arith.constant 0 : i32
    %scan3A_58 = arith.constant 0 : i32
    %scan3A_59 = arith.constant 10 : i32
    %scan3A_60 = arith.addi %scan3A_58, %scan3A_59 : i32
    %scan3A_61 = arith.constant 1 : i32
    scf.for %scan3A_63 = %scan3A_58 to %scan3A_60 step %scan3A_61  : i32 {
      %mul3A_64 = arith.constant 2 : i32
      %mul3A_65 = arith.muli %mul3A_64, %scan3A_63 : i32
      %add3A_66 = arith.constant 0 : i32
      %add3A_67 = arith.addi %mul3A_65, %add3A_66 : i32
      %dma_wait3A = arith.constant 0 : i32
      %dma_wait3A_68 = tpu.memref_slice %arg2[%dma_wait3A] : memref<12582912xf32, #tpu.memory_space<hbm>> -> memref<8192xf32, #tpu.memory_space<hbm>>
      %dma_wait3A_69 = arith.constant 0 : i32
      %dma_wait3A_70 = tpu.memref_slice %arg2[%dma_wait3A_69] : memref<12582912xf32, #tpu.memory_space<hbm>> -> memref<8192xf32, #tpu.memory_space<hbm>>
      tpu.wait_dma2 semaphore(%arg27 : memref<!tpu.dma_semaphore, #tpu.memory_space<semaphore_mem>>) src(%dma_wait3A_70 : memref<8192xf32, #tpu.memory_space<hbm>>) dst(%arg19 : memref<8192xf32, #tpu.memory_space<vmem>>)
      %dma_wait3A_71 = arith.constant 0 : i32
      %dma_wait3A_72 = tpu.memref_slice %arg2[%dma_wait3A_71] : memref<12582912xf32, #tpu.memory_space<hbm>> -> memref<8192xf32, #tpu.memory_space<hbm>>
      %dma_wait3A_73 = arith.constant 0 : i32
      %dma_wait3A_74 = tpu.memref_slice %arg2[%dma_wait3A_73] : memref<12582912xf32, #tpu.memory_space<hbm>> -> memref<8192xf32, #tpu.memory_space<hbm>>
      tpu.wait_dma2 semaphore(%arg27 : memref<!tpu.dma_semaphore, #tpu.memory_space<semaphore_mem>>) src(%dma_wait3A_74 : memref<8192xf32, #tpu.memory_space<hbm>>) dst(%arg21 : memref<8192xf32, #tpu.memory_space<vmem>>)
      %dma_wait3A_75 = arith.constant 0 : i32
      %dma_wait3A_76 = tpu.memref_slice %arg2[%dma_wait3A_75] : memref<12582912xf32, #tpu.memory_space<hbm>> -> memref<8192xf32, #tpu.memory_space<hbm>>
      %dma_wait3A_77 = arith.constant 0 : i32
      %dma_wait3A_78 = tpu.memref_slice %arg2[%dma_wait3A_77] : memref<12582912xf32, #tpu.memory_space<hbm>> -> memref<8192xf32, #tpu.memory_space<hbm>>
      tpu.wait_dma2 semaphore(%arg27 : memref<!tpu.dma_semaphore, #tpu.memory_space<semaphore_mem>>) src(%dma_wait3A_78 : memref<8192xf32, #tpu.memory_space<hbm>>) dst(%arg23 : memref<8192xf32, #tpu.memory_space<vmem>>)
      %eq3A_79 = arith.constant 0 : i32
      %eq3A_80 = arith.cmpi eq, %add3A_67, %eq3A_79 : i32
      %jit3A = arith.constant 33 : i32
      %jit3A_81 = arith.constant 1 : i32
      %select_n3A = arith.select %eq3A_80, %jit3A, %jit3A_81 : i32
      %add3A_82 = arith.constant 1 : i32
      %add3A_83 = arith.addi %add3A_67, %add3A_82 : i32
      %parallel_loop3A_84 = arith.constant 0 : i32
      %parallel_loop3A_85 = arith.constant 8192 : i32
      %parallel_loop3A_86 = arith.constant 16 : i32
      scf.for %parallel_loop3A_138 = %parallel_loop3A_84 to %parallel_loop3A_85 step %parallel_loop3A_86  : i32 {
        %parallel_loop3A_139 = arith.index_cast %parallel_loop3A_138 : i32 to index
        %parallel_loop3A_140 = tpu.vector_load %arg14[%parallel_loop3A_139] {strides = array<i32>} : memref<8192xf32, #tpu.memory_space<vmem>>, vector<16xf32>,
        %parallel_loop3A_141 = vector.shape_cast %parallel_loop3A_140 : vector<16xf32> to vector<16xf32>
        %parallel_loop3A_142 = arith.subf %parallel_loop3A_141, %get3A_9 : vector<16xf32>
        %parallel_loop3A_143 = vector.broadcast %squeeze3A : f32 to vector<16xf32>
        %parallel_loop3A_144 = arith.mulf %parallel_loop3A_142, %parallel_loop3A_143 : vector<16xf32>
        %parallel_loop3A_145 = arith.fptosi %parallel_loop3A_144 : vector<16xf32> to vector<16xi32>
        %parallel_loop3A_146 = arith.constant 1 : i32
        %parallel_loop3A_147 = vector.broadcast %parallel_loop3A_146 : i32 to vector<16xi32>
        %parallel_loop3A_148 = arith.addi %parallel_loop3A_145, %parallel_loop3A_147 : vector<16xi32>
        %parallel_loop3A_149 = arith.constant 1 : i32
        %parallel_loop3A_150 = arith.constant 361 : i32
        %parallel_loop3A_151 = vector.broadcast %parallel_loop3A_149 : i32 to vector<16xi32>
        %parallel_loop3A_152 = arith.maxsi %parallel_loop3A_151, %parallel_loop3A_148 : vector<16xi32>
        %parallel_loop3A_153 = vector.broadcast %parallel_loop3A_150 : i32 to vector<16xi32>
        %parallel_loop3A_154 = arith.minsi %parallel_loop3A_153, %parallel_loop3A_152 : vector<16xi32>
        %parallel_loop3A_155 = arith.constant 368 : i32
        %parallel_loop3A_156 = arith.muli %add3A_83, %parallel_loop3A_155 : i32
        %parallel_loop3A_157 = vector.broadcast %parallel_loop3A_156 : i32 to vector<16xi32>
        %parallel_loop3A_158 = arith.addi %parallel_loop3A_154, %parallel_loop3A_157 : vector<16xi32>
        %parallel_loop3A_159 = arith.index_cast %parallel_loop3A_138 : i32 to index
        %parallel_loop3A_160 = tpu.vector_load %arg18[%parallel_loop3A_159] {strides = array<i32>} : memref<8192xi32, #tpu.memory_space<vmem>>, vector<16xi32>,
        %parallel_loop3A_161 = vector.shape_cast %parallel_loop3A_160 : vector<16xi32> to vector<16xi32>
        %parallel_loop3A_162 = vector.shape_cast %parallel_loop3A_158 : vector<16xi32> to vector<16xi32>
        tpu.vector_store %arg18[%parallel_loop3A_159], %parallel_loop3A_162 {strides = array<i32>} : memref<8192xi32, #tpu.memory_space<vmem>>, vector<16xi32>,
      } {sc.loop_unroll_factor = 4 : i64, sc.parallel_access}
      %lt3A = arith.constant 19 : i32
      %lt3A_87 = arith.cmpi slt, %add3A_67, %lt3A : i32
      %convert_element_type3A_88 = arith.extui %lt3A_87 : i1 to i32
      %cond3A_89 = arith.constant 0 : i32
      %cond3A_90 = arith.cmpi ne, %convert_element_type3A_88, %cond3A_89 : i32
      scf.if %cond3A_90 {
        %dma_start3A_138 = arith.constant 0 : i32
        %dma_start3A_139 = tpu.memref_slice %arg10[%dma_start3A_138] : memref<7360xf32, #tpu.memory_space<vmem_shared>> -> memref<7360xf32, #tpu.memory_space<vmem_shared>>
        tpu.enqueue_indirect_dma source(%dma_start3A_139 : memref<7360xf32, #tpu.memory_space<vmem_shared>>) target(%arg20 : memref<8192xf32, #tpu.memory_space<vmem>>) offsets(%arg18 : memref<8192xi32, #tpu.memory_space<vmem>>) semaphore(%arg28 : memref<!tpu.dma_semaphore, #tpu.memory_space<semaphore_mem>>)
        %dma_start3A_140 = arith.constant 0 : i32
        %dma_start3A_141 = tpu.memref_slice %arg11[%dma_start3A_140] : memref<7360xf32, #tpu.memory_space<vmem_shared>> -> memref<7360xf32, #tpu.memory_space<vmem_shared>>
        tpu.enqueue_indirect_dma source(%dma_start3A_141 : memref<7360xf32, #tpu.memory_space<vmem_shared>>) target(%arg22 : memref<8192xf32, #tpu.memory_space<vmem>>) offsets(%arg18 : memref<8192xi32, #tpu.memory_space<vmem>>) semaphore(%arg28 : memref<!tpu.dma_semaphore, #tpu.memory_space<semaphore_mem>>)
        %dma_start3A_142 = arith.constant 0 : i32
        %dma_start3A_143 = tpu.memref_slice %arg12[%dma_start3A_142] : memref<7360xf32, #tpu.memory_space<vmem_shared>> -> memref<7360xf32, #tpu.memory_space<vmem_shared>>
        tpu.enqueue_indirect_dma source(%dma_start3A_143 : memref<7360xf32, #tpu.memory_space<vmem_shared>>) target(%arg24 : memref<8192xf32, #tpu.memory_space<vmem>>) offsets(%arg18 : memref<8192xi32, #tpu.memory_space<vmem>>) semaphore(%arg28 : memref<!tpu.dma_semaphore, #tpu.memory_space<semaphore_mem>>)
      } else {
      }
      %parallel_loop3A_91 = arith.constant 0 : i32
      %parallel_loop3A_92 = arith.constant 8192 : i32
      %parallel_loop3A_93 = arith.constant 16 : i32
      scf.for %parallel_loop3A_138 = %parallel_loop3A_91 to %parallel_loop3A_92 step %parallel_loop3A_93  : i32 {
        %parallel_loop3A_139 = arith.index_cast %parallel_loop3A_138 : i32 to index
        %parallel_loop3A_140 = tpu.vector_load %arg13[%parallel_loop3A_139] {strides = array<i32>} : memref<8192xf32, #tpu.memory_space<vmem>>, vector<16xf32>,
        %parallel_loop3A_141 = vector.shape_cast %parallel_loop3A_140 : vector<16xf32> to vector<16xf32>
        %parallel_loop3A_142 = arith.index_cast %parallel_loop3A_138 : i32 to index
        %parallel_loop3A_143 = tpu.vector_load %arg15[%parallel_loop3A_142] {strides = array<i32>} : memref<8192xf32, #tpu.memory_space<vmem>>, vector<16xf32>,
        %parallel_loop3A_144 = vector.shape_cast %parallel_loop3A_143 : vector<16xf32> to vector<16xf32>
        %parallel_loop3A_145 = arith.index_cast %parallel_loop3A_138 : i32 to index
        %parallel_loop3A_146 = tpu.vector_load %arg21[%parallel_loop3A_145] {strides = array<i32>} : memref<8192xf32, #tpu.memory_space<vmem>>, vector<16xf32>,
        %parallel_loop3A_147 = vector.shape_cast %parallel_loop3A_146 : vector<16xf32> to vector<16xf32>
        %parallel_loop3A_148 = arith.index_cast %parallel_loop3A_138 : i32 to index
        %parallel_loop3A_149 = tpu.vector_load %arg23[%parallel_loop3A_148] {strides = array<i32>} : memref<8192xf32, #tpu.memory_space<vmem>>, vector<16xf32>,
        %parallel_loop3A_150 = vector.shape_cast %parallel_loop3A_149 : vector<16xf32> to vector<16xf32>
        %parallel_loop3A_151 = arith.index_cast %parallel_loop3A_138 : i32 to index
        %parallel_loop3A_152 = tpu.vector_load %arg19[%parallel_loop3A_151] {strides = array<i32>} : memref<8192xf32, #tpu.memory_space<vmem>>, vector<16xf32>,
        %parallel_loop3A_153 = vector.shape_cast %parallel_loop3A_152 : vector<16xf32> to vector<16xf32>
        %parallel_loop3A_154 = arith.subf %parallel_loop3A_141, %parallel_loop3A_153 : vector<16xf32>
        %parallel_loop3A_155 = arith.mulf %parallel_loop3A_150, %parallel_loop3A_154 : vector<16xf32>
        %parallel_loop3A_156 = arith.addf %parallel_loop3A_147, %parallel_loop3A_155 : vector<16xf32>
        %parallel_loop3A_157 = arith.mulf %parallel_loop3A_156, %parallel_loop3A_156 : vector<16xf32>
        %parallel_loop3A_158 = arith.subf %parallel_loop3A_157, %parallel_loop3A_144 : vector<16xf32>
        %parallel_loop3A_159 = tpu.bitcast %parallel_loop3A_158 : vector<16xf32> -> vector<16xi32>
        %parallel_loop3A_160 = arith.constant 9.000000e+00 : f32
        %parallel_loop3A_161 = vector.broadcast %parallel_loop3A_160 : f32 to vector<16xf32>
        %parallel_loop3A_162 = arith.subf %parallel_loop3A_144, %parallel_loop3A_161 : vector<16xf32>
        %parallel_loop3A_163 = tpu.bitcast %parallel_loop3A_162 : vector<16xf32> -> vector<16xi32>
        %parallel_loop3A_164 = arith.ori %parallel_loop3A_159, %parallel_loop3A_163 : vector<16xi32>
        %parallel_loop3A_165 = arith.constant 31 : i32
        %parallel_loop3A_166 = vector.broadcast %parallel_loop3A_165 : i32 to vector<16xi32>
        %parallel_loop3A_167 = arith.shrui %parallel_loop3A_164, %parallel_loop3A_166 : vector<16xi32>
        %parallel_loop3A_168 = arith.index_cast %parallel_loop3A_138 : i32 to index
        %parallel_loop3A_169 = tpu.vector_load %arg25[%parallel_loop3A_168] {strides = array<i32>} : memref<8192xi32, #tpu.memory_space<vmem>>, vector<16xi32>,
        %parallel_loop3A_170 = vector.shape_cast %parallel_loop3A_169 : vector<16xi32> to vector<16xi32>
        %parallel_loop3A_171 = vector.broadcast %select_n3A : i32 to vector<16xi32>
        %parallel_loop3A_172 = arith.muli %parallel_loop3A_167, %parallel_loop3A_171 : vector<16xi32>
        %parallel_loop3A_173 = arith.addi %parallel_loop3A_170, %parallel_loop3A_172 : vector<16xi32>
        %parallel_loop3A_174 = arith.index_cast %parallel_loop3A_138 : i32 to index
        %parallel_loop3A_175 = tpu.vector_load %arg25[%parallel_loop3A_174] {strides = array<i32>} : memref<8192xi32, #tpu.memory_space<vmem>>, vector<16xi32>,
        %parallel_loop3A_176 = vector.shape_cast %parallel_loop3A_175 : vector<16xi32> to vector<16xi32>
        %parallel_loop3A_177 = vector.shape_cast %parallel_loop3A_173 : vector<16xi32> to vector<16xi32>
        tpu.vector_store %arg25[%parallel_loop3A_174], %parallel_loop3A_177 {strides = array<i32>} : memref<8192xi32, #tpu.memory_space<vmem>>, vector<16xi32>,
      } {sc.loop_unroll_factor = 4 : i64, sc.parallel_access}
      %lt3A_94 = arith.constant 18 : i32
      %lt3A_95 = arith.cmpi slt, %add3A_67, %lt3A_94 : i32
      %convert_element_type3A_96 = arith.extui %lt3A_95 : i1 to i32
      %cond3A_97 = arith.constant 0 : i32
      %cond3A_98 = arith.cmpi ne, %convert_element_type3A_96, %cond3A_97 : i32
      scf.if %cond3A_98 {
        %add3A_138 = arith.constant 2 : i32
        %add3A_139 = arith.addi %add3A_67, %add3A_138 : i32
        %mul3A_140 = arith.constant 524288 : i32
        %mul3A_141 = arith.muli %add3A_139, %mul3A_140 : i32
        %add3A_142 = arith.addi %mul3A_141, %add3A_36 : i32
        "tpu.region"() ({
          %run_scoped3A = tpu.sem_alloc : memref<!tpu.dma_semaphore, #tpu.memory_space<semaphore_mem>>
          %dma_start3A_146 = tpu.memref_slice %arg2[%add3A_142] : memref<12582912xf32, #tpu.memory_space<hbm>> -> memref<8192xf32, #tpu.memory_space<hbm>>
          %dma_start3A_147 = tpu.memref_slice %arg2[%add3A_142] : memref<12582912xf32, #tpu.memory_space<hbm>> -> memref<8192xf32, #tpu.memory_space<hbm>>
          tpu.enqueue_dma source(%dma_start3A_147 : memref<8192xf32, #tpu.memory_space<hbm>>) target(%arg13 : memref<8192xf32, #tpu.memory_space<vmem>>) target_semaphore(%run_scoped3A : memref<!tpu.dma_semaphore, #tpu.memory_space<semaphore_mem>>)
          %dma_wait3A_148 = tpu.memref_slice %arg2[%add3A_142] : memref<12582912xf32, #tpu.memory_space<hbm>> -> memref<8192xf32, #tpu.memory_space<hbm>>
          %dma_wait3A_149 = tpu.memref_slice %arg2[%add3A_142] : memref<12582912xf32, #tpu.memory_space<hbm>> -> memref<8192xf32, #tpu.memory_space<hbm>>
          tpu.wait_dma2 semaphore(%run_scoped3A : memref<!tpu.dma_semaphore, #tpu.memory_space<semaphore_mem>>) src(%dma_wait3A_149 : memref<8192xf32, #tpu.memory_space<hbm>>) dst(%arg13 : memref<8192xf32, #tpu.memory_space<vmem>>)
          tpu.yield
        }) : () -> ()
        %mul3A_143 = arith.constant 524288 : i32
        %mul3A_144 = arith.muli %add3A_139, %mul3A_143 : i32
        %add3A_145 = arith.addi %mul3A_144, %add3A_36 : i32
        "tpu.region"() ({
          %run_scoped3A = tpu.sem_alloc : memref<!tpu.dma_semaphore, #tpu.memory_space<semaphore_mem>>
          %dma_start3A_146 = tpu.memref_slice %arg3[%add3A_145] : memref<12582912xf32, #tpu.memory_space<hbm>> -> memref<8192xf32, #tpu.memory_space<hbm>>
          %dma_start3A_147 = tpu.memref_slice %arg3[%add3A_145] : memref<12582912xf32, #tpu.memory_space<hbm>> -> memref<8192xf32, #tpu.memory_space<hbm>>
          tpu.enqueue_dma source(%dma_start3A_147 : memref<8192xf32, #tpu.memory_space<hbm>>) target(%arg15 : memref<8192xf32, #tpu.memory_space<vmem>>) target_semaphore(%run_scoped3A : memref<!tpu.dma_semaphore, #tpu.memory_space<semaphore_mem>>)
          %dma_wait3A_148 = tpu.memref_slice %arg3[%add3A_145] : memref<12582912xf32, #tpu.memory_space<hbm>> -> memref<8192xf32, #tpu.memory_space<hbm>>
          %dma_wait3A_149 = tpu.memref_slice %arg3[%add3A_145] : memref<12582912xf32, #tpu.memory_space<hbm>> -> memref<8192xf32, #tpu.memory_space<hbm>>
          tpu.wait_dma2 semaphore(%run_scoped3A : memref<!tpu.dma_semaphore, #tpu.memory_space<semaphore_mem>>) src(%dma_wait3A_149 : memref<8192xf32, #tpu.memory_space<hbm>>) dst(%arg15 : memref<8192xf32, #tpu.memory_space<vmem>>)
          tpu.yield
        }) : () -> ()
      } else {
      }
      %mul3A_99 = arith.constant 2 : i32
      %mul3A_100 = arith.muli %mul3A_99, %scan3A_63 : i32
      %add3A_101 = arith.constant 1 : i32
      %add3A_102 = arith.addi %mul3A_100, %add3A_101 : i32
      %dma_wait3A_103 = arith.constant 0 : i32
      %dma_wait3A_104 = tpu.memref_slice %arg2[%dma_wait3A_103] : memref<12582912xf32, #tpu.memory_space<hbm>> -> memref<8192xf32, #tpu.memory_space<hbm>>
      %dma_wait3A_105 = arith.constant 0 : i32
      %dma_wait3A_106 = tpu.memref_slice %arg2[%dma_wait3A_105] : memref<12582912xf32, #tpu.memory_space<hbm>> -> memref<8192xf32, #tpu.memory_space<hbm>>
      tpu.wait_dma2 semaphore(%arg28 : memref<!tpu.dma_semaphore, #tpu.memory_space<semaphore_mem>>) src(%dma_wait3A_106 : memref<8192xf32, #tpu.memory_space<hbm>>) dst(%arg20 : memref<8192xf32, #tpu.memory_space<vmem>>)
      %dma_wait3A_107 = arith.constant 0 : i32
      %dma_wait3A_108 = tpu.memref_slice %arg2[%dma_wait3A_107] : memref<12582912xf32, #tpu.memory_space<hbm>> -> memref<8192xf32, #tpu.memory_space<hbm>>
      %dma_wait3A_109 = arith.constant 0 : i32
      %dma_wait3A_110 = tpu.memref_slice %arg2[%dma_wait3A_109] : memref<12582912xf32, #tpu.memory_space<hbm>> -> memref<8192xf32, #tpu.memory_space<hbm>>
      tpu.wait_dma2 semaphore(%arg28 : memref<!tpu.dma_semaphore, #tpu.memory_space<semaphore_mem>>) src(%dma_wait3A_110 : memref<8192xf32, #tpu.memory_space<hbm>>) dst(%arg22 : memref<8192xf32, #tpu.memory_space<vmem>>)
      %dma_wait3A_111 = arith.constant 0 : i32
      %dma_wait3A_112 = tpu.memref_slice %arg2[%dma_wait3A_111] : memref<12582912xf32, #tpu.memory_space<hbm>> -> memref<8192xf32, #tpu.memory_space<hbm>>
      %dma_wait3A_113 = arith.constant 0 : i32
      %dma_wait3A_114 = tpu.memref_slice %arg2[%dma_wait3A_113] : memref<12582912xf32, #tpu.memory_space<hbm>> -> memref<8192xf32, #tpu.memory_space<hbm>>
      tpu.wait_dma2 semaphore(%arg28 : memref<!tpu.dma_semaphore, #tpu.memory_space<semaphore_mem>>) src(%dma_wait3A_114 : memref<8192xf32, #tpu.memory_space<hbm>>) dst(%arg24 : memref<8192xf32, #tpu.memory_space<vmem>>)
      %eq3A_115 = arith.constant 0 : i32
      %eq3A_116 = arith.cmpi eq, %add3A_102, %eq3A_115 : i32
      %jit3A_117 = arith.constant 33 : i32
      %jit3A_118 = arith.constant 1 : i32
      %select_n3A_119 = arith.select %eq3A_116, %jit3A_117, %jit3A_118 : i32
      %add3A_120 = arith.constant 1 : i32
      %add3A_121 = arith.addi %add3A_102, %add3A_120 : i32
      %parallel_loop3A_122 = arith.constant 0 : i32
      %parallel_loop3A_123 = arith.constant 8192 : i32
      %parallel_loop3A_124 = arith.constant 16 : i32
      scf.for %parallel_loop3A_138 = %parallel_loop3A_122 to %parallel_loop3A_123 step %parallel_loop3A_124  : i32 {
        %parallel_loop3A_139 = arith.index_cast %parallel_loop3A_138 : i32 to index
        %parallel_loop3A_140 = tpu.vector_load %arg13[%parallel_loop3A_139] {strides = array<i32>} : memref<8192xf32, #tpu.memory_space<vmem>>, vector<16xf32>,
        %parallel_loop3A_141 = vector.shape_cast %parallel_loop3A_140 : vector<16xf32> to vector<16xf32>
        %parallel_loop3A_142 = arith.subf %parallel_loop3A_141, %get3A_9 : vector<16xf32>
        %parallel_loop3A_143 = vector.broadcast %squeeze3A : f32 to vector<16xf32>
        %parallel_loop3A_144 = arith.mulf %parallel_loop3A_142, %parallel_loop3A_143 : vector<16xf32>
        %parallel_loop3A_145 = arith.fptosi %parallel_loop3A_144 : vector<16xf32> to vector<16xi32>
        %parallel_loop3A_146 = arith.constant 1 : i32
        %parallel_loop3A_147 = vector.broadcast %parallel_loop3A_146 : i32 to vector<16xi32>
        %parallel_loop3A_148 = arith.addi %parallel_loop3A_145, %parallel_loop3A_147 : vector<16xi32>
        %parallel_loop3A_149 = arith.constant 1 : i32
        %parallel_loop3A_150 = arith.constant 361 : i32
        %parallel_loop3A_151 = vector.broadcast %parallel_loop3A_149 : i32 to vector<16xi32>
        %parallel_loop3A_152 = arith.maxsi %parallel_loop3A_151, %parallel_loop3A_148 : vector<16xi32>
        %parallel_loop3A_153 = vector.broadcast %parallel_loop3A_150 : i32 to vector<16xi32>
        %parallel_loop3A_154 = arith.minsi %parallel_loop3A_153, %parallel_loop3A_152 : vector<16xi32>
        %parallel_loop3A_155 = arith.constant 368 : i32
        %parallel_loop3A_156 = arith.muli %add3A_121, %parallel_loop3A_155 : i32
        %parallel_loop3A_157 = vector.broadcast %parallel_loop3A_156 : i32 to vector<16xi32>
        %parallel_loop3A_158 = arith.addi %parallel_loop3A_154, %parallel_loop3A_157 : vector<16xi32>
        %parallel_loop3A_159 = arith.index_cast %parallel_loop3A_138 : i32 to index
        %parallel_loop3A_160 = tpu.vector_load %arg17[%parallel_loop3A_159] {strides = array<i32>} : memref<8192xi32, #tpu.memory_space<vmem>>, vector<16xi32>,
        %parallel_loop3A_161 = vector.shape_cast %parallel_loop3A_160 : vector<16xi32> to vector<16xi32>
        %parallel_loop3A_162 = vector.shape_cast %parallel_loop3A_158 : vector<16xi32> to vector<16xi32>
        tpu.vector_store %arg17[%parallel_loop3A_159], %parallel_loop3A_162 {strides = array<i32>} : memref<8192xi32, #tpu.memory_space<vmem>>, vector<16xi32>,
      } {sc.loop_unroll_factor = 4 : i64, sc.parallel_access}
      %lt3A_125 = arith.constant 19 : i32
      %lt3A_126 = arith.cmpi slt, %add3A_102, %lt3A_125 : i32
      %convert_element_type3A_127 = arith.extui %lt3A_126 : i1 to i32
      %cond3A_128 = arith.constant 0 : i32
      %cond3A_129 = arith.cmpi ne, %convert_element_type3A_127, %cond3A_128 : i32
      scf.if %cond3A_129 {
        %dma_start3A_138 = arith.constant 0 : i32
        %dma_start3A_139 = tpu.memref_slice %arg10[%dma_start3A_138] : memref<7360xf32, #tpu.memory_space<vmem_shared>> -> memref<7360xf32, #tpu.memory_space<vmem_shared>>
        tpu.enqueue_indirect_dma source(%dma_start3A_139 : memref<7360xf32, #tpu.memory_space<vmem_shared>>) target(%arg19 : memref<8192xf32, #tpu.memory_space<vmem>>) offsets(%arg17 : memref<8192xi32, #tpu.memory_space<vmem>>) semaphore(%arg27 : memref<!tpu.dma_semaphore, #tpu.memory_space<semaphore_mem>>)
        %dma_start3A_140 = arith.constant 0 : i32
        %dma_start3A_141 = tpu.memref_slice %arg11[%dma_start3A_140] : memref<7360xf32, #tpu.memory_space<vmem_shared>> -> memref<7360xf32, #tpu.memory_space<vmem_shared>>
        tpu.enqueue_indirect_dma source(%dma_start3A_141 : memref<7360xf32, #tpu.memory_space<vmem_shared>>) target(%arg21 : memref<8192xf32, #tpu.memory_space<vmem>>) offsets(%arg17 : memref<8192xi32, #tpu.memory_space<vmem>>) semaphore(%arg27 : memref<!tpu.dma_semaphore, #tpu.memory_space<semaphore_mem>>)
        %dma_start3A_142 = arith.constant 0 : i32
        %dma_start3A_143 = tpu.memref_slice %arg12[%dma_start3A_142] : memref<7360xf32, #tpu.memory_space<vmem_shared>> -> memref<7360xf32, #tpu.memory_space<vmem_shared>>
        tpu.enqueue_indirect_dma source(%dma_start3A_143 : memref<7360xf32, #tpu.memory_space<vmem_shared>>) target(%arg23 : memref<8192xf32, #tpu.memory_space<vmem>>) offsets(%arg17 : memref<8192xi32, #tpu.memory_space<vmem>>) semaphore(%arg27 : memref<!tpu.dma_semaphore, #tpu.memory_space<semaphore_mem>>)
      } else {
      }
      %parallel_loop3A_130 = arith.constant 0 : i32
      %parallel_loop3A_131 = arith.constant 8192 : i32
      %parallel_loop3A_132 = arith.constant 16 : i32
      scf.for %parallel_loop3A_138 = %parallel_loop3A_130 to %parallel_loop3A_131 step %parallel_loop3A_132  : i32 {
        %parallel_loop3A_139 = arith.index_cast %parallel_loop3A_138 : i32 to index
        %parallel_loop3A_140 = tpu.vector_load %arg14[%parallel_loop3A_139] {strides = array<i32>} : memref<8192xf32, #tpu.memory_space<vmem>>, vector<16xf32>,
        %parallel_loop3A_141 = vector.shape_cast %parallel_loop3A_140 : vector<16xf32> to vector<16xf32>
        %parallel_loop3A_142 = arith.index_cast %parallel_loop3A_138 : i32 to index
        %parallel_loop3A_143 = tpu.vector_load %arg16[%parallel_loop3A_142] {strides = array<i32>} : memref<8192xf32, #tpu.memory_space<vmem>>, vector<16xf32>,
        %parallel_loop3A_144 = vector.shape_cast %parallel_loop3A_143 : vector<16xf32> to vector<16xf32>
        %parallel_loop3A_145 = arith.index_cast %parallel_loop3A_138 : i32 to index
        %parallel_loop3A_146 = tpu.vector_load %arg22[%parallel_loop3A_145] {strides = array<i32>} : memref<8192xf32, #tpu.memory_space<vmem>>, vector<16xf32>,
        %parallel_loop3A_147 = vector.shape_cast %parallel_loop3A_146 : vector<16xf32> to vector<16xf32>
        %parallel_loop3A_148 = arith.index_cast %parallel_loop3A_138 : i32 to index
        %parallel_loop3A_149 = tpu.vector_load %arg24[%parallel_loop3A_148] {strides = array<i32>} : memref<8192xf32, #tpu.memory_space<vmem>>, vector<16xf32>,
        %parallel_loop3A_150 = vector.shape_cast %parallel_loop3A_149 : vector<16xf32> to vector<16xf32>
        %parallel_loop3A_151 = arith.index_cast %parallel_loop3A_138 : i32 to index
        %parallel_loop3A_152 = tpu.vector_load %arg20[%parallel_loop3A_151] {strides = array<i32>} : memref<8192xf32, #tpu.memory_space<vmem>>, vector<16xf32>,
        %parallel_loop3A_153 = vector.shape_cast %parallel_loop3A_152 : vector<16xf32> to vector<16xf32>
        %parallel_loop3A_154 = arith.subf %parallel_loop3A_141, %parallel_loop3A_153 : vector<16xf32>
        %parallel_loop3A_155 = arith.mulf %parallel_loop3A_150, %parallel_loop3A_154 : vector<16xf32>
        %parallel_loop3A_156 = arith.addf %parallel_loop3A_147, %parallel_loop3A_155 : vector<16xf32>
        %parallel_loop3A_157 = arith.mulf %parallel_loop3A_156, %parallel_loop3A_156 : vector<16xf32>
        %parallel_loop3A_158 = arith.subf %parallel_loop3A_157, %parallel_loop3A_144 : vector<16xf32>
        %parallel_loop3A_159 = tpu.bitcast %parallel_loop3A_158 : vector<16xf32> -> vector<16xi32>
        %parallel_loop3A_160 = arith.constant 9.000000e+00 : f32
        %parallel_loop3A_161 = vector.broadcast %parallel_loop3A_160 : f32 to vector<16xf32>
        %parallel_loop3A_162 = arith.subf %parallel_loop3A_144, %parallel_loop3A_161 : vector<16xf32>
        %parallel_loop3A_163 = tpu.bitcast %parallel_loop3A_162 : vector<16xf32> -> vector<16xi32>
        %parallel_loop3A_164 = arith.ori %parallel_loop3A_159, %parallel_loop3A_163 : vector<16xi32>
        %parallel_loop3A_165 = arith.constant 31 : i32
        %parallel_loop3A_166 = vector.broadcast %parallel_loop3A_165 : i32 to vector<16xi32>
        %parallel_loop3A_167 = arith.shrui %parallel_loop3A_164, %parallel_loop3A_166 : vector<16xi32>
        %parallel_loop3A_168 = arith.index_cast %parallel_loop3A_138 : i32 to index
        %parallel_loop3A_169 = tpu.vector_load %arg25[%parallel_loop3A_168] {strides = array<i32>} : memref<8192xi32, #tpu.memory_space<vmem>>, vector<16xi32>,
        %parallel_loop3A_170 = vector.shape_cast %parallel_loop3A_169 : vector<16xi32> to vector<16xi32>
        %parallel_loop3A_171 = vector.broadcast %select_n3A_119 : i32 to vector<16xi32>
        %parallel_loop3A_172 = arith.muli %parallel_loop3A_167, %parallel_loop3A_171 : vector<16xi32>
        %parallel_loop3A_173 = arith.addi %parallel_loop3A_170, %parallel_loop3A_172 : vector<16xi32>
        %parallel_loop3A_174 = arith.index_cast %parallel_loop3A_138 : i32 to index
        %parallel_loop3A_175 = tpu.vector_load %arg25[%parallel_loop3A_174] {strides = array<i32>} : memref<8192xi32, #tpu.memory_space<vmem>>, vector<16xi32>,
        %parallel_loop3A_176 = vector.shape_cast %parallel_loop3A_175 : vector<16xi32> to vector<16xi32>
        %parallel_loop3A_177 = vector.shape_cast %parallel_loop3A_173 : vector<16xi32> to vector<16xi32>
        tpu.vector_store %arg25[%parallel_loop3A_174], %parallel_loop3A_177 {strides = array<i32>} : memref<8192xi32, #tpu.memory_space<vmem>>, vector<16xi32>,
      } {sc.loop_unroll_factor = 4 : i64, sc.parallel_access}
      %lt3A_133 = arith.constant 18 : i32
      %lt3A_134 = arith.cmpi slt, %add3A_102, %lt3A_133 : i32
      %convert_element_type3A_135 = arith.extui %lt3A_134 : i1 to i32
      %cond3A_136 = arith.constant 0 : i32
      %cond3A_137 = arith.cmpi ne, %convert_element_type3A_135, %cond3A_136 : i32
      scf.if %cond3A_137 {
        %add3A_138 = arith.constant 2 : i32
        %add3A_139 = arith.addi %add3A_102, %add3A_138 : i32
        %mul3A_140 = arith.constant 524288 : i32
        %mul3A_141 = arith.muli %add3A_139, %mul3A_140 : i32
        %add3A_142 = arith.addi %mul3A_141, %add3A_36 : i32
        "tpu.region"() ({
          %run_scoped3A = tpu.sem_alloc : memref<!tpu.dma_semaphore, #tpu.memory_space<semaphore_mem>>
          %dma_start3A_146 = tpu.memref_slice %arg2[%add3A_142] : memref<12582912xf32, #tpu.memory_space<hbm>> -> memref<8192xf32, #tpu.memory_space<hbm>>
          %dma_start3A_147 = tpu.memref_slice %arg2[%add3A_142] : memref<12582912xf32, #tpu.memory_space<hbm>> -> memref<8192xf32, #tpu.memory_space<hbm>>
          tpu.enqueue_dma source(%dma_start3A_147 : memref<8192xf32, #tpu.memory_space<hbm>>) target(%arg14 : memref<8192xf32, #tpu.memory_space<vmem>>) target_semaphore(%run_scoped3A : memref<!tpu.dma_semaphore, #tpu.memory_space<semaphore_mem>>)
          %dma_wait3A_148 = tpu.memref_slice %arg2[%add3A_142] : memref<12582912xf32, #tpu.memory_space<hbm>> -> memref<8192xf32, #tpu.memory_space<hbm>>
          %dma_wait3A_149 = tpu.memref_slice %arg2[%add3A_142] : memref<12582912xf32, #tpu.memory_space<hbm>> -> memref<8192xf32, #tpu.memory_space<hbm>>
          tpu.wait_dma2 semaphore(%run_scoped3A : memref<!tpu.dma_semaphore, #tpu.memory_space<semaphore_mem>>) src(%dma_wait3A_149 : memref<8192xf32, #tpu.memory_space<hbm>>) dst(%arg14 : memref<8192xf32, #tpu.memory_space<vmem>>)
          tpu.yield
        }) : () -> ()
        %mul3A_143 = arith.constant 524288 : i32
        %mul3A_144 = arith.muli %add3A_139, %mul3A_143 : i32
        %add3A_145 = arith.addi %mul3A_144, %add3A_36 : i32
        "tpu.region"() ({
          %run_scoped3A = tpu.sem_alloc : memref<!tpu.dma_semaphore, #tpu.memory_space<semaphore_mem>>
          %dma_start3A_146 = tpu.memref_slice %arg3[%add3A_145] : memref<12582912xf32, #tpu.memory_space<hbm>> -> memref<8192xf32, #tpu.memory_space<hbm>>
          %dma_start3A_147 = tpu.memref_slice %arg3[%add3A_145] : memref<12582912xf32, #tpu.memory_space<hbm>> -> memref<8192xf32, #tpu.memory_space<hbm>>
          tpu.enqueue_dma source(%dma_start3A_147 : memref<8192xf32, #tpu.memory_space<hbm>>) target(%arg16 : memref<8192xf32, #tpu.memory_space<vmem>>) target_semaphore(%run_scoped3A : memref<!tpu.dma_semaphore, #tpu.memory_space<semaphore_mem>>)
          %dma_wait3A_148 = tpu.memref_slice %arg3[%add3A_145] : memref<12582912xf32, #tpu.memory_space<hbm>> -> memref<8192xf32, #tpu.memory_space<hbm>>
          %dma_wait3A_149 = tpu.memref_slice %arg3[%add3A_145] : memref<12582912xf32, #tpu.memory_space<hbm>> -> memref<8192xf32, #tpu.memory_space<hbm>>
          tpu.wait_dma2 semaphore(%run_scoped3A : memref<!tpu.dma_semaphore, #tpu.memory_space<semaphore_mem>>) src(%dma_wait3A_149 : memref<8192xf32, #tpu.memory_space<hbm>>) dst(%arg16 : memref<8192xf32, #tpu.memory_space<vmem>>)
          tpu.yield
        }) : () -> ()
      } else {
      }
    }
    %scan3A_62 = arith.constant 10 : i32
    "tpu.region"() ({
      %run_scoped3A = tpu.sem_alloc : memref<!tpu.dma_semaphore, #tpu.memory_space<semaphore_mem>>
      %dma_start3A_63 = tpu.memref_slice %arg9[%add3A_36] : memref<524288xi32, #tpu.memory_space<hbm>> -> memref<8192xi32, #tpu.memory_space<hbm>>
      %dma_start3A_64 = tpu.memref_slice %arg9[%add3A_36] : memref<524288xi32, #tpu.memory_space<hbm>> -> memref<8192xi32, #tpu.memory_space<hbm>>
      tpu.enqueue_dma source(%arg25 : memref<8192xi32, #tpu.memory_space<vmem>>) target(%dma_start3A_64 : memref<8192xi32, #tpu.memory_space<hbm>>) target_semaphore(%run_scoped3A : memref<!tpu.dma_semaphore, #tpu.memory_space<semaphore_mem>>)
      %dma_wait3A = tpu.memref_slice %arg9[%add3A_36] : memref<524288xi32, #tpu.memory_space<hbm>> -> memref<8192xi32, #tpu.memory_space<hbm>>
      %dma_wait3A_65 = tpu.memref_slice %arg9[%add3A_36] : memref<524288xi32, #tpu.memory_space<hbm>> -> memref<8192xi32, #tpu.memory_space<hbm>>
      tpu.wait_dma2 semaphore(%run_scoped3A : memref<!tpu.dma_semaphore, #tpu.memory_space<semaphore_mem>>) src(%arg25 : memref<8192xi32, #tpu.memory_space<vmem>>) dst(%dma_wait3A_65 : memref<8192xi32, #tpu.memory_space<hbm>>)
      tpu.yield
    }) : () -> ()
    return
  }
}

module attributes {stable_mosaic.version = 14 : i64} {
  func.func @_tc_body(%arg0: i32, %arg1: memref<72x4xf32, #tpu.memory_space<vmem>>, %arg2: memref<4x2048xf32, #tpu.memory_space<vmem>>, %arg3: memref<24x2048xf32, #tpu.memory_space<vmem>>, %arg4: memref<24x2048xf32, #tpu.memory_space<vmem>>) attributes {dimension_semantics = [#tpu.dimension_semantics<arbitrary>], iteration_bounds = array<i64: 256>, scalar_prefetch = 0 : i64, scratch_operands = 0 : i64, tpu.core_type = #tpu.core_type<tc>, window_params = [{pipeline_mode = #tpu.pipeline_mode<synchronous>, transform_indices = @transform_0, window_bounds = array<i64: 72, 4>}, {transform_indices = @transform_1, window_bounds = array<i64: 4, 2048>}, {transform_indices = @transform_2, window_bounds = array<i64: 24, 2048>}, {transform_indices = @transform_3, window_bounds = array<i64: 24, 2048>}]} {
    %get3A = arith.constant 0 : index
    %get3A_0 = arith.constant 0 : index
    %get3A_1 = vector.load %arg1[%get3A, %get3A_0] : memref<72x4xf32, #tpu.memory_space<vmem>>, vector<72x4xf32>
    %get3A_2 = arith.constant 0 : index
    %get3A_3 = arith.constant 0 : index
    %get3A_4 = vector.load %arg2[%get3A_2, %get3A_3] : memref<4x2048xf32, #tpu.memory_space<vmem>>, vector<4x2048xf32>
    %dot_general3A = arith.constant dense<0.000000e+00> : vector<72x2048xf32>
    %dot_general3A_5 = tpu.matmul %get3A_1, %get3A_4, %dot_general3A {dimension_numbers = #tpu.dot_dimension_numbers<[1], [0], [0], [1], [0, 0, 1, 1], [], []>, transpose_lhs_hint = false} : vector<72x4xf32>, vector<4x2048xf32>, vector<72x2048xf32> -> vector<72x2048xf32>
    %slice3A = vector.extract_strided_slice %dot_general3A_5 {offsets = [0, 0], sizes = [24, 2048], strides = [1, 1]} : vector<72x2048xf32> to vector<24x2048xf32>
    %slice3A_6 = vector.extract_strided_slice %dot_general3A_5 {offsets = [24, 0], sizes = [24, 2048], strides = [1, 1]} : vector<72x2048xf32> to vector<24x2048xf32>
    %slice3A_7 = vector.extract_strided_slice %dot_general3A_5 {offsets = [48, 0], sizes = [24, 2048], strides = [1, 1]} : vector<72x2048xf32> to vector<24x2048xf32>
    %atan23A = math.atan2 %slice3A_6, %slice3A : vector<24x2048xf32>
    %swap3A = arith.constant 0 : index
    %swap3A_8 = arith.constant 0 : index
    %swap3A_9 = vector.load %arg3[%swap3A, %swap3A_8] : memref<24x2048xf32, #tpu.memory_space<vmem>>, vector<24x2048xf32>
    tpu.vector_store %arg3[%swap3A, %swap3A_8], %atan23A {strides = array<i32>} : memref<24x2048xf32, #tpu.memory_space<vmem>>, vector<24x2048xf32>,
    %mul3A = arith.mulf %slice3A, %slice3A : vector<24x2048xf32>
    %mul3A_10 = arith.mulf %slice3A_6, %slice3A_6 : vector<24x2048xf32>
    %add3A = arith.addf %mul3A, %mul3A_10 : vector<24x2048xf32>
    %mul3A_11 = arith.mulf %slice3A_7, %slice3A_7 : vector<24x2048xf32>
    %add3A_12 = arith.addf %add3A, %mul3A_11 : vector<24x2048xf32>
    %add3A_13 = arith.constant 1.000000e+00 : f32
    %add3A_14 = vector.broadcast %add3A_13 : f32 to vector<24x2048xf32>
    %add3A_15 = arith.addf %add3A_12, %add3A_14 : vector<24x2048xf32>
    %swap3A_16 = arith.constant 0 : index
    %swap3A_17 = arith.constant 0 : index
    %swap3A_18 = vector.load %arg4[%swap3A_16, %swap3A_17] : memref<24x2048xf32, #tpu.memory_space<vmem>>, vector<24x2048xf32>
    tpu.vector_store %arg4[%swap3A_16, %swap3A_17], %add3A_15 {strides = array<i32>} : memref<24x2048xf32, #tpu.memory_space<vmem>>, vector<24x2048xf32>,
    return
  }
  func.func @transform_0(%arg0: i32) -> (i32, i32) {
    %c0_i32 = arith.constant 0 : i32
    %c0_i32_0 = arith.constant 0 : i32
    %c0_i32_1 = arith.constant 0 : i32
    return %c0_i32, %c0_i32_0 : i32, i32
  }
  func.func @transform_1(%arg0: i32) -> (i32, i32) {
    %c0_i32 = arith.constant 0 : i32
    %c0_i32_0 = arith.constant 0 : i32
    return %c0_i32, %arg0 : i32, i32
  }
  func.func @transform_2(%arg0: i32) -> (i32, i32) {
    %c0_i32 = arith.constant 0 : i32
    %c0_i32_0 = arith.constant 0 : i32
    return %c0_i32, %arg0 : i32, i32
  }
  func.func @transform_3(%arg0: i32) -> (i32, i32) {
    %c0_i32 = arith.constant 0 : i32
    %c0_i32_0 = arith.constant 0 : i32
    return %c0_i32, %arg0 : i32, i32
  }
}

</mosaic_0001>

<sc_bundles>
// kernel: kernel.4.cloned.1.call-start
scs
__scs_entry_jumppad:
0x0: {  	(pc) =	sbr.rel $0x88, $3  }
0x1: {  	(tag) =	ssettag $0x0;
	lr =	simm.s32 $0x1  }
0x2: {  	[smem:$0x3F9E] =	sst lr;
	_ =	strace $0xD0000000  }
0x3: {  	_ = 	snop  }
0x4: {  	_ = 	snop  }
0x5: {  	_ = 	snop  }
0x6: {  	_ = 	snop  }
0x7: {  	_ = 	snop  }
__scs_overlays_trampoline_lowered:
0x8: {  	[smem:$0x3FAD] =	sst s0  }
0x9: {  	[smem:$0x3FAE] =	sst s1  }
0xa: {  	[smem:$0x3FAF] =	sst s2  }
0xb: {  	[smem:$0x3FB0] =	sst s3  }
0xc: {  	[smem:$0x3FB1] =	sst s4  }
0xd: {  	[smem:$0x3FB2] =	sst s5  }
0xe: {  	[smem:$0x3FB3] =	sst s6  }
0xf: {  	[smem:$0x3FB4] =	sst s7  }
0x10: {  	[smem:$0x3FB5] =	sst s8  }
0x11: {  	[smem:$0x3FB6] =	sst s9;
	s0 =	simm.s32 @!p0 $0x0  }
0x12: {  	s1 =	sld [smem:$0x3F9C];
	s0 =	simm.s32 @p0 $0x1  }
0x13: {  	[smem:$0x3FB7] =	sst s0;
	s0 =	simm.s32 @!p1 $0x0  }
0x14: {  	s2 =	sld [smem:$0x3F9B];
	s0 =	simm.s32 @p1 $0x1  }
0x15: {  	[smem:$0x3FB8] =	sst s0;
	s0 =	simm.s32 @!p2 $0x0  }
0x16: {  	s3 =	sld [smem:$0x3FDB];
	s0 =	simm.s32 @p2 $0x1  }
0x17: {  	s4 =	simm.s32 $0x1BF5;
	[smem:$0x3FBA] =	sst s0  }
0x18: {  	s0 =	sld [smem:$0x3F9D];
	_ =	swait.ge [sflag:s4], $0x0  }
0x19: {  	s7 =	sld [smem:$0x3F9E]  }
0x1a: {  	s8 =	sadd.s32 $0xFFFFE003, lr  }
0x1b: {  	s9 =	sadd.s32 $0xFFFFFEF7, lr;
	s5 =	simm.s32 $0xFFFFFFFF;
	p2 =	slt.u32 s8, $0xFFFFF086  }
0x1c: {  	p1 =	slt.u32 s9, $0xF7A;
	s5 =	simm.s32 @!p2 $0x0  }
0x1d: {  	s5 =	simm.s32 @p1 $0x1;
	p0 =	seq.s32 s7, s2  }
0x1e: {  	s7 =	smul.u32 @!p0 $0xF7A, s2;
	p2 =	seq.s32 @!p0 s5, $0x0  }
0x1f: {  	s9 =	smul.u32 $0xF7A, s1;
	s8 =	simm.s32 @!p0 $0x1BF5;
	p2 =	por !p2, p0  }
0x20: {  	[sflag:s8] =	ssyncset.s32 @!p0 $0xFFFFF086;
	s6 =	sadd.s32 @!p0 s3, s7;
	s7 =	simm.s32 @!p0 $0x108  }
0x21: {  	s3 =	sadd.s32 s3, s9;
	s6 =	sadd.s32 @!p0 $0x88, s6;
	s7 =	simm.s32 @p2 $0x1082  }
0x22: {  	[simem:s7], [sflag:s8] =	dma.local @!p0 [hbm:s6], $0xF7A  }
0x23: {  	s9 =	sor.u32 $0xD0000000, s2;
	s6 =	simm.s32 $0x108;
	_ =	swait.ge @!p0 [sflag:s8], $0x0  }
0x24: {  	s3 =	sadd.s32 $0x88, s3;
	s6 =	simm.s32 @!p1 $0x1082;
	[sflag:s4] =	ssyncset.s32 $0xFFFFF086  }
0x25: {  	[simem:s6], [sflag:s4] =	dma.local [hbm:s3], $0xF7A  }
0x26: {  	[smem:$0x3F9E] =	sst s1;
	(tag) =	ssettag s2;
	_ =	strace s9  }
0x27: {  	s1 =	sld [smem:$0x3FAE]  }
0x28: {  	s2 =	sld [smem:$0x3FAF]  }
0x29: {  	s4 =	sld [smem:$0x3FB1]  }
0x2a: {  	p0 =	seq.s32 s5, $0x0;
	s5 =	sld [smem:$0x3FB2]  }
0x2b: {  	s6 =	sld [smem:$0x3FB3]  }
0x2c: {  	s7 =	sld [smem:$0x3FB4]  }
0x2d: {  	s3 =	simm.s32 $0x108;
	s8 =	sld [smem:$0x3FB5]  }
0x2e: {  	s3 =	simm.s32 @!p0 $0x1082;
	s9 =	sld [smem:$0x3FB6]  }
0x2f: {  	lr =	sadd.s32 s0, s3;
	s0 =	sld [smem:$0x3FAD]  }
0x30: {  	s3 =	sld [smem:$0x3FB0]  }
0x31: {  	[smem:$0x3FB9] =	sst s10  }
0x32: {  	s10 =	sld [smem:$0x3FB7];
	_ =	sdelay $0x3  }
0x33: {  	p0 =	seq.s32 s10, $0x1;
	s10 =	sld [smem:$0x3FB9];
	_ =	sdelay $0x3  }
0x34: {  	[smem:$0x3FB9] =	sst s10  }
0x35: {  	s10 =	sld [smem:$0x3FB8];
	_ =	sdelay $0x3  }
0x36: {  	p1 =	seq.s32 s10, $0x1;
	s10 =	sld [smem:$0x3FB9];
	_ =	sdelay $0x3  }
0x37: {  	[smem:$0x3FB9] =	sst s10  }
0x38: {  	s10 =	sld [smem:$0x3FBA]  }
0x39: {  	_ = 	snop;
	(pc) =	sbr.ind lr, $3  }
0x3a: {  	_ = 	snop  }
0x3b: {  	_ = 	snop  }
0x3c: {  	p2 =	seq.s32 s10, $0x1;
	s10 =	sld [smem:$0x3FB9]  }
0x3d: {  	_ =	shalt  }
0x3e: {  	_ =	shalt  }
0x3f: {  	_ =	shalt  }
0x40: {  	_ =	shalt  }
0x41: {  	_ =	shalt  }
0x42: {  	_ =	shalt  }
0x43: {  	_ =	shalt  }
0x44: {  	_ =	shalt  }
0x45: {  	_ =	shalt  }
0x46: {  	_ =	shalt  }
0x47: {  	_ =	shalt  }
0x48: {  	_ =	shalt  }
0x49: {  	_ =	shalt  }
0x4a: {  	_ =	shalt  }
0x4b: {  	_ =	shalt  }
0x4c: {  	_ =	shalt  }
0x4d: {  	_ =	shalt  }
0x4e: {  	_ =	shalt  }
0x4f: {  	_ =	shalt  }
0x50: {  	_ =	shalt  }
0x51: {  	_ =	shalt  }
0x52: {  	_ =	shalt  }
0x53: {  	_ =	shalt  }
0x54: {  	_ =	shalt  }
0x55: {  	_ =	shalt  }
0x56: {  	_ =	shalt  }
0x57: {  	_ =	shalt  }
0x58: {  	_ =	shalt  }
0x59: {  	_ =	shalt  }
0x5a: {  	_ =	shalt  }
0x5b: {  	_ =	shalt  }
0x5c: {  	_ =	shalt  }
0x5d: {  	_ =	shalt  }
0x5e: {  	_ =	shalt  }
0x5f: {  	_ =	shalt  }
0x60: {  	_ =	shalt  }
0x61: {  	_ =	shalt  }
0x62: {  	_ =	shalt  }
0x63: {  	_ =	shalt  }
0x64: {  	_ =	shalt  }
0x65: {  	_ =	shalt  }
0x66: {  	_ =	shalt  }
0x67: {  	_ =	shalt  }
0x68: {  	_ =	shalt  }
0x69: {  	_ =	shalt  }
0x6a: {  	_ =	shalt  }
0x6b: {  	_ =	shalt  }
0x6c: {  	_ =	shalt  }
0x6d: {  	_ =	shalt  }
0x6e: {  	_ =	shalt  }
0x6f: {  	_ =	shalt  }
0x70: {  	_ =	shalt  }
0x71: {  	_ =	shalt  }
0x72: {  	_ =	shalt  }
0x73: {  	_ =	shalt  }
0x74: {  	_ =	shalt  }
0x75: {  	_ =	shalt  }
0x76: {  	_ =	shalt  }
0x77: {  	_ =	shalt  }
0x78: {  	_ =	shalt  }
0x79: {  	_ =	shalt  }
0x7a: {  	_ =	shalt  }
0x7b: {  	_ =	shalt  }
0x7c: {  	_ =	shalt  }
0x7d: {  	_ =	shalt  }
0x7e: {  	_ =	shalt  }
0x7f: {  	_ =	shalt  }
0x80: {  	_ =	shalt  }
0x81: {  	_ =	shalt  }
0x82: {  	_ =	shalt  }
0x83: {  	_ =	shalt  }
0x84: {  	_ =	shalt  }
0x85: {  	_ =	shalt  }
0x86: {  	_ =	shalt  }
0x87: {  	_ =	shalt  }
.Lfunc_end0:
.L_simem_size_0:
called_computation.2_lowered:
.L_overlay_start_0:
0x88: {  	s2 =	sld [smem:$0x3FD9]  }
0x89: {  	s3 =	sld [smem:$0x3FFE];
	_ =	sdelay $0x1  }
0x8a: {  	s1 =	srdreg.scid  }
0x8b: {  	s0 =	sand.u32 $0x1, s1  }
0x8c: {  	s14 =	sshll.u32 s0, $0xA;
	s2 =	sadd.s32 s3, s2  }
0x8d: {  	s2 =	sadd.s32 s2, s14  }
0x8e: {  	[smem:$0x3FC5] =	sst s2  }
0x8f: {  	_ = 	snop  }
0x90: {  	s2 =	sld [smem:$0x3FD0];
	_ =	sdelay $0x2  }
0x91: {  	s15 =	simm.s32 $0xB;
	s4 =	simm.s32 $0x10  }
0x92: {  	[smem:s4], [sflag:s15] =	dma.local [hbm:s2], $0x1  }
0x93: {  	_ =	swait.eq [sflag:s15], $0x1  }
0x94: {  	[sflag:s15] =	ssyncset.done $0x0  }
0x95: {  	s16 =	sld [smem:$0x10];
	[sflag:s15] =	ssyncadd.s32 $0xFFFFFFFF  }
0x96: {  	s17 =	sld [smem:$0x11];
	(tm) =	ssettm $0x1  }
0x97: {  	s18 =	sld [smem:$0x3FFB];
	_ =	sdelay $0x3  }
0x98: {  	_ =	strace s18  }
0x99: {  	s4 =	sld [smem:$0x3FFC];
	_ =	sdelay $0x3  }
0x9a: {  	_ =	strace s4  }
0x9b: {  	s4 =	sld [smem:$0x3FFD];
	_ =	sdelay $0x3  }
0x9c: {  	_ =	strace s4  }
0x9d: {  	_ =	strace $0x8FFFFFFF  }
0x9e: {  	s19 =	sld [smem:$0x3FDB];
	_ =	sdelay $0x1  }
0x9f: {  	s5 =	simm.s32 $_scs_section_size  }
0xa0: {  	s6 =	simm.s32 $_size__tile_overlayer_lowered;
	s7 =	simm.s32 $_tile_overlayer_lowered  }
0xa1: {  	s22 =	simm.s32 $0x1BFF;
	s21 =	sshll.u32 s7, $0x1;
	s4 =	sadd.s32 s5, s19  }
0xa2: {  	s8 =	simm.s32 $0x0;
	s20 =	sshll.u32 s6, $0x1;
	s6 =	sadd.s32 s21, s4  }
0xa3: {  	[timem:s8], [sflag:s22] =	dma.local [hbm:s6], s20  }
0xa4: {  	_ =	swait.ge [sflag:s22], s20  }
0xa5: {  	s5 =	ssub.s32 $0x0, s20;
	[sflag:s22] =	ssyncset.done $0x0  }
0xa6: {  	[sflag:s22] =	ssyncadd.s32 s5;
	_ =	sdelay $0x1  }
0xa7: {  	s23 =	simm.s32 $0x1B8B  }
0xa8: {  	_ =	swait.ge [sflag:s23], $0x1  }
0xa9: {  	[sflag:s23] =	ssyncset.done $0x0  }
0xaa: {  	s25 =	simm.s32 $0x1B8E;
	s24 =	sld [smem:$0x3FFE];
	[sflag:s23] =	ssyncadd.s32 $0xFFFFFFFF  }
0xab: {  	s26 =	simm.s32 $execute0_lowered;
	[smem:$0x3FD2] =	sst s25  }
0xac: {  	s6 =	sshll.u32 s26, $0x1;
	_ =	strace $0x8000004C;
	[dreg:$0x1] =	wrdreg $0xFFFFFFFF  }
0xad: {  	s28 =	simm.s32 $_size_execute0_lowered;
	s4 =	sadd.s32 s4, s6;
	[dreg:$0x0] =	wrdreg $0x0  }
0xae: {  	s6 =	sshll.u32 s28, $0x1;
	[dreg:$0x2] =	wrdreg s4  }
0xaf: {  	[dreg:$0x3] =	wrdreg s6  }
0xb0: {  	[dreg:$0x4] =	wrdreg $0xC0  }
0xb1: {  	_ =	task [dreg:s8], $0x5FFFF  }
0xb2: {  	[dreg:$0x1] =	wrdreg $0xFFFFFFFF  }
0xb3: {  	[dreg:$0x0] =	wrdreg $0x60  }
0xb4: {  	[dreg:$0x2] =	wrdreg s24  }
0xb5: {  	[dreg:$0x3] =	wrdreg s16  }
0xb6: {  	[dreg:$0x4] =	wrdreg s17  }
0xb7: {  	[dreg:$0x5] =	wrdreg $0x0  }
0xb8: {  	[dreg:$0x6] =	wrdreg $0x1D00  }
0xb9: {  	[dreg:$0x7] =	wrdreg $0x3A00  }
0xba: {  	[dreg:$0x8] =	wrdreg $0x9  }
0xbb: {  	_ =	task.clear_ibuf [dreg:s8], $0x9FFFF;
	_ =	strace $0x9000004C  }
0xbc: {  	s29 =	simm.s32 $0x9;
	_ =	strace $0x8000004E  }
0xbd: {  	_ =	swait.ge [sflag:s29], $0x1  }
0xbe: {  	[sflag:s29] =	ssyncadd.s32 $0xFFFFFFFF  }
0xbf: {  	_ =	strace $0x9000004E  }
0xc0: {  	_ =	sfence  }
0xc1: {  	s30 =	sld [smem:$0x0];
	_ =	sdelay $0x2  }
0xc2: {  	s31 =	sshll.u32 s1, $0xD;
	s1 =	sshrl.u32 s1, $0x2  }
0xc3: {  	s3 =	sand.u32 $0x4000, s31;
	s1 =	sadd.s32 s1, s30  }
0xc4: {  	s0 =	sor.u32 s3, s0;
	s1 =	sshll.u32 s1, $0x11  }
0xc5: {  	s0 =	sor.u32 s1, s0  }
0xc6: {  	s0 =	sadd.s32 $0x8F2B, s0  }
0xc7: {  	[sflag:s0] =	ssyncadd.remote.s32 $0x1  }
0xc8: {  	_ =	sfence.sel $0xFFFF  }
0xc9: {  	[dreg:$0x0] =	wrdreg $0xFFFFFFFF;
	(pc) =	sbr.abs _section_cstart, $3  }
0xca: {  	[dreg:$0x1] =	wrdreg $0xFFFFFFFF  }
0xcb: {  	_ =	task.clear_ibuf [dreg:s8], $0x2FFFF;
	_ =	strace $0x9FFFFFFF  }
0xcc: {  	(tm) =	ssettm $0x7FFFFFFF  }
0xcd: {  	_ =	shalt  }
tec
execute0_lowered:
.L_overlay_start_1:
0x0: {  	(tag) =	ssettag $0x1  }
0x1: {  	s0 =	rddreg [dreg:$0x0]  }
0x2: {  	s3 =	rddreg [dreg:$0x3]  }
0x3: {  	s4 =	rddreg [dreg:$0x4]  }
0x4: {  	s5 =	rddreg [dreg:$0x5];
	s6 =	simm.s32 $0x0;
	s1 =	srdreg.scid  }
0x5: {  	s2 =	stileid.u32;
	s29 =	simm.s32 $0x3;
	s31 =	simm.s32 $0x2570  }
0x6: {  	s28 =	simm.s32 $0xE570;
	s30 =	simm.s32 $0x12570;
	[smem:$0x7FF] =	sst s6  }
0x7: {  	s7 =	sadd.s32 $0x301400, s0;
	s8 =	sadd.s32 $0x481400, s0;
	s1 =	sand.u32 $0x1, s1  }
0x8: {  	s9 =	sadd.s32 $0x601600, s0;
	s12 =	sshll.u32 s2, $0xF;
	s11 =	sadd.s32 $0x1400, s0  }
0x9: {  	s13 =	sadd.s32 $0x601400, s0;
	s0 =	sadd.s32 $0x1600, s0;
	p0 =	sne.s32 s2, $0x0  }
0xa: {  	_ =	strace $0x8000004D;
	[dreg:$0x7] =	wrdreg s9;
	s10 =	sshll.u32 s1, $0xE  }
0xb: {  	[dreg:$0x8] =	wrdreg s11;
	s1 =	ssub.s32 $0x2, s1;
	s9 =	sor.u32 s10, s12  }
0xc: {  	[dreg:$0x9] =	wrdreg s13;
	s14 =	sshrl.u32 s1, $0x1;
	s15 =	sshrl.u32 s9, $0x3  }
0xd: {  	s11 =	simm.s32 $0xA570;
	s1 =	ssub.s32 s1, s14;
	s12 =	sadd.s32 s7, s15  }
0xe: {  	s16 =	sor.u32 $0x100000, s9;
	s18 =	sadd.s32 s8, s15;
	[dreg:$0xa] =	wrdreg s12  }
0xf: {  	s14 =	simm.s32 $0x4;
	s21 =	sadd.s32 s0, s15;
	[dreg:$0xb] =	wrdreg s18  }
0x10: {  	s17 =	sor.u32 $0x10000, s15;
	s26 =	smax.u32 s1, $0x1;
	[dreg:$0xe] =	wrdreg s21  }
0x11: {  	s20 =	sor.u32 $0x400, s15;
	s19 =	sadd.s32 s7, s17;
	[dreg:$0x14] =	wrdreg s26  }
0x12: {  	s24 =	sor.u32 $0x10400, s15;
	s10 =	sadd.s32 s8, s17;
	[dreg:$0xc] =	wrdreg s19  }
0x13: {  	s1 =	simm.s32 $0x2000;
	s22 =	sadd.s32 s7, s20;
	[dreg:$0xd] =	wrdreg s10  }
0x14: {  	s15 =	simm.s32 $0x0;
	s0 =	sadd.s32 s0, s20;
	[dreg:$0xf] =	wrdreg s22  }
.Ltmp0:
0x15: {  	s23 =	sadd.s32 s8, s20;
	[dreg:$0x10] =	wrdreg s0;
	(pc) =	sbr.rel .LBB2_1-.Ltmp0, $4  }
0x16: {  	s17 =	sor.u32 $0x180000, s9;
	s25 =	sadd.s32 s7, s24;
	[dreg:$0x11] =	wrdreg s23  }
0x17: {  	s12 =	simm.s32 $0x2;
	[dreg:$0x12] =	wrdreg s25;
	s0 =	sadd.s32 s8, s24  }
0x18: {  	s24 =	sor.u32 $0x102000, s9;
	s25 =	sor.u32 $0x182000, s9;
	s10 =	simm.s32 $0x6570  }
0x19: {  	v0 =	vimm.s32 $0x0;
	s9 =	simm.s32 $0x16570;
	[dreg:$0x13] =	wrdreg s0;
	s0 =	simm.s32 $0x1  }
.LBB2_31:
0x1a: {  	s2 =	rddreg [dreg:$0x10];
	s13 =	simm.s32 $0x18570  }
0x1b: {  	[hbm4b:s2+s6] =	stream.linear.scatter [tilespmem:s13], [sflag:$0x3], $0x2000, $0x38;
	[tilespmem:$0x1A670] =	vst v63  }
0x1c: {  	_ =	swait.ge [sflag:s29], $0x2000  }
0x1d: {  	s15 =	sadd.s32 $0x1, s15;
	s26 =	rddreg [dreg:$0x14]  }
0x1e: {  	p1 =	sne.s32 s15, s26  }
.Ltmp1:
0x1f: {  	_ = 	snop;
	(pc) =	sbr.rel @!p1 .LBB2_32-.Ltmp1, $3  }
0x20: {  	_ =	sdelay $0x1  }
0x21: {  	[sflag:s29] =	ssyncset.done $0x0  }
0x22: {  	[sflag:s29] =	ssyncadd.s32 $0xFFFFE000  }
.LBB2_1:
0x23: {  	s2 =	rddreg [dreg:$0x9];
	s13 =	simm.s32 $0x1A5F0  }
0x24: {  	[tilespmem:s13], [sflag:$0x3] =	stream.linear.gather [hbm4b:s2+s6], $0x1, $0x38;
	[tilespmem:$0x1A670] =	vst v63  }
0x25: {  	_ =	swait.ge [sflag:s29], $0x1  }
0x26: {  	[sflag:s29] =	ssyncset.done $0x0  }
0x27: {  	[sflag:s29] =	ssyncadd.s32 $0xFFFFFFFF  }
0x28: {  	s2 =	sshrl.u32 @!p0 s3, $0x3;
	s13 =	simm.s32 @!p0 $0x1C03;
	s18 =	rddreg [dreg:$0x1]  }
0x29: {  	v2 =	vld [tilespmem:$0x1A5F0];
	[spmem:s2], [sflag:s13] =	dma.local @!p0 [hbm:s18], $0x3A0  }
0x2a: {  	s2 =	simm.s32 @!p0 $0x3  }
0x2b: {  	_ =	swait.ge @!p0 [sflag:s2], $0x3A0  }
0x2c: {  	[sflag:s2] =	ssyncset.done @!p0 $0x0  }
0x2d: {  	[sflag:s2] =	ssyncadd.s32 @!p0 $0xFFFFFC60  }
0x2e: {  	s18 =	sshrl.u32 @!p0 s4, $0x3;
	s19 =	rddreg [dreg:$0x2]  }
0x2f: {  	[spmem:s18], [sflag:s13] =	dma.local @!p0 [hbm:s19], $0x3A0  }
0x30: {  	_ =	swait.ge @!p0 [sflag:s2], $0x3A0  }
0x31: {  	[sflag:s2] =	ssyncset.done @!p0 $0x0  }
0x32: {  	s18 =	sshrl.u32 @!p0 s5, $0x3;
	s19 =	rddreg [dreg:$0x7];
	[sflag:s2] =	ssyncadd.s32 @!p0 $0xFFFFFC60  }
0x33: {  	[spmem:s18], [sflag:s13] =	dma.local @!p0 [hbm:s19], $0x3A0  }
0x34: {  	_ =	swait.ge @!p0 [sflag:s2], $0x3A0  }
0x35: {  	[sflag:s2] =	ssyncset.done @!p0 $0x0  }
0x36: {  	[sflag:s2] =	ssyncadd.s32 @!p0 $0xFFFFFC60  }
0x37: {  	[bflag:$0x0] =	sbarrier.arrive $0xFFFF  }
0x38: {  	s26 =	simm.s32 $0x1A570;
	s23 =	rddreg [dreg:$0x8]  }
0x39: {  	[tilespmem:s26], [sflag:$0x3] =	stream.linear.gather [hbm4b:s23+s6], $0x80, $0x38;
	[tilespmem:$0x1A670] =	vst v63  }
0x3a: {  	_ =	swait.ge [sflag:s29], $0x80  }
0x3b: {  	[sflag:s29] =	ssyncset.done $0x0  }
0x3c: {  	s2 =	simm.s32 $0x18590;
	[sflag:s29] =	ssyncadd.s32 $0xFFFFFF80  }
0x3d: {  	v1 =	vld [tilespmem:$0x1A570];
	[tilespmem:s2+$0xFFFFFFE0] =	vst v0  }
0x3e: {  	[tilespmem:s2+$0x10] =	vst v0  }
0x3f: {  	s13 =	simm.s32 $0x0;
	[tilespmem:s2+$0x0] =	vst v0  }
.LBB2_2:
0x40: {  	s13 =	sadd.s32 $0x40, s13  }
0x41: {  	[tilespmem:s2+$0xFFFFFFF0] =	vst v0;
	s2 =	sadd.s32 $0x40, s2;
	p1 =	slt.u32 s13, $0x1FC0  }
.Ltmp2:
0x42: {  	[tilespmem:s2+$0xFFFFFFE0] =	vst v0;
	(pc) =	sbr.rel @p1 .LBB2_2-.Ltmp2, $3  }
0x43: {  	_ =	sdelay $0x1  }
0x44: {  	[tilespmem:s2+$0x10] =	vst v0  }
0x45: {  	[tilespmem:s2+$0x0] =	vst v0  }
0x46: {  	[tilespmem:s2+$0xFFFFFFF0] =	vst v0  }
0x47: {  	s13 =	simm.s32 $0x570;
	s2 =	rddreg [dreg:$0xa]  }
0x48: {  	[tilespmem:s13], [sflag:$0x3] =	stream.linear.gather [hbm4b:s2+s6], $0x2000, $0x38;
	[tilespmem:$0x1A670] =	vst v63  }
0x49: {  	_ =	swait.ge [sflag:s29], $0x2000  }
0x4a: {  	[sflag:s29] =	ssyncset.done $0x0  }
0x4b: {  	s22 =	simm.s32 $0x4570;
	s21 =	rddreg [dreg:$0xb];
	[sflag:s29] =	ssyncadd.s32 $0xFFFFE000  }
0x4c: {  	[tilespmem:s22], [sflag:$0x3] =	stream.linear.gather [hbm4b:s21+s6], $0x2000, $0x38;
	[tilespmem:$0x1A670] =	vst v63  }
0x4d: {  	_ =	swait.ge [sflag:s29], $0x2000  }
0x4e: {  	[sflag:s29] =	ssyncset.done $0x0  }
0x4f: {  	s23 =	simm.s32 $0x590;
	[sflag:s29] =	ssyncadd.s32 $0xFFFFE000  }
0x50: {  	v3 =	vld [tilespmem:s23+$0x10]  }
0x51: {  	v4 =	vld [tilespmem:s23+$0xFFFFFFF0]  }
0x52: {  	v5 =	vld [tilespmem:s23+$0x0]  }
0x53: {  	v6 =	vld [tilespmem:s23+$0xFFFFFFE0];
	_ =	sdelay $0x3  }
0x54: {  	v2 =	vbroadcast v2, $0x0;
	v3 =	vsub.f32 v3, v1;
	v4 =	vsub.f32 v4, v1  }
0x55: {  	v5 =	vsub.f32 v5, v1;
	v6 =	vsub.f32 v6, v1  }
0x56: {  	s26 =	simm.s32 $0x5D0;
	v3 =	vmul.f32 v3, v2;
	v4 =	vmul.f32 v4, v2  }
0x57: {  	v10 =	vld [tilespmem:s26+$0xFFFFFFE0];
	v5 =	vmul.f32 v5, v2;
	v6 =	vmul.f32 v6, v2  }
0x58: {  	v3 =	vtrunc.f32 v3;
	v4 =	vtrunc.f32 v4  }
0x59: {  	v7 =	vld [tilespmem:s26+$0x10];
	v5 =	vtrunc.f32 v5;
	v3 =	vcvt.f32.s32 v3  }
0x5a: {  	v8 =	vld [tilespmem:s26+$0xFFFFFFF0];
	v6 =	vtrunc.f32 v6;
	v4 =	vcvt.f32.s32 v4  }
0x5b: {  	v9 =	vld [tilespmem:s26+$0x0];
	v6 =	vcvt.f32.s32 v6;
	v5 =	vcvt.f32.s32 v5;
	v3 =	vadd.s32 $0x1, v3  }
0x5c: {  	v10 =	vsub.f32 v10, v1;
	v4 =	vadd.s32 $0x1, v4;
	vm0 =	vgt.s32 v3, $0x1  }
0x5d: {  	v6 =	vadd.s32 $0x1, v6;
	v5 =	vadd.s32 $0x1, v5;
	v3 =	vnsel vm0, $0x1, v3  }
0x5e: {  	vm14 =	vgt.s32 v6, $0x1;
	v11 =	vmin.u32 v3, $0x169;
	v3 =	vsub.f32 v7, v1  }
0x5f: {  	vm1 =	vgt.s32 v4, $0x1;
	vm15 =	vgt.s32 v5, $0x1;
	v7 =	vsub.f32 v8, v1  }
0x60: {  	v8 =	vnsel vm14, $0x1, v6;
	v6 =	vsub.f32 v9, v1;
	v9 =	vmul.f32 v3, v2  }
0x61: {  	s2 =	simm.s32 $0x8590;
	v12 =	vnsel vm1, $0x1, v4;
	v8 =	vmin.u32 v8, $0x169;
	v4 =	vmul.f32 v7, v2  }
0x62: {  	[tilespmem:s2+$0x10] =	vst v11;
	v3 =	vnsel vm15, $0x1, v5;
	v6 =	vmul.f32 v6, v2;
	v5 =	vtrunc.f32 v9  }
0x63: {  	s18 =	simm.s32 $0x610;
	s13 =	simm.s32 $0x40;
	v7 =	vmul.f32 v10, v2;
	[tilespmem:s2+$0xFFFFFFE0] =	vst v8;
	v8 =	vmin.u32 v12, $0x169;
	v5 =	vcvt.f32.s32 v5  }
.LBB2_4:
0x64: {  	v9 =	vld [tilespmem:s18+$0x10];
	s13 =	sadd.s32 $0x40, s13;
	v4 =	vtrunc.f32 v4;
	v6 =	vtrunc.f32 v6;
	[tilespmem:s2+$0xFFFFFFF0] =	vst v8;
	v3 =	vmin.u32 v3, $0x169  }
0x65: {  	v8 =	vld [tilespmem:s18+$0xFFFFFFF0];
	p1 =	slt.u32 s13, $0x1FC0;
	v7 =	vtrunc.f32 v7;
	v4 =	vcvt.f32.s32 v4;
	v5 =	vadd.s32 $0x1, v5;
	[tilespmem:s2+$0x0] =	vst v3  }
0x66: {  	v6 =	vcvt.f32.s32 v6;
	v3 =	vld [tilespmem:s18+$0x0];
	v7 =	vcvt.f32.s32 v7;
	vm0 =	vgt.s32 v5, $0x1  }
0x67: {  	v10 =	vld [tilespmem:s18+$0xFFFFFFE0];
	v4 =	vadd.s32 $0x1, v4;
	v5 =	vnsel vm0, $0x1, v5  }
0x68: {  	s2 =	sadd.s32 $0x40, s2;
	v6 =	vadd.s32 $0x1, v6;
	v7 =	vadd.s32 $0x1, v7;
	v5 =	vmin.u32 v5, $0x169  }
0x69: {  	vm1 =	vgt.s32 v4, $0x1;
	v9 =	vsub.f32 v9, v1;
	vm0 =	vgt.s32 v7, $0x1;
	[tilespmem:s2+$0x10] =	vst v5  }
.Ltmp3:
0x6a: {  	v5 =	vsub.f32 v8, v1;
	v7 =	vnsel vm0, $0x1, v7;
	vm0 =	vgt.s32 v6, $0x1;
	(pc) =	sbr.rel @p1 .LBB2_4-.Ltmp3, $4  }
0x6b: {  	v11 =	vnsel vm1, $0x1, v4;
	v8 =	vsub.f32 v3, v1;
	v9 =	vmul.f32 v9, v2  }
0x6c: {  	v3 =	vnsel vm0, $0x1, v6;
	v10 =	vsub.f32 v10, v1;
	v4 =	vmul.f32 v5, v2  }
0x6d: {  	v6 =	vmul.f32 v8, v2;
	v5 =	vtrunc.f32 v9;
	v8 =	vmin.u32 v7, $0x169  }
0x6e: {  	s18 =	sadd.s32 $0x40, s18;
	v7 =	vmul.f32 v10, v2;
	v5 =	vcvt.f32.s32 v5;
	[tilespmem:s2+$0xFFFFFFE0] =	vst v8;
	v8 =	vmin.u32 v11, $0x169  }
0x6f: {  	v4 =	vtrunc.f32 v4;
	v6 =	vtrunc.f32 v6  }
0x70: {  	v7 =	vtrunc.f32 v7;
	v4 =	vcvt.f32.s32 v4;
	v5 =	vadd.s32 $0x1, v5  }
0x71: {  	v3 =	vmin.u32 v3, $0x169;
	v7 =	vcvt.f32.s32 v7;
	vm0 =	vgt.s32 v5, $0x1  }
0x72: {  	v6 =	vcvt.f32.s32 v6;
	v4 =	vadd.s32 $0x1, v4;
	v5 =	vnsel vm0, $0x1, v5  }
0x73: {  	s19 =	sadd.s32 $0x40, s2;
	[tilespmem:s2+$0x0] =	vst v3;
	v7 =	vadd.s32 $0x1, v7;
	v3 =	vmin.u32 v5, $0x169;
	vm1 =	vgt.s32 v4, $0x1  }
0x74: {  	v6 =	vadd.s32 $0x1, v6;
	vm14 =	vgt.s32 v7, $0x1;
	[tilespmem:s19+$0x10] =	vst v3;
	v3 =	vnsel vm1, $0x1, v4  }
0x75: {  	[tilespmem:s2+$0xFFFFFFF0] =	vst v8;
	vm15 =	vgt.s32 v6, $0x1;
	v61 =	vnsel vm14, $0x1, v7;
	v3 =	vmin.u32 v3, $0x169  }
0x76: {  	v63 =	vnsel vm15, $0x1, v6;
	v62 =	vmin.u32 v61, $0x169;
	[tilespmem:s19+$0xFFFFFFF0] =	vst v3  }
0x77: {  	v3 =	vmin.u32 v63, $0x169;
	[tilespmem:s19+$0xFFFFFFE0] =	vst v62  }
0x78: {  	s20 =	simm.s32 $0x8570;
	s13 =	simm.s32 $0xC570;
	[tilespmem:s19+$0x0] =	vst v3  }
0x79: {  	[tilespmem:s13], [sflag:$0x1] =	stream.indirect.gather [spmem:s3], $0x1, s20, s1, $0xb8;
	[tilespmem:$0x1A670] =	vst v63  }
0x7a: {  	s21 =	simm.s32 $0x10570  }
0x7b: {  	[tilespmem:s21], [sflag:$0x1] =	stream.indirect.gather [spmem:s4], $0x1, s20, s1, $0xb8;
	[tilespmem:$0x1A670] =	vst v63  }
0x7c: {  	s22 =	simm.s32 $0x14570  }
0x7d: {  	[tilespmem:s22], [sflag:$0x1] =	stream.indirect.gather [spmem:s5], $0x1, s20, s1, $0xb8;
	[tilespmem:$0x1A670] =	vst v63  }
0x7e: {  	s18 =	simm.s32 $0x0;
	s23 =	rddreg [dreg:$0xc]  }
0x7f: {  	[tilespmem:s31], [sflag:$0x3] =	stream.linear.gather [hbm4b:s23+s18], $0x2000, $0x38;
	[tilespmem:$0x1A670] =	vst v63  }
0x80: {  	_ =	swait.ge [sflag:s29], $0x2000  }
0x81: {  	[sflag:s29] =	ssyncset.done $0x0  }
0x82: {  	s26 =	rddreg [dreg:$0xd];
	[sflag:s29] =	ssyncadd.s32 $0xFFFFE000  }
0x83: {  	[tilespmem:s10], [sflag:$0x3] =	stream.linear.gather [hbm4b:s26+s18], $0x2000, $0x38;
	[tilespmem:$0x1A670] =	vst v63  }
0x84: {  	_ =	swait.ge [sflag:s29], $0x2000  }
0x85: {  	[sflag:s29] =	ssyncset.done $0x0  }
0x86: {  	[sflag:s29] =	ssyncadd.s32 $0xFFFFE000  }
.LBB2_6:
0x87: {  	_ =	swait.ge [sflag:s0], $0x2000  }
0x88: {  	[sflag:s0] =	ssyncset.done $0x0  }
0x89: {  	[sflag:s0] =	ssyncadd.s32 $0xFFFFE000  }
0x8a: {  	_ =	swait.ge [sflag:s0], $0x2000  }
0x8b: {  	[sflag:s0] =	ssyncset.done $0x0  }
0x8c: {  	[sflag:s0] =	ssyncadd.s32 $0xFFFFE000  }
0x8d: {  	_ =	swait.ge [sflag:s0], $0x2000  }
0x8e: {  	[sflag:s0] =	ssyncset.done $0x0  }
0x8f: {  	s2 =	simm.s32 $0x2590;
	[sflag:s0] =	ssyncadd.s32 $0xFFFFE000  }
0x90: {  	v3 =	vld [tilespmem:s2+$0x10]  }
0x91: {  	v4 =	vld [tilespmem:s2+$0xFFFFFFF0]  }
0x92: {  	v5 =	vld [tilespmem:s2+$0x0]  }
0x93: {  	s26 =	simm.s32 $0x25D0;
	v6 =	vld [tilespmem:s2+$0xFFFFFFE0]  }
0x94: {  	v7 =	vld [tilespmem:s26+$0x10]  }
0x95: {  	v9 =	vld [tilespmem:s26+$0xFFFFFFF0]  }
0x96: {  	v10 =	vld [tilespmem:s26+$0x0]  }
0x97: {  	v3 =	vsub.f32 v3, v1  }
0x98: {  	v4 =	vsub.f32 v4, v1;
	v5 =	vsub.f32 v5, v1  }
0x99: {  	v6 =	vsub.f32 v6, v1;
	v7 =	vsub.f32 v7, v1  }
0x9a: {  	v9 =	vsub.f32 v9, v1;
	v3 =	vmul.f32 v3, v2;
	v4 =	vmul.f32 v4, v2  }
0x9b: {  	v11 =	vld [tilespmem:s26+$0xFFFFFFE0];
	v10 =	vsub.f32 v10, v1;
	v5 =	vmul.f32 v5, v2;
	v6 =	vmul.f32 v6, v2  }
0x9c: {  	v7 =	vmul.f32 v7, v2;
	v9 =	vmul.f32 v9, v2  }
0x9d: {  	v10 =	vmul.f32 v10, v2;
	v3 =	vtrunc.f32 v3  }
0x9e: {  	v4 =	vtrunc.f32 v4;
	v5 =	vtrunc.f32 v5  }
0x9f: {  	s13 =	sshllo.u32 s18, $0x1;
	v6 =	vtrunc.f32 v6;
	v13 =	vtrunc.f32 v7  }
0xa0: {  	s19 =	smul.u32 $0x170, s13;
	v11 =	vsub.f32 v11, v1;
	v3 =	vcvt.f32.s32 v3;
	v4 =	vcvt.f32.s32 v4  }
0xa1: {  	v6 =	vcvt.f32.s32 v6;
	v5 =	vcvt.f32.s32 v5  }
0xa2: {  	v7 =	vmul.f32 v11, v2;
	v8 =	vadd.s32 $0x1, v3;
	v3 =	vmov s19  }
0xa3: {  	v4 =	vadd.s32 $0x1, v4;
	v6 =	vadd.s32 $0x1, v6;
	v5 =	vadd.s32 $0x1, v5  }
0xa4: {  	vm0 =	vgt.s32 v8, $0x1;
	vm14 =	vgt.s32 v6, $0x1;
	vm1 =	vgt.s32 v4, $0x1  }
0xa5: {  	vm15 =	vgt.s32 v5, $0x1;
	v8 =	vnsel vm0, $0x1, v8;
	v6 =	vnsel vm14, $0x1, v6  }
0xa6: {  	v4 =	vnsel vm1, $0x1, v4;
	v5 =	vnsel vm15, $0x1, v5;
	v8 =	vmin.u32 v8, $0x169  }
0xa7: {  	s2 =	simm.s32 $0xA590;
	v6 =	vmin.u32 v6, $0x169;
	v12 =	vmin.u32 v4, $0x169;
	v8 =	vadd.s32 v3, v8  }
0xa8: {  	v4 =	vmin.u32 v5, $0x169;
	v5 =	vcvt.f32.s32 v13;
	[tilespmem:s2+$0x10] =	vst v8;
	v8 =	vadd.s32 v3, v6  }
0xa9: {  	s20 =	simm.s32 $0x2610;
	v9 =	vtrunc.f32 v9;
	s19 =	simm.s32 $0x40;
	v6 =	vtrunc.f32 v10;
	[tilespmem:s2+$0xFFFFFFE0] =	vst v8;
	v8 =	vadd.s32 v3, v12  }
.LBB2_7:
0xaa: {  	v10 =	vld [tilespmem:s20+$0x10];
	s19 =	sadd.s32 $0x40, s19;
	v7 =	vtrunc.f32 v7;
	v9 =	vcvt.f32.s32 v9;
	v5 =	vadd.s32 $0x1, v5;
	[tilespmem:s2+$0xFFFFFFF0] =	vst v8  }
0xab: {  	v6 =	vcvt.f32.s32 v6;
	v8 =	vld [tilespmem:s20+$0xFFFFFFF0];
	p1 =	slt.u32 s19, $0x1FC0;
	v7 =	vcvt.f32.s32 v7;
	vm0 =	vgt.s32 v5, $0x1  }
0xac: {  	v4 =	vadd.s32 v3, v4;
	v11 =	vld [tilespmem:s20+$0x0];
	v9 =	vadd.s32 $0x1, v9;
	v5 =	vnsel vm0, $0x1, v5  }
0xad: {  	v6 =	vadd.s32 $0x1, v6;
	v12 =	vld [tilespmem:s20+$0xFFFFFFE0];
	v7 =	vadd.s32 $0x1, v7;
	v5 =	vmin.u32 v5, $0x169;
	[tilespmem:s2+$0x0] =	vst v4  }
0xae: {  	vm1 =	vgt.s32 v9, $0x1;
	s2 =	sadd.s32 $0x40, s2;
	vm0 =	vgt.s32 v7, $0x1;
	v4 =	vadd.s32 v3, v5  }
0xaf: {  	v5 =	vsub.f32 v10, v1;
	v7 =	vnsel vm0, $0x1, v7;
	vm0 =	vgt.s32 v6, $0x1;
	[tilespmem:s2+$0x10] =	vst v4  }
0xb0: {  	v4 =	vsub.f32 v8, v1;
	v8 =	vnsel vm1, $0x1, v9;
	v6 =	vnsel vm0, $0x1, v6  }
.Ltmp4:
0xb1: {  	v10 =	vmin.u32 v7, $0x169;
	v9 =	vsub.f32 v11, v1;
	v5 =	vmul.f32 v5, v2;
	(pc) =	sbr.rel @p1 .LBB2_7-.Ltmp4, $4  }
0xb2: {  	v8 =	vmin.u32 v8, $0x169;
	v7 =	vsub.f32 v12, v1;
	v11 =	vmul.f32 v4, v2  }
0xb3: {  	v4 =	vmin.u32 v6, $0x169;
	v12 =	vmul.f32 v9, v2;
	v5 =	vtrunc.f32 v5  }
0xb4: {  	v10 =	vadd.s32 v3, v10;
	v7 =	vmul.f32 v7, v2;
	v5 =	vcvt.f32.s32 v5  }
0xb5: {  	s20 =	sadd.s32 $0x40, s20;
	v8 =	vadd.s32 v3, v8;
	v9 =	vtrunc.f32 v11;
	v6 =	vtrunc.f32 v12;
	[tilespmem:s2+$0xFFFFFFE0] =	vst v10  }
0xb6: {  	v7 =	vtrunc.f32 v7  }
0xb7: {  	v9 =	vcvt.f32.s32 v9;
	v5 =	vadd.s32 $0x1, v5;
	v6 =	vcvt.f32.s32 v6  }
0xb8: {  	v4 =	vadd.s32 v3, v4;
	v7 =	vcvt.f32.s32 v7;
	vm0 =	vgt.s32 v5, $0x1  }
0xb9: {  	v9 =	vadd.s32 $0x1, v9;
	v5 =	vnsel vm0, $0x1, v5;
	v6 =	vadd.s32 $0x1, v6  }
0xba: {  	v7 =	vadd.s32 $0x1, v7;
	v5 =	vmin.u32 v5, $0x169;
	vm1 =	vgt.s32 v9, $0x1  }
0xbb: {  	[tilespmem:s2+$0x0] =	vst v4;
	vm15 =	vgt.s32 v6, $0x1;
	vm14 =	vgt.s32 v7, $0x1;
	v4 =	vnsel vm1, $0x1, v9  }
0xbc: {  	[tilespmem:s2+$0xFFFFFFF0] =	vst v8;
	s23 =	sadd.s32 $0x40, s2;
	v5 =	vadd.s32 v3, v5;
	v7 =	vnsel vm14, $0x1, v7;
	v4 =	vmin.u32 v4, $0x169  }
0xbd: {  	[tilespmem:s23+$0x10] =	vst v5;
	v5 =	vnsel vm15, $0x1, v6;
	v7 =	vmin.u32 v7, $0x169;
	v4 =	vadd.s32 v3, v4  }
0xbe: {  	v5 =	vmin.u32 v5, $0x169;
	v6 =	vadd.s32 v3, v7;
	[tilespmem:s23+$0xFFFFFFF0] =	vst v4  }
0xbf: {  	v3 =	vadd.s32 v3, v5;
	[tilespmem:s23+$0xFFFFFFE0] =	vst v6  }
0xc0: {  	[tilespmem:s23+$0x0] =	vst v3  }
0xc1: {  	[tilespmem:s28], [sflag:$0x2] =	stream.indirect.gather [spmem:s3], $0x1, s11, s1, $0xb8;
	[tilespmem:$0x1A670] =	vst v63  }
0xc2: {  	_ = 	snop  }
0xc3: {  	[tilespmem:s30], [sflag:$0x2] =	stream.indirect.gather [spmem:s4], $0x1, s11, s1, $0xb8;
	[tilespmem:$0x1A670] =	vst v63  }
0xc4: {  	s26 =	simm.s32 $0x590  }
0xc5: {  	[tilespmem:s9], [sflag:$0x2] =	stream.indirect.gather [spmem:s5], $0x1, s11, s1, $0xb8;
	[tilespmem:$0x1A670] =	vst v63  }
0xc6: {  	s20 =	simm.s32 $0xC590;
	v3 =	vld [tilespmem:s26+$0x10]  }
0xc7: {  	v4 =	vld [tilespmem:s20+$0x10]  }
0xc8: {  	s21 =	simm.s32 $0x14590;
	v5 =	vld [tilespmem:s20+$0xFFFFFFE0]  }
0xc9: {  	v6 =	vld [tilespmem:s21+$0x10]  }
0xca: {  	s22 =	simm.s32 $0x10590;
	v7 =	vld [tilespmem:s26+$0xFFFFFFF0]  }
0xcb: {  	v8 =	vld [tilespmem:s22+$0x10]  }
0xcc: {  	v9 =	vld [tilespmem:s20+$0xFFFFFFF0]  }
0xcd: {  	v10 =	vld [tilespmem:s26+$0x0]  }
0xce: {  	v11 =	vld [tilespmem:s20+$0x0]  }
0xcf: {  	v12 =	vld [tilespmem:s26+$0xFFFFFFE0];
	v3 =	vsub.f32 v3, v4  }
0xd0: {  	s23 =	simm.s32 $0x4590;
	v13 =	vld [tilespmem:s21+$0xFFFFFFF0]  }
0xd1: {  	v4 =	vld [tilespmem:s23+$0x10];
	v3 =	vmul.f32 v3, v6  }
0xd2: {  	v6 =	vld [tilespmem:s21+$0xFFFFFFE0]  }
0xd3: {  	v14 =	vld [tilespmem:s21+$0x0];
	v3 =	vadd.f32 v3, v8  }
0xd4: {  	s19 =	simm.s32 $0x18590;
	v16 =	vld [tilespmem:s22+$0xFFFFFFE0]  }
0xd5: {  	v15 =	vld [tilespmem:s19+$0x10];
	v5 =	vsub.f32 v12, v5;
	v3 =	vmul.f32 v3, v3  }
0xd6: {  	v7 =	vsub.f32 v7, v9;
	v12 =	vld [tilespmem:s22+$0xFFFFFFF0]  }
0xd7: {  	v17 =	vld [tilespmem:s22+$0x0];
	v5 =	vmul.f32 v5, v6;
	v3 =	vsub.f32 v3, v4;
	v4 =	vadd.f32 $-9.000000000e+00, v4  }
0xd8: {  	p1 =	seq.s32 s18, $0x0;
	s2 =	simm.s32 $0x21;
	v9 =	vld [tilespmem:s23+$0xFFFFFFE0];
	v6 =	vsub.f32 v10, v11  }
0xd9: {  	s2 =	simm.s32 @!p1 $0x1;
	v8 =	vld [tilespmem:s23+$0xFFFFFFF0];
	v10 =	vmul.f32 v7, v13;
	v5 =	vadd.f32 v5, v16;
	v4 =	vor.u32 v4, v3  }
0xda: {  	v7 =	vld [tilespmem:s23+$0x0];
	v13 =	vmul.f32 v6, v14;
	v3 =	vmov s2;
	v4 =	vshra.s32 v4, $0x1F  }
0xdb: {  	v6 =	vld [tilespmem:s19+$0xFFFFFFE0];
	v12 =	vadd.f32 v10, v12;
	v4 =	vand.u32 v3, v4  }
0xdc: {  	v11 =	vmul.f32 v5, v5;
	v13 =	vadd.f32 v13, v17;
	v5 =	vld [tilespmem:s19+$0x0];
	v10 =	vadd.s32 v15, v4  }
0xdd: {  	s26 =	simm.s32 $0x0;
	s2 =	simm.s32 $0x5D0;
	v12 =	vmul.f32 v12, v12;
	v4 =	vld [tilespmem:s19+$0xFFFFFFF0];
	[tilespmem:s19+$0x10] =	vst v10;
	v10 =	vadd.f32 $-9.000000000e+00, v9  }
.LBB2_9:
0xde: {  	v14 =	vld [tilespmem:s2+$0x10];
	v9 =	vsub.f32 v11, v9;
	v11 =	vadd.f32 $-9.000000000e+00, v8;
	v13 =	vmul.f32 v13, v13;
	s20 =	sadd.s32 $0x40, s20  }
0xdf: {  	s26 =	sadd.s32 $0x40, s26;
	v15 =	vld [tilespmem:s20+$0x10];
	v8 =	vsub.f32 v12, v8;
	v12 =	vadd.f32 $-9.000000000e+00, v7  }
0xe0: {  	s21 =	sadd.s32 $0x40, s21;
	p1 =	slt.u32 s26, $0x1FC0;
	v16 =	vld [tilespmem:s20+$0xFFFFFFE0];
	v9 =	vor.u32 v10, v9;
	v7 =	vsub.f32 v13, v7  }
0xe1: {  	v10 =	vld [tilespmem:s21+$0x10];
	v9 =	vshra.s32 v9, $0x1F;
	v8 =	vor.u32 v11, v8  }
0xe2: {  	s22 =	sadd.s32 $0x40, s22;
	v11 =	vld [tilespmem:s2+$0xFFFFFFF0];
	v9 =	vand.u32 v3, v9;
	v8 =	vshra.s32 v8, $0x1F;
	v7 =	vor.u32 v12, v7  }
0xe3: {  	v12 =	vld [tilespmem:s22+$0x10];
	v6 =	vadd.s32 v6, v9;
	v8 =	vand.u32 v3, v8;
	v7 =	vshra.s32 v7, $0x1F  }
0xe4: {  	v9 =	vld [tilespmem:s20+$0xFFFFFFF0];
	v13 =	vsub.f32 v14, v15;
	[tilespmem:s19+$0xFFFFFFE0] =	vst v6;
	v4 =	vadd.s32 v4, v8;
	v6 =	vand.u32 v3, v7  }
0xe5: {  	v7 =	vld [tilespmem:s2+$0x0];
	[tilespmem:s19+$0xFFFFFFF0] =	vst v4;
	v4 =	vadd.s32 v5, v6  }
0xe6: {  	s23 =	sadd.s32 $0x40, s23;
	v5 =	vld [tilespmem:s20+$0x0];
	v6 =	vmul.f32 v13, v10;
	[tilespmem:s19+$0x0] =	vst v4  }
0xe7: {  	v4 =	vld [tilespmem:s23+$0x10]  }
0xe8: {  	v8 =	vld [tilespmem:s2+$0xFFFFFFE0];
	v6 =	vadd.f32 v6, v12  }
0xe9: {  	v10 =	vld [tilespmem:s21+$0xFFFFFFE0];
	v9 =	vsub.f32 v11, v9  }
0xea: {  	v11 =	vld [tilespmem:s21+$0xFFFFFFF0];
	v6 =	vmul.f32 v6, v6  }
0xeb: {  	s19 =	sadd.s32 $0x40, s19;
	v12 =	vld [tilespmem:s21+$0x0];
	v5 =	vsub.f32 v7, v5  }
0xec: {  	v6 =	vsub.f32 v6, v4;
	v4 =	vadd.f32 $-9.000000000e+00, v4;
	v7 =	vld [tilespmem:s19+$0x10]  }
0xed: {  	v13 =	vld [tilespmem:s22+$0xFFFFFFE0];
	v8 =	vsub.f32 v8, v16  }
0xee: {  	v14 =	vld [tilespmem:s22+$0xFFFFFFF0];
	v4 =	vor.u32 v4, v6  }
0xef: {  	v6 =	vmul.f32 v8, v10;
	v10 =	vmul.f32 v9, v11;
	v15 =	vld [tilespmem:s22+$0x0];
	v4 =	vshra.s32 v4, $0x1F  }
0xf0: {  	v9 =	vld [tilespmem:s23+$0xFFFFFFE0];
	v5 =	vmul.f32 v5, v12;
	v4 =	vand.u32 v3, v4  }
.Ltmp5:
0xf1: {  	v8 =	vld [tilespmem:s23+$0xFFFFFFF0];
	v4 =	vadd.s32 v7, v4;
	(pc) =	sbr.rel @p1 .LBB2_9-.Ltmp5, $4  }
0xf2: {  	v11 =	vadd.f32 v6, v13;
	v7 =	vld [tilespmem:s23+$0x0];
	[tilespmem:s19+$0x10] =	vst v4  }
0xf3: {  	v6 =	vld [tilespmem:s19+$0xFFFFFFE0];
	v12 =	vadd.f32 v10, v14  }
0xf4: {  	v11 =	vmul.f32 v11, v11;
	v4 =	vld [tilespmem:s19+$0xFFFFFFF0];
	v13 =	vadd.f32 v5, v15  }
0xf5: {  	s2 =	sadd.s32 $0x40, s2;
	v10 =	vadd.f32 $-9.000000000e+00, v9;
	v12 =	vmul.f32 v12, v12;
	v5 =	vld [tilespmem:s19+$0x0]  }
0xf6: {  	v9 =	vsub.f32 v11, v9;
	v11 =	vmul.f32 v13, v13  }
0xf7: {  	v60 =	vadd.f32 $-9.000000000e+00, v8;
	v8 =	vsub.f32 v12, v8  }
0xf8: {  	v61 =	vadd.f32 $-9.000000000e+00, v7;
	v9 =	vor.u32 v10, v9;
	v7 =	vsub.f32 v11, v7  }
0xf9: {  	v9 =	vshra.s32 v9, $0x1F;
	v8 =	vor.u32 v60, v8  }
0xfa: {  	p1 =	seq.s32 s18, $0x9;
	v9 =	vand.u32 v3, v9;
	v8 =	vshra.s32 v8, $0x1F;
	v7 =	vor.u32 v61, v7  }
0xfb: {  	s2 =	sshll.u32 @!p1 s18, $0x14;
	v6 =	vadd.s32 v6, v9;
	v8 =	vand.u32 v3, v8;
	v7 =	vshra.s32 v7, $0x1F  }
0xfc: {  	s2 =	sadd.s32 @!p1 s16, s2;
	[tilespmem:s19+$0xFFFFFFE0] =	vst v6;
	v4 =	vadd.s32 v4, v8;
	v3 =	vand.u32 v3, v7  }
0xfd: {  	s2 =	sshrl.u32 @!p1 s2, $0x3;
	[tilespmem:s19+$0xFFFFFFF0] =	vst v4;
	v3 =	vadd.s32 v5, v3  }
0xfe: {  	s20 =	simm.s32 @!p1 $0x0;
	s21 =	simm.s32 @!p1 $0x570;
	[tilespmem:s19+$0x0] =	vst v3;
	s19 =	sadd.s32 @!p1 s7, s2  }
0xff: {  	[tilespmem:s21], [sflag:$0x4] =	stream.linear.gather @!p1 [hbm4b:s19+s20], $0x2000, $0x38;
	[tilespmem:$0x1A670] =	vst v63  }
0x100: {  	s19 =	simm.s32 @!p1 $0x4  }
0x101: {  	_ =	swait.ge @!p1 [sflag:s19], $0x2000  }
0x102: {  	[sflag:s19] =	ssyncset.done @!p1 $0x0  }
0x103: {  	s2 =	sadd.s32 @!p1 s8, s2;
	s21 =	simm.s32 @!p1 $0x4570;
	[sflag:s19] =	ssyncadd.s32 @!p1 $0xFFFFE000  }
0x104: {  	[tilespmem:s21], [sflag:$0x4] =	stream.linear.gather @!p1 [hbm4b:s2+s20], $0x2000, $0x38;
	[tilespmem:$0x1A670] =	vst v63  }
0x105: {  	_ =	swait.ge @!p1 [sflag:s19], $0x2000  }
0x106: {  	[sflag:s19] =	ssyncset.done @!p1 $0x0  }
0x107: {  	[sflag:s19] =	ssyncadd.s32 @!p1 $0xFFFFE000  }
0x108: {  	_ =	swait.ge [sflag:s12], $0x2000  }
0x109: {  	[sflag:s12] =	ssyncset.done $0x0  }
0x10a: {  	[sflag:s12] =	ssyncadd.s32 $0xFFFFE000  }
0x10b: {  	_ =	swait.ge [sflag:s12], $0x2000  }
0x10c: {  	[sflag:s12] =	ssyncset.done $0x0  }
0x10d: {  	[sflag:s12] =	ssyncadd.s32 $0xFFFFE000  }
0x10e: {  	_ =	swait.ge [sflag:s12], $0x2000  }
0x10f: {  	[sflag:s12] =	ssyncset.done $0x0  }
0x110: {  	s22 =	simm.s32 $0x590;
	[sflag:s12] =	ssyncadd.s32 $0xFFFFE000  }
0x111: {  	v3 =	vld [tilespmem:s22+$0x10]  }
0x112: {  	v4 =	vld [tilespmem:s22+$0xFFFFFFF0]  }
0x113: {  	v5 =	vld [tilespmem:s22+$0x0]  }
0x114: {  	s26 =	simm.s32 $0x5D0;
	v6 =	vld [tilespmem:s22+$0xFFFFFFE0]  }
0x115: {  	v7 =	vld [tilespmem:s26+$0x10]  }
0x116: {  	v9 =	vld [tilespmem:s26+$0xFFFFFFF0]  }
0x117: {  	v10 =	vld [tilespmem:s26+$0x0]  }
0x118: {  	v3 =	vsub.f32 v3, v1  }
0x119: {  	v4 =	vsub.f32 v4, v1;
	v5 =	vsub.f32 v5, v1  }
0x11a: {  	v6 =	vsub.f32 v6, v1;
	v7 =	vsub.f32 v7, v1  }
0x11b: {  	v9 =	vsub.f32 v9, v1;
	v3 =	vmul.f32 v3, v2;
	v4 =	vmul.f32 v4, v2  }
0x11c: {  	v11 =	vld [tilespmem:s26+$0xFFFFFFE0];
	v10 =	vsub.f32 v10, v1;
	v5 =	vmul.f32 v5, v2;
	v6 =	vmul.f32 v6, v2  }
0x11d: {  	v7 =	vmul.f32 v7, v2;
	v9 =	vmul.f32 v9, v2  }
0x11e: {  	v10 =	vmul.f32 v10, v2;
	v3 =	vtrunc.f32 v3  }
0x11f: {  	v4 =	vtrunc.f32 v4;
	v5 =	vtrunc.f32 v5  }
0x120: {  	s23 =	smul.u32 $0x2E0, s18;
	v6 =	vtrunc.f32 v6;
	v63 =	vtrunc.f32 v7  }
0x121: {  	v11 =	vsub.f32 v11, v1;
	v3 =	vcvt.f32.s32 v3;
	v4 =	vcvt.f32.s32 v4  }
0x122: {  	s2 =	sadd.s32 $0x2E0, s23;
	v6 =	vcvt.f32.s32 v6;
	v5 =	vcvt.f32.s32 v5  }
0x123: {  	v7 =	vmul.f32 v11, v2;
	v8 =	vadd.s32 $0x1, v3;
	v3 =	vmov s2  }
0x124: {  	v4 =	vadd.s32 $0x1, v4;
	v6 =	vadd.s32 $0x1, v6;
	v5 =	vadd.s32 $0x1, v5  }
0x125: {  	vm0 =	vgt.s32 v8, $0x1;
	vm14 =	vgt.s32 v6, $0x1;
	vm1 =	vgt.s32 v4, $0x1  }
0x126: {  	vm15 =	vgt.s32 v5, $0x1;
	v8 =	vnsel vm0, $0x1, v8;
	v6 =	vnsel vm14, $0x1, v6  }
0x127: {  	v4 =	vnsel vm1, $0x1, v4;
	v5 =	vnsel vm15, $0x1, v5;
	v8 =	vmin.u32 v8, $0x169  }
0x128: {  	s2 =	simm.s32 $0x8590;
	v6 =	vmin.u32 v6, $0x169;
	v62 =	vmin.u32 v4, $0x169;
	v8 =	vadd.s32 v3, v8  }
0x129: {  	v4 =	vmin.u32 v5, $0x169;
	v5 =	vcvt.f32.s32 v63;
	[tilespmem:s2+$0x10] =	vst v8;
	v8 =	vadd.s32 v3, v6  }
0x12a: {  	s20 =	simm.s32 $0x610;
	s19 =	simm.s32 $0x40;
	v9 =	vtrunc.f32 v9;
	v6 =	vtrunc.f32 v10;
	[tilespmem:s2+$0xFFFFFFE0] =	vst v8;
	v8 =	vadd.s32 v3, v62  }
.LBB2_11:
0x12b: {  	v10 =	vld [tilespmem:s20+$0x10];
	s19 =	sadd.s32 $0x40, s19;
	v7 =	vtrunc.f32 v7;
	v9 =	vcvt.f32.s32 v9;
	v5 =	vadd.s32 $0x1, v5;
	[tilespmem:s2+$0xFFFFFFF0] =	vst v8  }
0x12c: {  	v6 =	vcvt.f32.s32 v6;
	v8 =	vld [tilespmem:s20+$0xFFFFFFF0];
	p2 =	slt.u32 s19, $0x1FC0;
	v7 =	vcvt.f32.s32 v7;
	vm0 =	vgt.s32 v5, $0x1  }
0x12d: {  	v4 =	vadd.s32 v3, v4;
	v11 =	vld [tilespmem:s20+$0x0];
	v9 =	vadd.s32 $0x1, v9;
	v5 =	vnsel vm0, $0x1, v5  }
0x12e: {  	v6 =	vadd.s32 $0x1, v6;
	v12 =	vld [tilespmem:s20+$0xFFFFFFE0];
	v7 =	vadd.s32 $0x1, v7;
	v5 =	vmin.u32 v5, $0x169;
	[tilespmem:s2+$0x0] =	vst v4  }
0x12f: {  	vm1 =	vgt.s32 v9, $0x1;
	s2 =	sadd.s32 $0x40, s2;
	vm0 =	vgt.s32 v7, $0x1;
	v4 =	vadd.s32 v3, v5  }
0x130: {  	v5 =	vsub.f32 v10, v1;
	v7 =	vnsel vm0, $0x1, v7;
	vm0 =	vgt.s32 v6, $0x1;
	[tilespmem:s2+$0x10] =	vst v4  }
0x131: {  	v4 =	vsub.f32 v8, v1;
	v8 =	vnsel vm1, $0x1, v9;
	v6 =	vnsel vm0, $0x1, v6  }
.Ltmp6:
0x132: {  	v10 =	vmin.u32 v7, $0x169;
	v9 =	vsub.f32 v11, v1;
	v5 =	vmul.f32 v5, v2;
	(pc) =	sbr.rel @p2 .LBB2_11-.Ltmp6, $4  }
0x133: {  	v8 =	vmin.u32 v8, $0x169;
	v7 =	vsub.f32 v12, v1;
	v11 =	vmul.f32 v4, v2  }
0x134: {  	v4 =	vmin.u32 v6, $0x169;
	v12 =	vmul.f32 v9, v2;
	v5 =	vtrunc.f32 v5  }
0x135: {  	v10 =	vadd.s32 v3, v10;
	v7 =	vmul.f32 v7, v2;
	v5 =	vcvt.f32.s32 v5  }
0x136: {  	s20 =	sadd.s32 $0x40, s20;
	v8 =	vadd.s32 v3, v8;
	v9 =	vtrunc.f32 v11;
	v6 =	vtrunc.f32 v12;
	[tilespmem:s2+$0xFFFFFFE0] =	vst v10  }
0x137: {  	v7 =	vtrunc.f32 v7  }
0x138: {  	v9 =	vcvt.f32.s32 v9;
	v5 =	vadd.s32 $0x1, v5;
	v6 =	vcvt.f32.s32 v6  }
0x139: {  	v4 =	vadd.s32 v3, v4;
	v7 =	vcvt.f32.s32 v7;
	vm0 =	vgt.s32 v5, $0x1  }
0x13a: {  	v9 =	vadd.s32 $0x1, v9;
	v5 =	vnsel vm0, $0x1, v5;
	v6 =	vadd.s32 $0x1, v6  }
0x13b: {  	v7 =	vadd.s32 $0x1, v7;
	v5 =	vmin.u32 v5, $0x169;
	vm1 =	vgt.s32 v9, $0x1  }
0x13c: {  	[tilespmem:s2+$0x0] =	vst v4;
	vm15 =	vgt.s32 v6, $0x1;
	vm14 =	vgt.s32 v7, $0x1;
	v4 =	vnsel vm1, $0x1, v9  }
0x13d: {  	[tilespmem:s2+$0xFFFFFFF0] =	vst v8;
	s23 =	sadd.s32 $0x40, s2;
	v5 =	vadd.s32 v3, v5;
	v7 =	vnsel vm14, $0x1, v7;
	v4 =	vmin.u32 v4, $0x169  }
0x13e: {  	[tilespmem:s23+$0x10] =	vst v5;
	v5 =	vnsel vm15, $0x1, v6;
	v7 =	vmin.u32 v7, $0x169;
	v4 =	vadd.s32 v3, v4  }
0x13f: {  	v5 =	vmin.u32 v5, $0x169;
	v6 =	vadd.s32 v3, v7;
	[tilespmem:s23+$0xFFFFFFF0] =	vst v4  }
0x140: {  	p2 =	sgt.u32 s13, $0x12;
	v3 =	vadd.s32 v3, v5;
	[tilespmem:s23+$0xFFFFFFE0] =	vst v6  }
0x141: {  	s2 =	simm.s32 @!p2 $0x2000;
	s13 =	simm.s32 @!p2 $0x8570;
	s19 =	simm.s32 @!p2 $0xC570;
	[tilespmem:s23+$0x0] =	vst v3  }
0x142: {  	[tilespmem:s19], [sflag:$0x1] =	stream.indirect.gather @!p2 [spmem:s3], $0x1, s13, s2, $0xb8;
	[tilespmem:$0x1A670] =	vst v63  }
0x143: {  	s19 =	simm.s32 @!p2 $0x10570  }
0x144: {  	[tilespmem:s19], [sflag:$0x1] =	stream.indirect.gather @!p2 [spmem:s4], $0x1, s13, s2, $0xb8;
	[tilespmem:$0x1A670] =	vst v63  }
0x145: {  	s26 =	simm.s32 $0x2590;
	s19 =	simm.s32 @!p2 $0x14570  }
0x146: {  	[tilespmem:s19], [sflag:$0x1] =	stream.indirect.gather @!p2 [spmem:s5], $0x1, s13, s2, $0xb8;
	[tilespmem:$0x1A670] =	vst v63  }
0x147: {  	s19 =	simm.s32 $0xE590;
	v3 =	vld [tilespmem:s26+$0x10]  }
0x148: {  	v4 =	vld [tilespmem:s19+$0x10]  }
0x149: {  	s20 =	simm.s32 $0x16590;
	v5 =	vld [tilespmem:s19+$0xFFFFFFE0]  }
0x14a: {  	v6 =	vld [tilespmem:s20+$0x10]  }
0x14b: {  	s21 =	simm.s32 $0x12590;
	v7 =	vld [tilespmem:s26+$0xFFFFFFF0]  }
0x14c: {  	v8 =	vld [tilespmem:s21+$0x10]  }
0x14d: {  	v9 =	vld [tilespmem:s19+$0xFFFFFFF0]  }
0x14e: {  	v10 =	vld [tilespmem:s26+$0x0]  }
0x14f: {  	s22 =	simm.s32 $0x6590;
	v11 =	vld [tilespmem:s19+$0x0]  }
0x150: {  	v12 =	vld [tilespmem:s22+$0x10]  }
0x151: {  	v13 =	vld [tilespmem:s20+$0xFFFFFFE0];
	v3 =	vsub.f32 v3, v4  }
0x152: {  	s13 =	simm.s32 $0x18590;
	v4 =	vld [tilespmem:s26+$0xFFFFFFE0]  }
0x153: {  	v14 =	vld [tilespmem:s13+$0x10];
	v3 =	vmul.f32 v3, v6  }
0x154: {  	v15 =	vld [tilespmem:s20+$0x0]  }
0x155: {  	v6 =	vld [tilespmem:s20+$0xFFFFFFF0];
	v3 =	vadd.f32 v3, v8  }
0x156: {  	v16 =	vld [tilespmem:s21+$0xFFFFFFE0]  }
0x157: {  	v17 =	vld [tilespmem:s21+$0xFFFFFFF0];
	v4 =	vsub.f32 v4, v5;
	v3 =	vmul.f32 v3, v3  }
0x158: {  	v10 =	vsub.f32 v10, v11;
	v5 =	vsub.f32 v7, v9;
	v9 =	vld [tilespmem:s21+$0x0]  }
0x159: {  	v8 =	vld [tilespmem:s22+$0xFFFFFFE0];
	v4 =	vmul.f32 v4, v13;
	v3 =	vsub.f32 v3, v12;
	v12 =	vadd.f32 $-9.000000000e+00, v12  }
0x15a: {  	v7 =	vld [tilespmem:s22+$0xFFFFFFF0];
	v11 =	vmul.f32 v5, v6  }
0x15b: {  	v6 =	vld [tilespmem:s22+$0x0];
	v4 =	vadd.f32 v4, v16;
	v3 =	vor.u32 v12, v3;
	v12 =	vmul.f32 v10, v15  }
0x15c: {  	v5 =	vld [tilespmem:s13+$0xFFFFFFE0];
	v11 =	vadd.f32 v11, v17;
	v3 =	vshrl.u32 v3, $0x1F  }
0x15d: {  	v10 =	vmul.f32 v4, v4;
	v4 =	vld [tilespmem:s13+$0x0];
	v13 =	vadd.s32 v14, v3;
	v12 =	vadd.f32 v12, v9  }
0x15e: {  	s23 =	simm.s32 $0x0;
	s2 =	simm.s32 $0x25D0;
	v11 =	vmul.f32 v11, v11;
	v3 =	vld [tilespmem:s13+$0xFFFFFFF0];
	v9 =	vadd.f32 $-9.000000000e+00, v8;
	[tilespmem:s13+$0x10] =	vst v13  }
.LBB2_13:
0x15f: {  	v13 =	vld [tilespmem:s2+$0x10];
	v8 =	vsub.f32 v10, v8;
	v10 =	vadd.f32 $-9.000000000e+00, v7;
	v12 =	vmul.f32 v12, v12;
	s19 =	sadd.s32 $0x40, s19  }
0x160: {  	s23 =	sadd.s32 $0x40, s23;
	v14 =	vld [tilespmem:s19+$0x10];
	v7 =	vsub.f32 v11, v7;
	v11 =	vadd.f32 $-9.000000000e+00, v6  }
0x161: {  	s20 =	sadd.s32 $0x40, s20;
	p2 =	slt.u32 s23, $0x1FC0;
	v15 =	vld [tilespmem:s19+$0xFFFFFFE0];
	v8 =	vor.u32 v9, v8;
	v6 =	vsub.f32 v12, v6  }
0x162: {  	v9 =	vld [tilespmem:s20+$0x10];
	v8 =	vshrl.u32 v8, $0x1F;
	v7 =	vor.u32 v10, v7  }
0x163: {  	s21 =	sadd.s32 $0x40, s21;
	v10 =	vld [tilespmem:s2+$0xFFFFFFF0];
	v5 =	vadd.s32 v5, v8;
	v7 =	vshrl.u32 v7, $0x1F;
	v6 =	vor.u32 v11, v6  }
0x164: {  	v8 =	vld [tilespmem:s21+$0x10];
	[tilespmem:s13+$0xFFFFFFE0] =	vst v5;
	v3 =	vadd.s32 v3, v7;
	v5 =	vshrl.u32 v6, $0x1F  }
0x165: {  	v6 =	vld [tilespmem:s19+$0xFFFFFFF0];
	v7 =	vsub.f32 v13, v14;
	[tilespmem:s13+$0xFFFFFFF0] =	vst v3;
	v3 =	vadd.s32 v4, v5  }
0x166: {  	v4 =	vld [tilespmem:s2+$0x0];
	[tilespmem:s13+$0x0] =	vst v3  }
0x167: {  	s22 =	sadd.s32 $0x40, s22;
	v3 =	vld [tilespmem:s19+$0x0];
	v5 =	vmul.f32 v7, v9  }
0x168: {  	v7 =	vld [tilespmem:s22+$0x10]  }
0x169: {  	v9 =	vld [tilespmem:s2+$0xFFFFFFE0];
	v5 =	vadd.f32 v5, v8  }
0x16a: {  	v8 =	vld [tilespmem:s20+$0xFFFFFFE0];
	v6 =	vsub.f32 v10, v6  }
0x16b: {  	s13 =	sadd.s32 $0x40, s13;
	v10 =	vld [tilespmem:s20+$0xFFFFFFF0];
	v5 =	vmul.f32 v5, v5  }
0x16c: {  	v3 =	vsub.f32 v4, v3;
	v4 =	vld [tilespmem:s13+$0x10]  }
0x16d: {  	v11 =	vld [tilespmem:s20+$0x0];
	v5 =	vsub.f32 v5, v7;
	v7 =	vadd.f32 $-9.000000000e+00, v7  }
0x16e: {  	v12 =	vld [tilespmem:s21+$0xFFFFFFE0];
	v9 =	vsub.f32 v9, v15  }
0x16f: {  	v13 =	vld [tilespmem:s21+$0xFFFFFFF0];
	v5 =	vor.u32 v7, v5  }
0x170: {  	v9 =	vmul.f32 v9, v8;
	v10 =	vmul.f32 v6, v10;
	v14 =	vld [tilespmem:s21+$0x0];
	v5 =	vshrl.u32 v5, $0x1F  }
0x171: {  	v8 =	vld [tilespmem:s22+$0xFFFFFFE0];
	v4 =	vadd.s32 v4, v5  }
.Ltmp7:
0x172: {  	v7 =	vld [tilespmem:s22+$0xFFFFFFF0];
	v11 =	vmul.f32 v3, v11;
	[tilespmem:s13+$0x10] =	vst v4;
	(pc) =	sbr.rel @p2 .LBB2_13-.Ltmp7, $4  }
0x173: {  	v3 =	vadd.f32 v9, v12;
	v6 =	vld [tilespmem:s22+$0x0]  }
0x174: {  	v5 =	vld [tilespmem:s13+$0xFFFFFFE0];
	v4 =	vadd.f32 v10, v13  }
0x175: {  	v10 =	vmul.f32 v3, v3;
	v3 =	vld [tilespmem:s13+$0xFFFFFFF0];
	v12 =	vadd.f32 v11, v14  }
0x176: {  	s2 =	sadd.s32 $0x40, s2;
	v9 =	vadd.f32 $-9.000000000e+00, v8;
	v11 =	vmul.f32 v4, v4;
	v4 =	vld [tilespmem:s13+$0x0]  }
0x177: {  	v8 =	vsub.f32 v10, v8;
	v58 =	vmul.f32 v12, v12  }
0x178: {  	v59 =	vadd.f32 $-9.000000000e+00, v7;
	v60 =	vsub.f32 v11, v7  }
0x179: {  	v61 =	vadd.f32 $-9.000000000e+00, v6;
	v8 =	vor.u32 v9, v8;
	v62 =	vsub.f32 v58, v6  }
.Ltmp8:
0x17a: {  	v8 =	vshrl.u32 v8, $0x1F;
	v7 =	vor.u32 v59, v60;
	(pc) =	sbr.rel @p1 .LBB2_16-.Ltmp8, $4  }
0x17b: {  	v5 =	vadd.s32 v5, v8;
	v7 =	vshrl.u32 v7, $0x1F;
	v6 =	vor.u32 v61, v62  }
0x17c: {  	[tilespmem:s13+$0xFFFFFFE0] =	vst v5;
	v3 =	vadd.s32 v3, v7;
	v63 =	vshrl.u32 v6, $0x1F  }
0x17d: {  	[tilespmem:s13+$0xFFFFFFF0] =	vst v3;
	v3 =	vadd.s32 v4, v63  }
0x17e: {  	[tilespmem:s13+$0x0] =	vst v3  }
0x17f: {  	s2 =	sshll.u32 s18, $0x14  }
0x180: {  	s2 =	sadd.s32 s17, s2  }
0x181: {  	s2 =	sshrl.u32 s2, $0x3  }
0x182: {  	s13 =	sadd.s32 s7, s2  }
0x183: {  	[tilespmem:s31], [sflag:$0x4] =	stream.linear.gather [hbm4b:s13+s6], $0x2000, $0x38;
	[tilespmem:$0x1A670] =	vst v63  }
0x184: {  	_ =	swait.ge [sflag:s14], $0x2000  }
0x185: {  	[sflag:s14] =	ssyncset.done $0x0  }
.Ltmp9:
0x186: {  	s2 =	sadd.s32 s8, s2;
	[sflag:s14] =	ssyncadd.s32 $0xFFFFE000;
	(pc) =	sbr.rel .LBB2_6-.Ltmp9, $4  }
0x187: {  	[tilespmem:s10], [sflag:$0x3] =	stream.linear.gather [hbm4b:s2+s6], $0x2000, $0x38;
	[tilespmem:$0x1A670] =	vst v63  }
0x188: {  	_ =	swait.ge [sflag:s29], $0x2000  }
0x189: {  	[sflag:s29] =	ssyncset.done $0x0  }
0x18a: {  	s18 =	sadd.s32 $0x1, s18;
	[sflag:s29] =	ssyncadd.s32 $0xFFFFE000  }
.LBB2_16:
0x18b: {  	s2 =	rddreg [dreg:$0xe];
	s13 =	simm.s32 $0x18570  }
0x18c: {  	[hbm4b:s2+s6] =	stream.linear.scatter [tilespmem:s13], [sflag:$0x3], $0x2000, $0x38;
	[tilespmem:$0x1A670] =	vst v63  }
0x18d: {  	_ =	swait.ge [sflag:s29], $0x2000  }
0x18e: {  	[sflag:s29] =	ssyncset.done $0x0  }
0x18f: {  	s2 =	simm.s32 $0x18590;
	[sflag:s29] =	ssyncadd.s32 $0xFFFFE000  }
0x190: {  	[tilespmem:s2+$0xFFFFFFE0] =	vst v0  }
0x191: {  	[tilespmem:s2+$0x10] =	vst v0  }
0x192: {  	s13 =	simm.s32 $0x0;
	[tilespmem:s2+$0x0] =	vst v0  }
.LBB2_17:
0x193: {  	s13 =	sadd.s32 $0x40, s13  }
0x194: {  	[tilespmem:s2+$0xFFFFFFF0] =	vst v0;
	s2 =	sadd.s32 $0x40, s2;
	p1 =	slt.u32 s13, $0x1FC0  }
.Ltmp10:
0x195: {  	[tilespmem:s2+$0xFFFFFFE0] =	vst v0;
	(pc) =	sbr.rel @p1 .LBB2_17-.Ltmp10, $3  }
0x196: {  	_ =	sdelay $0x1  }
0x197: {  	[tilespmem:s2+$0x10] =	vst v0  }
0x198: {  	[tilespmem:s2+$0x0] =	vst v0  }
0x199: {  	[tilespmem:s2+$0xFFFFFFF0] =	vst v0  }
0x19a: {  	s13 =	simm.s32 $0x570;
	s2 =	rddreg [dreg:$0xf]  }
0x19b: {  	[tilespmem:s13], [sflag:$0x3] =	stream.linear.gather [hbm4b:s2+s6], $0x2000, $0x38;
	[tilespmem:$0x1A670] =	vst v63  }
0x19c: {  	_ =	swait.ge [sflag:s29], $0x2000  }
0x19d: {  	[sflag:s29] =	ssyncset.done $0x0  }
0x19e: {  	s22 =	simm.s32 $0x4570;
	s21 =	rddreg [dreg:$0x11];
	[sflag:s29] =	ssyncadd.s32 $0xFFFFE000  }
0x19f: {  	[tilespmem:s22], [sflag:$0x3] =	stream.linear.gather [hbm4b:s21+s6], $0x2000, $0x38;
	[tilespmem:$0x1A670] =	vst v63  }
0x1a0: {  	_ =	swait.ge [sflag:s29], $0x2000  }
0x1a1: {  	[sflag:s29] =	ssyncset.done $0x0  }
0x1a2: {  	s23 =	simm.s32 $0x590;
	[sflag:s29] =	ssyncadd.s32 $0xFFFFE000  }
0x1a3: {  	v3 =	vld [tilespmem:s23+$0x10]  }
0x1a4: {  	v4 =	vld [tilespmem:s23+$0xFFFFFFF0]  }
0x1a5: {  	v5 =	vld [tilespmem:s23+$0x0]  }
0x1a6: {  	v6 =	vld [tilespmem:s23+$0xFFFFFFE0];
	_ =	sdelay $0x3  }
0x1a7: {  	v3 =	vsub.f32 v3, v1;
	v4 =	vsub.f32 v4, v1  }
0x1a8: {  	v5 =	vsub.f32 v5, v1;
	v6 =	vsub.f32 v6, v1  }
0x1a9: {  	s26 =	simm.s32 $0x5D0;
	v3 =	vmul.f32 v3, v2;
	v4 =	vmul.f32 v4, v2  }
0x1aa: {  	v10 =	vld [tilespmem:s26+$0xFFFFFFE0];
	v5 =	vmul.f32 v5, v2;
	v6 =	vmul.f32 v6, v2  }
0x1ab: {  	v3 =	vtrunc.f32 v3;
	v4 =	vtrunc.f32 v4  }
0x1ac: {  	v7 =	vld [tilespmem:s26+$0x10];
	v5 =	vtrunc.f32 v5;
	v3 =	vcvt.f32.s32 v3  }
0x1ad: {  	v8 =	vld [tilespmem:s26+$0xFFFFFFF0];
	v6 =	vtrunc.f32 v6;
	v4 =	vcvt.f32.s32 v4  }
0x1ae: {  	v9 =	vld [tilespmem:s26+$0x0];
	v6 =	vcvt.f32.s32 v6;
	v5 =	vcvt.f32.s32 v5;
	v3 =	vadd.s32 $0x1, v3  }
0x1af: {  	v10 =	vsub.f32 v10, v1;
	v4 =	vadd.s32 $0x1, v4;
	vm0 =	vgt.s32 v3, $0x1  }
0x1b0: {  	v6 =	vadd.s32 $0x1, v6;
	v5 =	vadd.s32 $0x1, v5;
	v3 =	vnsel vm0, $0x1, v3  }
0x1b1: {  	vm14 =	vgt.s32 v6, $0x1;
	v11 =	vmin.u32 v3, $0x169;
	v3 =	vsub.f32 v7, v1  }
0x1b2: {  	vm1 =	vgt.s32 v4, $0x1;
	vm15 =	vgt.s32 v5, $0x1;
	v7 =	vsub.f32 v8, v1  }
0x1b3: {  	v8 =	vnsel vm14, $0x1, v6;
	v6 =	vsub.f32 v9, v1;
	v9 =	vmul.f32 v3, v2  }
0x1b4: {  	s2 =	simm.s32 $0x8590;
	v12 =	vnsel vm1, $0x1, v4;
	v8 =	vmin.u32 v8, $0x169;
	v4 =	vmul.f32 v7, v2  }
0x1b5: {  	[tilespmem:s2+$0x10] =	vst v11;
	v3 =	vnsel vm15, $0x1, v5;
	v6 =	vmul.f32 v6, v2;
	v5 =	vtrunc.f32 v9  }
0x1b6: {  	s18 =	simm.s32 $0x610;
	s13 =	simm.s32 $0x40;
	v7 =	vmul.f32 v10, v2;
	[tilespmem:s2+$0xFFFFFFE0] =	vst v8;
	v8 =	vmin.u32 v12, $0x169;
	v5 =	vcvt.f32.s32 v5  }
.LBB2_19:
0x1b7: {  	v9 =	vld [tilespmem:s18+$0x10];
	s13 =	sadd.s32 $0x40, s13;
	v4 =	vtrunc.f32 v4;
	v6 =	vtrunc.f32 v6;
	[tilespmem:s2+$0xFFFFFFF0] =	vst v8;
	v3 =	vmin.u32 v3, $0x169  }
0x1b8: {  	v8 =	vld [tilespmem:s18+$0xFFFFFFF0];
	p1 =	slt.u32 s13, $0x1FC0;
	v7 =	vtrunc.f32 v7;
	v4 =	vcvt.f32.s32 v4;
	v5 =	vadd.s32 $0x1, v5;
	[tilespmem:s2+$0x0] =	vst v3  }
0x1b9: {  	v6 =	vcvt.f32.s32 v6;
	v3 =	vld [tilespmem:s18+$0x0];
	v7 =	vcvt.f32.s32 v7;
	vm0 =	vgt.s32 v5, $0x1  }
0x1ba: {  	v10 =	vld [tilespmem:s18+$0xFFFFFFE0];
	v4 =	vadd.s32 $0x1, v4;
	v5 =	vnsel vm0, $0x1, v5  }
0x1bb: {  	s2 =	sadd.s32 $0x40, s2;
	v6 =	vadd.s32 $0x1, v6;
	v7 =	vadd.s32 $0x1, v7;
	v5 =	vmin.u32 v5, $0x169  }
0x1bc: {  	vm1 =	vgt.s32 v4, $0x1;
	v9 =	vsub.f32 v9, v1;
	vm0 =	vgt.s32 v7, $0x1;
	[tilespmem:s2+$0x10] =	vst v5  }
.Ltmp11:
0x1bd: {  	v5 =	vsub.f32 v8, v1;
	v7 =	vnsel vm0, $0x1, v7;
	vm0 =	vgt.s32 v6, $0x1;
	(pc) =	sbr.rel @p1 .LBB2_19-.Ltmp11, $4  }
0x1be: {  	v11 =	vnsel vm1, $0x1, v4;
	v8 =	vsub.f32 v3, v1;
	v9 =	vmul.f32 v9, v2  }
0x1bf: {  	v3 =	vnsel vm0, $0x1, v6;
	v10 =	vsub.f32 v10, v1;
	v4 =	vmul.f32 v5, v2  }
0x1c0: {  	v6 =	vmul.f32 v8, v2;
	v5 =	vtrunc.f32 v9;
	v8 =	vmin.u32 v7, $0x169  }
0x1c1: {  	s18 =	sadd.s32 $0x40, s18;
	v7 =	vmul.f32 v10, v2;
	v5 =	vcvt.f32.s32 v5;
	[tilespmem:s2+$0xFFFFFFE0] =	vst v8;
	v8 =	vmin.u32 v11, $0x169  }
0x1c2: {  	v4 =	vtrunc.f32 v4;
	v6 =	vtrunc.f32 v6  }
0x1c3: {  	v7 =	vtrunc.f32 v7;
	v4 =	vcvt.f32.s32 v4;
	v5 =	vadd.s32 $0x1, v5  }
0x1c4: {  	v3 =	vmin.u32 v3, $0x169;
	v7 =	vcvt.f32.s32 v7;
	vm0 =	vgt.s32 v5, $0x1  }
0x1c5: {  	v6 =	vcvt.f32.s32 v6;
	v4 =	vadd.s32 $0x1, v4;
	v5 =	vnsel vm0, $0x1, v5  }
0x1c6: {  	s19 =	sadd.s32 $0x40, s2;
	[tilespmem:s2+$0x0] =	vst v3;
	v7 =	vadd.s32 $0x1, v7;
	v3 =	vmin.u32 v5, $0x169;
	vm1 =	vgt.s32 v4, $0x1  }
0x1c7: {  	v6 =	vadd.s32 $0x1, v6;
	vm14 =	vgt.s32 v7, $0x1;
	[tilespmem:s19+$0x10] =	vst v3;
	v3 =	vnsel vm1, $0x1, v4  }
0x1c8: {  	[tilespmem:s2+$0xFFFFFFF0] =	vst v8;
	vm15 =	vgt.s32 v6, $0x1;
	v61 =	vnsel vm14, $0x1, v7;
	v3 =	vmin.u32 v3, $0x169  }
0x1c9: {  	v63 =	vnsel vm15, $0x1, v6;
	v62 =	vmin.u32 v61, $0x169;
	[tilespmem:s19+$0xFFFFFFF0] =	vst v3  }
0x1ca: {  	v3 =	vmin.u32 v63, $0x169;
	[tilespmem:s19+$0xFFFFFFE0] =	vst v62  }
0x1cb: {  	s20 =	simm.s32 $0x8570;
	s13 =	simm.s32 $0xC570;
	[tilespmem:s19+$0x0] =	vst v3  }
0x1cc: {  	[tilespmem:s13], [sflag:$0x1] =	stream.indirect.gather [spmem:s3], $0x1, s20, s1, $0xb8;
	[tilespmem:$0x1A670] =	vst v63  }
0x1cd: {  	s21 =	simm.s32 $0x10570  }
0x1ce: {  	[tilespmem:s21], [sflag:$0x1] =	stream.indirect.gather [spmem:s4], $0x1, s20, s1, $0xb8;
	[tilespmem:$0x1A670] =	vst v63  }
0x1cf: {  	s22 =	simm.s32 $0x14570  }
0x1d0: {  	[tilespmem:s22], [sflag:$0x1] =	stream.indirect.gather [spmem:s5], $0x1, s20, s1, $0xb8;
	[tilespmem:$0x1A670] =	vst v63  }
0x1d1: {  	s18 =	simm.s32 $0x0;
	s23 =	rddreg [dreg:$0x12]  }
0x1d2: {  	[tilespmem:s31], [sflag:$0x3] =	stream.linear.gather [hbm4b:s23+s18], $0x2000, $0x38;
	[tilespmem:$0x1A670] =	vst v63  }
0x1d3: {  	_ =	swait.ge [sflag:s29], $0x2000  }
0x1d4: {  	[sflag:s29] =	ssyncset.done $0x0  }
0x1d5: {  	s26 =	rddreg [dreg:$0x13];
	[sflag:s29] =	ssyncadd.s32 $0xFFFFE000  }
0x1d6: {  	[tilespmem:s10], [sflag:$0x3] =	stream.linear.gather [hbm4b:s26+s18], $0x2000, $0x38;
	[tilespmem:$0x1A670] =	vst v63  }
0x1d7: {  	_ =	swait.ge [sflag:s29], $0x2000  }
0x1d8: {  	[sflag:s29] =	ssyncset.done $0x0  }
0x1d9: {  	[sflag:s29] =	ssyncadd.s32 $0xFFFFE000  }
.LBB2_21:
0x1da: {  	_ =	swait.ge [sflag:s0], $0x2000  }
0x1db: {  	[sflag:s0] =	ssyncset.done $0x0  }
0x1dc: {  	[sflag:s0] =	ssyncadd.s32 $0xFFFFE000  }
0x1dd: {  	_ =	swait.ge [sflag:s0], $0x2000  }
0x1de: {  	[sflag:s0] =	ssyncset.done $0x0  }
0x1df: {  	[sflag:s0] =	ssyncadd.s32 $0xFFFFE000  }
0x1e0: {  	_ =	swait.ge [sflag:s0], $0x2000  }
0x1e1: {  	[sflag:s0] =	ssyncset.done $0x0  }
0x1e2: {  	s2 =	simm.s32 $0x2590;
	[sflag:s0] =	ssyncadd.s32 $0xFFFFE000  }
0x1e3: {  	v3 =	vld [tilespmem:s2+$0x10]  }
0x1e4: {  	v4 =	vld [tilespmem:s2+$0xFFFFFFF0]  }
0x1e5: {  	v5 =	vld [tilespmem:s2+$0x0]  }
0x1e6: {  	s26 =	simm.s32 $0x25D0;
	v6 =	vld [tilespmem:s2+$0xFFFFFFE0]  }
0x1e7: {  	v7 =	vld [tilespmem:s26+$0x10]  }
0x1e8: {  	v9 =	vld [tilespmem:s26+$0xFFFFFFF0]  }
0x1e9: {  	v10 =	vld [tilespmem:s26+$0x0]  }
0x1ea: {  	v3 =	vsub.f32 v3, v1  }
0x1eb: {  	v4 =	vsub.f32 v4, v1;
	v5 =	vsub.f32 v5, v1  }
0x1ec: {  	v6 =	vsub.f32 v6, v1;
	v7 =	vsub.f32 v7, v1  }
0x1ed: {  	v9 =	vsub.f32 v9, v1;
	v3 =	vmul.f32 v3, v2;
	v4 =	vmul.f32 v4, v2  }
0x1ee: {  	v11 =	vld [tilespmem:s26+$0xFFFFFFE0];
	v10 =	vsub.f32 v10, v1;
	v5 =	vmul.f32 v5, v2;
	v6 =	vmul.f32 v6, v2  }
0x1ef: {  	v7 =	vmul.f32 v7, v2;
	v9 =	vmul.f32 v9, v2  }
0x1f0: {  	v10 =	vmul.f32 v10, v2;
	v3 =	vtrunc.f32 v3  }
0x1f1: {  	v4 =	vtrunc.f32 v4;
	v5 =	vtrunc.f32 v5  }
0x1f2: {  	s13 =	sshllo.u32 s18, $0x1;
	v6 =	vtrunc.f32 v6;
	v13 =	vtrunc.f32 v7  }
0x1f3: {  	s19 =	smul.u32 $0x170, s13;
	v11 =	vsub.f32 v11, v1;
	v3 =	vcvt.f32.s32 v3;
	v4 =	vcvt.f32.s32 v4  }
0x1f4: {  	v6 =	vcvt.f32.s32 v6;
	v5 =	vcvt.f32.s32 v5  }
0x1f5: {  	v7 =	vmul.f32 v11, v2;
	v8 =	vadd.s32 $0x1, v3;
	v3 =	vmov s19  }
0x1f6: {  	v4 =	vadd.s32 $0x1, v4;
	v6 =	vadd.s32 $0x1, v6;
	v5 =	vadd.s32 $0x1, v5  }
0x1f7: {  	vm0 =	vgt.s32 v8, $0x1;
	vm14 =	vgt.s32 v6, $0x1;
	vm1 =	vgt.s32 v4, $0x1  }
0x1f8: {  	vm15 =	vgt.s32 v5, $0x1;
	v8 =	vnsel vm0, $0x1, v8;
	v6 =	vnsel vm14, $0x1, v6  }
0x1f9: {  	v4 =	vnsel vm1, $0x1, v4;
	v5 =	vnsel vm15, $0x1, v5;
	v8 =	vmin.u32 v8, $0x169  }
0x1fa: {  	s2 =	simm.s32 $0xA590;
	v6 =	vmin.u32 v6, $0x169;
	v12 =	vmin.u32 v4, $0x169;
	v8 =	vadd.s32 v3, v8  }
0x1fb: {  	v4 =	vmin.u32 v5, $0x169;
	v5 =	vcvt.f32.s32 v13;
	[tilespmem:s2+$0x10] =	vst v8;
	v8 =	vadd.s32 v3, v6  }
0x1fc: {  	s20 =	simm.s32 $0x2610;
	v9 =	vtrunc.f32 v9;
	s19 =	simm.s32 $0x40;
	v6 =	vtrunc.f32 v10;
	[tilespmem:s2+$0xFFFFFFE0] =	vst v8;
	v8 =	vadd.s32 v3, v12  }
.LBB2_22:
0x1fd: {  	v10 =	vld [tilespmem:s20+$0x10];
	s19 =	sadd.s32 $0x40, s19;
	v7 =	vtrunc.f32 v7;
	v9 =	vcvt.f32.s32 v9;
	v5 =	vadd.s32 $0x1, v5;
	[tilespmem:s2+$0xFFFFFFF0] =	vst v8  }
0x1fe: {  	v6 =	vcvt.f32.s32 v6;
	v8 =	vld [tilespmem:s20+$0xFFFFFFF0];
	p1 =	slt.u32 s19, $0x1FC0;
	v7 =	vcvt.f32.s32 v7;
	vm0 =	vgt.s32 v5, $0x1  }
0x1ff: {  	v4 =	vadd.s32 v3, v4;
	v11 =	vld [tilespmem:s20+$0x0];
	v9 =	vadd.s32 $0x1, v9;
	v5 =	vnsel vm0, $0x1, v5  }
0x200: {  	v6 =	vadd.s32 $0x1, v6;
	v12 =	vld [tilespmem:s20+$0xFFFFFFE0];
	v7 =	vadd.s32 $0x1, v7;
	v5 =	vmin.u32 v5, $0x169;
	[tilespmem:s2+$0x0] =	vst v4  }
0x201: {  	vm1 =	vgt.s32 v9, $0x1;
	s2 =	sadd.s32 $0x40, s2;
	vm0 =	vgt.s32 v7, $0x1;
	v4 =	vadd.s32 v3, v5  }
0x202: {  	v5 =	vsub.f32 v10, v1;
	v7 =	vnsel vm0, $0x1, v7;
	vm0 =	vgt.s32 v6, $0x1;
	[tilespmem:s2+$0x10] =	vst v4  }
0x203: {  	v4 =	vsub.f32 v8, v1;
	v8 =	vnsel vm1, $0x1, v9;
	v6 =	vnsel vm0, $0x1, v6  }
.Ltmp12:
0x204: {  	v10 =	vmin.u32 v7, $0x169;
	v9 =	vsub.f32 v11, v1;
	v5 =	vmul.f32 v5, v2;
	(pc) =	sbr.rel @p1 .LBB2_22-.Ltmp12, $4  }
0x205: {  	v8 =	vmin.u32 v8, $0x169;
	v7 =	vsub.f32 v12, v1;
	v11 =	vmul.f32 v4, v2  }
0x206: {  	v4 =	vmin.u32 v6, $0x169;
	v12 =	vmul.f32 v9, v2;
	v5 =	vtrunc.f32 v5  }
0x207: {  	v10 =	vadd.s32 v3, v10;
	v7 =	vmul.f32 v7, v2;
	v5 =	vcvt.f32.s32 v5  }
0x208: {  	s20 =	sadd.s32 $0x40, s20;
	v8 =	vadd.s32 v3, v8;
	v9 =	vtrunc.f32 v11;
	v6 =	vtrunc.f32 v12;
	[tilespmem:s2+$0xFFFFFFE0] =	vst v10  }
0x209: {  	v7 =	vtrunc.f32 v7  }
0x20a: {  	v9 =	vcvt.f32.s32 v9;
	v5 =	vadd.s32 $0x1, v5;
	v6 =	vcvt.f32.s32 v6  }
0x20b: {  	v4 =	vadd.s32 v3, v4;
	v7 =	vcvt.f32.s32 v7;
	vm0 =	vgt.s32 v5, $0x1  }
0x20c: {  	v9 =	vadd.s32 $0x1, v9;
	v5 =	vnsel vm0, $0x1, v5;
	v6 =	vadd.s32 $0x1, v6  }
0x20d: {  	v7 =	vadd.s32 $0x1, v7;
	v5 =	vmin.u32 v5, $0x169;
	vm1 =	vgt.s32 v9, $0x1  }
0x20e: {  	[tilespmem:s2+$0x0] =	vst v4;
	vm15 =	vgt.s32 v6, $0x1;
	vm14 =	vgt.s32 v7, $0x1;
	v4 =	vnsel vm1, $0x1, v9  }
0x20f: {  	[tilespmem:s2+$0xFFFFFFF0] =	vst v8;
	s23 =	sadd.s32 $0x40, s2;
	v5 =	vadd.s32 v3, v5;
	v7 =	vnsel vm14, $0x1, v7;
	v4 =	vmin.u32 v4, $0x169  }
0x210: {  	[tilespmem:s23+$0x10] =	vst v5;
	v5 =	vnsel vm15, $0x1, v6;
	v7 =	vmin.u32 v7, $0x169;
	v4 =	vadd.s32 v3, v4  }
0x211: {  	v5 =	vmin.u32 v5, $0x169;
	v6 =	vadd.s32 v3, v7;
	[tilespmem:s23+$0xFFFFFFF0] =	vst v4  }
0x212: {  	v3 =	vadd.s32 v3, v5;
	[tilespmem:s23+$0xFFFFFFE0] =	vst v6  }
0x213: {  	[tilespmem:s23+$0x0] =	vst v3  }
0x214: {  	[tilespmem:s28], [sflag:$0x2] =	stream.indirect.gather [spmem:s3], $0x1, s11, s1, $0xb8;
	[tilespmem:$0x1A670] =	vst v63  }
0x215: {  	_ = 	snop  }
0x216: {  	[tilespmem:s30], [sflag:$0x2] =	stream.indirect.gather [spmem:s4], $0x1, s11, s1, $0xb8;
	[tilespmem:$0x1A670] =	vst v63  }
0x217: {  	s26 =	simm.s32 $0x590  }
0x218: {  	[tilespmem:s9], [sflag:$0x2] =	stream.indirect.gather [spmem:s5], $0x1, s11, s1, $0xb8;
	[tilespmem:$0x1A670] =	vst v63  }
0x219: {  	s20 =	simm.s32 $0xC590;
	v3 =	vld [tilespmem:s26+$0x10]  }
0x21a: {  	v4 =	vld [tilespmem:s20+$0x10]  }
0x21b: {  	s21 =	simm.s32 $0x14590;
	v5 =	vld [tilespmem:s20+$0xFFFFFFE0]  }
0x21c: {  	v6 =	vld [tilespmem:s21+$0x10]  }
0x21d: {  	s22 =	simm.s32 $0x10590;
	v7 =	vld [tilespmem:s26+$0xFFFFFFF0]  }
0x21e: {  	v8 =	vld [tilespmem:s22+$0x10]  }
0x21f: {  	v9 =	vld [tilespmem:s20+$0xFFFFFFF0]  }
0x220: {  	v10 =	vld [tilespmem:s26+$0x0]  }
0x221: {  	v11 =	vld [tilespmem:s20+$0x0]  }
0x222: {  	v12 =	vld [tilespmem:s26+$0xFFFFFFE0];
	v3 =	vsub.f32 v3, v4  }
0x223: {  	s23 =	simm.s32 $0x4590;
	v13 =	vld [tilespmem:s21+$0xFFFFFFF0]  }
0x224: {  	v4 =	vld [tilespmem:s23+$0x10];
	v3 =	vmul.f32 v3, v6  }
0x225: {  	v6 =	vld [tilespmem:s21+$0xFFFFFFE0]  }
0x226: {  	v14 =	vld [tilespmem:s21+$0x0];
	v3 =	vadd.f32 v3, v8  }
0x227: {  	s19 =	simm.s32 $0x18590;
	v16 =	vld [tilespmem:s22+$0xFFFFFFE0]  }
0x228: {  	v15 =	vld [tilespmem:s19+$0x10];
	v5 =	vsub.f32 v12, v5;
	v3 =	vmul.f32 v3, v3  }
0x229: {  	v7 =	vsub.f32 v7, v9;
	v12 =	vld [tilespmem:s22+$0xFFFFFFF0]  }
0x22a: {  	v17 =	vld [tilespmem:s22+$0x0];
	v5 =	vmul.f32 v5, v6;
	v3 =	vsub.f32 v3, v4;
	v4 =	vadd.f32 $-9.000000000e+00, v4  }
0x22b: {  	p1 =	seq.s32 s18, $0x0;
	s2 =	simm.s32 $0x21;
	v9 =	vld [tilespmem:s23+$0xFFFFFFE0];
	v6 =	vsub.f32 v10, v11  }
0x22c: {  	s2 =	simm.s32 @!p1 $0x1;
	v8 =	vld [tilespmem:s23+$0xFFFFFFF0];
	v10 =	vmul.f32 v7, v13;
	v5 =	vadd.f32 v5, v16;
	v4 =	vor.u32 v4, v3  }
0x22d: {  	v7 =	vld [tilespmem:s23+$0x0];
	v13 =	vmul.f32 v6, v14;
	v3 =	vmov s2;
	v4 =	vshra.s32 v4, $0x1F  }
0x22e: {  	v6 =	vld [tilespmem:s19+$0xFFFFFFE0];
	v12 =	vadd.f32 v10, v12;
	v4 =	vand.u32 v3, v4  }
0x22f: {  	v11 =	vmul.f32 v5, v5;
	v13 =	vadd.f32 v13, v17;
	v5 =	vld [tilespmem:s19+$0x0];
	v10 =	vadd.s32 v15, v4  }
0x230: {  	s26 =	simm.s32 $0x0;
	s2 =	simm.s32 $0x5D0;
	v12 =	vmul.f32 v12, v12;
	v4 =	vld [tilespmem:s19+$0xFFFFFFF0];
	[tilespmem:s19+$0x10] =	vst v10;
	v10 =	vadd.f32 $-9.000000000e+00, v9  }
.LBB2_24:
0x231: {  	v14 =	vld [tilespmem:s2+$0x10];
	v9 =	vsub.f32 v11, v9;
	v11 =	vadd.f32 $-9.000000000e+00, v8;
	v13 =	vmul.f32 v13, v13;
	s20 =	sadd.s32 $0x40, s20  }
0x232: {  	s26 =	sadd.s32 $0x40, s26;
	v15 =	vld [tilespmem:s20+$0x10];
	v8 =	vsub.f32 v12, v8;
	v12 =	vadd.f32 $-9.000000000e+00, v7  }
0x233: {  	s21 =	sadd.s32 $0x40, s21;
	p1 =	slt.u32 s26, $0x1FC0;
	v16 =	vld [tilespmem:s20+$0xFFFFFFE0];
	v9 =	vor.u32 v10, v9;
	v7 =	vsub.f32 v13, v7  }
0x234: {  	v10 =	vld [tilespmem:s21+$0x10];
	v9 =	vshra.s32 v9, $0x1F;
	v8 =	vor.u32 v11, v8  }
0x235: {  	s22 =	sadd.s32 $0x40, s22;
	v11 =	vld [tilespmem:s2+$0xFFFFFFF0];
	v9 =	vand.u32 v3, v9;
	v8 =	vshra.s32 v8, $0x1F;
	v7 =	vor.u32 v12, v7  }
0x236: {  	v12 =	vld [tilespmem:s22+$0x10];
	v6 =	vadd.s32 v6, v9;
	v8 =	vand.u32 v3, v8;
	v7 =	vshra.s32 v7, $0x1F  }
0x237: {  	v9 =	vld [tilespmem:s20+$0xFFFFFFF0];
	v13 =	vsub.f32 v14, v15;
	[tilespmem:s19+$0xFFFFFFE0] =	vst v6;
	v4 =	vadd.s32 v4, v8;
	v6 =	vand.u32 v3, v7  }
0x238: {  	v7 =	vld [tilespmem:s2+$0x0];
	[tilespmem:s19+$0xFFFFFFF0] =	vst v4;
	v4 =	vadd.s32 v5, v6  }
0x239: {  	s23 =	sadd.s32 $0x40, s23;
	v5 =	vld [tilespmem:s20+$0x0];
	v6 =	vmul.f32 v13, v10;
	[tilespmem:s19+$0x0] =	vst v4  }
0x23a: {  	v4 =	vld [tilespmem:s23+$0x10]  }
0x23b: {  	v8 =	vld [tilespmem:s2+$0xFFFFFFE0];
	v6 =	vadd.f32 v6, v12  }
0x23c: {  	v10 =	vld [tilespmem:s21+$0xFFFFFFE0];
	v9 =	vsub.f32 v11, v9  }
0x23d: {  	v11 =	vld [tilespmem:s21+$0xFFFFFFF0];
	v6 =	vmul.f32 v6, v6  }
0x23e: {  	s19 =	sadd.s32 $0x40, s19;
	v12 =	vld [tilespmem:s21+$0x0];
	v5 =	vsub.f32 v7, v5  }
0x23f: {  	v6 =	vsub.f32 v6, v4;
	v4 =	vadd.f32 $-9.000000000e+00, v4;
	v7 =	vld [tilespmem:s19+$0x10]  }
0x240: {  	v13 =	vld [tilespmem:s22+$0xFFFFFFE0];
	v8 =	vsub.f32 v8, v16  }
0x241: {  	v14 =	vld [tilespmem:s22+$0xFFFFFFF0];
	v4 =	vor.u32 v4, v6  }
0x242: {  	v6 =	vmul.f32 v8, v10;
	v10 =	vmul.f32 v9, v11;
	v15 =	vld [tilespmem:s22+$0x0];
	v4 =	vshra.s32 v4, $0x1F  }
0x243: {  	v9 =	vld [tilespmem:s23+$0xFFFFFFE0];
	v5 =	vmul.f32 v5, v12;
	v4 =	vand.u32 v3, v4  }
.Ltmp13:
0x244: {  	v8 =	vld [tilespmem:s23+$0xFFFFFFF0];
	v4 =	vadd.s32 v7, v4;
	(pc) =	sbr.rel @p1 .LBB2_24-.Ltmp13, $4  }
0x245: {  	v11 =	vadd.f32 v6, v13;
	v7 =	vld [tilespmem:s23+$0x0];
	[tilespmem:s19+$0x10] =	vst v4  }
0x246: {  	v6 =	vld [tilespmem:s19+$0xFFFFFFE0];
	v12 =	vadd.f32 v10, v14  }
0x247: {  	v11 =	vmul.f32 v11, v11;
	v4 =	vld [tilespmem:s19+$0xFFFFFFF0];
	v13 =	vadd.f32 v5, v15  }
0x248: {  	s2 =	sadd.s32 $0x40, s2;
	v10 =	vadd.f32 $-9.000000000e+00, v9;
	v12 =	vmul.f32 v12, v12;
	v5 =	vld [tilespmem:s19+$0x0]  }
0x249: {  	v9 =	vsub.f32 v11, v9;
	v11 =	vmul.f32 v13, v13  }
0x24a: {  	v60 =	vadd.f32 $-9.000000000e+00, v8;
	v8 =	vsub.f32 v12, v8  }
0x24b: {  	v61 =	vadd.f32 $-9.000000000e+00, v7;
	v9 =	vor.u32 v10, v9;
	v7 =	vsub.f32 v11, v7  }
0x24c: {  	v9 =	vshra.s32 v9, $0x1F;
	v8 =	vor.u32 v60, v8  }
0x24d: {  	p1 =	seq.s32 s18, $0x9;
	v9 =	vand.u32 v3, v9;
	v8 =	vshra.s32 v8, $0x1F;
	v7 =	vor.u32 v61, v7  }
0x24e: {  	s2 =	sshll.u32 @!p1 s18, $0x14;
	v6 =	vadd.s32 v6, v9;
	v8 =	vand.u32 v3, v8;
	v7 =	vshra.s32 v7, $0x1F  }
0x24f: {  	s2 =	sadd.s32 @!p1 s24, s2;
	[tilespmem:s19+$0xFFFFFFE0] =	vst v6;
	v4 =	vadd.s32 v4, v8;
	v3 =	vand.u32 v3, v7  }
0x250: {  	s2 =	sshrl.u32 @!p1 s2, $0x3;
	[tilespmem:s19+$0xFFFFFFF0] =	vst v4;
	v3 =	vadd.s32 v5, v3  }
0x251: {  	s20 =	simm.s32 @!p1 $0x0;
	s21 =	simm.s32 @!p1 $0x570;
	[tilespmem:s19+$0x0] =	vst v3;
	s19 =	sadd.s32 @!p1 s7, s2  }
0x252: {  	[tilespmem:s21], [sflag:$0x4] =	stream.linear.gather @!p1 [hbm4b:s19+s20], $0x2000, $0x38;
	[tilespmem:$0x1A670] =	vst v63  }
0x253: {  	s19 =	simm.s32 @!p1 $0x4  }
0x254: {  	_ =	swait.ge @!p1 [sflag:s19], $0x2000  }
0x255: {  	[sflag:s19] =	ssyncset.done @!p1 $0x0  }
0x256: {  	s2 =	sadd.s32 @!p1 s8, s2;
	s21 =	simm.s32 @!p1 $0x4570;
	[sflag:s19] =	ssyncadd.s32 @!p1 $0xFFFFE000  }
0x257: {  	[tilespmem:s21], [sflag:$0x4] =	stream.linear.gather @!p1 [hbm4b:s2+s20], $0x2000, $0x38;
	[tilespmem:$0x1A670] =	vst v63  }
0x258: {  	_ =	swait.ge @!p1 [sflag:s19], $0x2000  }
0x259: {  	[sflag:s19] =	ssyncset.done @!p1 $0x0  }
0x25a: {  	[sflag:s19] =	ssyncadd.s32 @!p1 $0xFFFFE000  }
0x25b: {  	_ =	swait.ge [sflag:s12], $0x2000  }
0x25c: {  	[sflag:s12] =	ssyncset.done $0x0  }
0x25d: {  	[sflag:s12] =	ssyncadd.s32 $0xFFFFE000  }
0x25e: {  	_ =	swait.ge [sflag:s12], $0x2000  }
0x25f: {  	[sflag:s12] =	ssyncset.done $0x0  }
0x260: {  	[sflag:s12] =	ssyncadd.s32 $0xFFFFE000  }
0x261: {  	_ =	swait.ge [sflag:s12], $0x2000  }
0x262: {  	[sflag:s12] =	ssyncset.done $0x0  }
0x263: {  	s22 =	simm.s32 $0x590;
	[sflag:s12] =	ssyncadd.s32 $0xFFFFE000  }
0x264: {  	v3 =	vld [tilespmem:s22+$0x10]  }
0x265: {  	v4 =	vld [tilespmem:s22+$0xFFFFFFF0]  }
0x266: {  	v5 =	vld [tilespmem:s22+$0x0]  }
0x267: {  	s26 =	simm.s32 $0x5D0;
	v6 =	vld [tilespmem:s22+$0xFFFFFFE0]  }
0x268: {  	v7 =	vld [tilespmem:s26+$0x10]  }
0x269: {  	v9 =	vld [tilespmem:s26+$0xFFFFFFF0]  }
0x26a: {  	v10 =	vld [tilespmem:s26+$0x0]  }
0x26b: {  	v3 =	vsub.f32 v3, v1  }
0x26c: {  	v4 =	vsub.f32 v4, v1;
	v5 =	vsub.f32 v5, v1  }
0x26d: {  	v6 =	vsub.f32 v6, v1;
	v7 =	vsub.f32 v7, v1  }
0x26e: {  	v9 =	vsub.f32 v9, v1;
	v3 =	vmul.f32 v3, v2;
	v4 =	vmul.f32 v4, v2  }
0x26f: {  	v11 =	vld [tilespmem:s26+$0xFFFFFFE0];
	v10 =	vsub.f32 v10, v1;
	v5 =	vmul.f32 v5, v2;
	v6 =	vmul.f32 v6, v2  }
0x270: {  	v7 =	vmul.f32 v7, v2;
	v9 =	vmul.f32 v9, v2  }
0x271: {  	v10 =	vmul.f32 v10, v2;
	v3 =	vtrunc.f32 v3  }
0x272: {  	v4 =	vtrunc.f32 v4;
	v5 =	vtrunc.f32 v5  }
0x273: {  	s23 =	smul.u32 $0x2E0, s18;
	v6 =	vtrunc.f32 v6;
	v63 =	vtrunc.f32 v7  }
0x274: {  	v11 =	vsub.f32 v11, v1;
	v3 =	vcvt.f32.s32 v3;
	v4 =	vcvt.f32.s32 v4  }
0x275: {  	s2 =	sadd.s32 $0x2E0, s23;
	v6 =	vcvt.f32.s32 v6;
	v5 =	vcvt.f32.s32 v5  }
0x276: {  	v7 =	vmul.f32 v11, v2;
	v8 =	vadd.s32 $0x1, v3;
	v3 =	vmov s2  }
0x277: {  	v4 =	vadd.s32 $0x1, v4;
	v6 =	vadd.s32 $0x1, v6;
	v5 =	vadd.s32 $0x1, v5  }
0x278: {  	vm0 =	vgt.s32 v8, $0x1;
	vm14 =	vgt.s32 v6, $0x1;
	vm1 =	vgt.s32 v4, $0x1  }
0x279: {  	vm15 =	vgt.s32 v5, $0x1;
	v8 =	vnsel vm0, $0x1, v8;
	v6 =	vnsel vm14, $0x1, v6  }
0x27a: {  	v4 =	vnsel vm1, $0x1, v4;
	v5 =	vnsel vm15, $0x1, v5;
	v8 =	vmin.u32 v8, $0x169  }
0x27b: {  	s2 =	simm.s32 $0x8590;
	v6 =	vmin.u32 v6, $0x169;
	v62 =	vmin.u32 v4, $0x169;
	v8 =	vadd.s32 v3, v8  }
0x27c: {  	v4 =	vmin.u32 v5, $0x169;
	v5 =	vcvt.f32.s32 v63;
	[tilespmem:s2+$0x10] =	vst v8;
	v8 =	vadd.s32 v3, v6  }
0x27d: {  	s20 =	simm.s32 $0x610;
	s19 =	simm.s32 $0x40;
	v9 =	vtrunc.f32 v9;
	v6 =	vtrunc.f32 v10;
	[tilespmem:s2+$0xFFFFFFE0] =	vst v8;
	v8 =	vadd.s32 v3, v62  }
.LBB2_26:
0x27e: {  	v10 =	vld [tilespmem:s20+$0x10];
	s19 =	sadd.s32 $0x40, s19;
	v7 =	vtrunc.f32 v7;
	v9 =	vcvt.f32.s32 v9;
	v5 =	vadd.s32 $0x1, v5;
	[tilespmem:s2+$0xFFFFFFF0] =	vst v8  }
0x27f: {  	v6 =	vcvt.f32.s32 v6;
	v8 =	vld [tilespmem:s20+$0xFFFFFFF0];
	p2 =	slt.u32 s19, $0x1FC0;
	v7 =	vcvt.f32.s32 v7;
	vm0 =	vgt.s32 v5, $0x1  }
0x280: {  	v4 =	vadd.s32 v3, v4;
	v11 =	vld [tilespmem:s20+$0x0];
	v9 =	vadd.s32 $0x1, v9;
	v5 =	vnsel vm0, $0x1, v5  }
0x281: {  	v6 =	vadd.s32 $0x1, v6;
	v12 =	vld [tilespmem:s20+$0xFFFFFFE0];
	v7 =	vadd.s32 $0x1, v7;
	v5 =	vmin.u32 v5, $0x169;
	[tilespmem:s2+$0x0] =	vst v4  }
0x282: {  	vm1 =	vgt.s32 v9, $0x1;
	s2 =	sadd.s32 $0x40, s2;
	vm0 =	vgt.s32 v7, $0x1;
	v4 =	vadd.s32 v3, v5  }
0x283: {  	v5 =	vsub.f32 v10, v1;
	v7 =	vnsel vm0, $0x1, v7;
	vm0 =	vgt.s32 v6, $0x1;
	[tilespmem:s2+$0x10] =	vst v4  }
0x284: {  	v4 =	vsub.f32 v8, v1;
	v8 =	vnsel vm1, $0x1, v9;
	v6 =	vnsel vm0, $0x1, v6  }
.Ltmp14:
0x285: {  	v10 =	vmin.u32 v7, $0x169;
	v9 =	vsub.f32 v11, v1;
	v5 =	vmul.f32 v5, v2;
	(pc) =	sbr.rel @p2 .LBB2_26-.Ltmp14, $4  }
0x286: {  	v8 =	vmin.u32 v8, $0x169;
	v7 =	vsub.f32 v12, v1;
	v11 =	vmul.f32 v4, v2  }
0x287: {  	v4 =	vmin.u32 v6, $0x169;
	v12 =	vmul.f32 v9, v2;
	v5 =	vtrunc.f32 v5  }
0x288: {  	v10 =	vadd.s32 v3, v10;
	v7 =	vmul.f32 v7, v2;
	v5 =	vcvt.f32.s32 v5  }
0x289: {  	s20 =	sadd.s32 $0x40, s20;
	v8 =	vadd.s32 v3, v8;
	v9 =	vtrunc.f32 v11;
	v6 =	vtrunc.f32 v12;
	[tilespmem:s2+$0xFFFFFFE0] =	vst v10  }
0x28a: {  	v7 =	vtrunc.f32 v7  }
0x28b: {  	v9 =	vcvt.f32.s32 v9;
	v5 =	vadd.s32 $0x1, v5;
	v6 =	vcvt.f32.s32 v6  }
0x28c: {  	v4 =	vadd.s32 v3, v4;
	v7 =	vcvt.f32.s32 v7;
	vm0 =	vgt.s32 v5, $0x1  }
0x28d: {  	v9 =	vadd.s32 $0x1, v9;
	v5 =	vnsel vm0, $0x1, v5;
	v6 =	vadd.s32 $0x1, v6  }
0x28e: {  	v7 =	vadd.s32 $0x1, v7;
	v5 =	vmin.u32 v5, $0x169;
	vm1 =	vgt.s32 v9, $0x1  }
0x28f: {  	[tilespmem:s2+$0x0] =	vst v4;
	vm15 =	vgt.s32 v6, $0x1;
	vm14 =	vgt.s32 v7, $0x1;
	v4 =	vnsel vm1, $0x1, v9  }
0x290: {  	[tilespmem:s2+$0xFFFFFFF0] =	vst v8;
	s23 =	sadd.s32 $0x40, s2;
	v5 =	vadd.s32 v3, v5;
	v7 =	vnsel vm14, $0x1, v7;
	v4 =	vmin.u32 v4, $0x169  }
0x291: {  	[tilespmem:s23+$0x10] =	vst v5;
	v5 =	vnsel vm15, $0x1, v6;
	v7 =	vmin.u32 v7, $0x169;
	v4 =	vadd.s32 v3, v4  }
0x292: {  	v5 =	vmin.u32 v5, $0x169;
	v6 =	vadd.s32 v3, v7;
	[tilespmem:s23+$0xFFFFFFF0] =	vst v4  }
0x293: {  	p2 =	sgt.u32 s13, $0x12;
	v3 =	vadd.s32 v3, v5;
	[tilespmem:s23+$0xFFFFFFE0] =	vst v6  }
0x294: {  	s2 =	simm.s32 @!p2 $0x2000;
	s13 =	simm.s32 @!p2 $0x8570;
	s19 =	simm.s32 @!p2 $0xC570;
	[tilespmem:s23+$0x0] =	vst v3  }
0x295: {  	[tilespmem:s19], [sflag:$0x1] =	stream.indirect.gather @!p2 [spmem:s3], $0x1, s13, s2, $0xb8;
	[tilespmem:$0x1A670] =	vst v63  }
0x296: {  	s19 =	simm.s32 @!p2 $0x10570  }
0x297: {  	[tilespmem:s19], [sflag:$0x1] =	stream.indirect.gather @!p2 [spmem:s4], $0x1, s13, s2, $0xb8;
	[tilespmem:$0x1A670] =	vst v63  }
0x298: {  	s26 =	simm.s32 $0x2590;
	s19 =	simm.s32 @!p2 $0x14570  }
0x299: {  	[tilespmem:s19], [sflag:$0x1] =	stream.indirect.gather @!p2 [spmem:s5], $0x1, s13, s2, $0xb8;
	[tilespmem:$0x1A670] =	vst v63  }
0x29a: {  	s19 =	simm.s32 $0xE590;
	v3 =	vld [tilespmem:s26+$0x10]  }
0x29b: {  	v4 =	vld [tilespmem:s19+$0x10]  }
0x29c: {  	s20 =	simm.s32 $0x16590;
	v5 =	vld [tilespmem:s19+$0xFFFFFFE0]  }
0x29d: {  	v6 =	vld [tilespmem:s20+$0x10]  }
0x29e: {  	s21 =	simm.s32 $0x12590;
	v7 =	vld [tilespmem:s26+$0xFFFFFFF0]  }
0x29f: {  	v8 =	vld [tilespmem:s21+$0x10]  }
0x2a0: {  	v9 =	vld [tilespmem:s19+$0xFFFFFFF0]  }
0x2a1: {  	v10 =	vld [tilespmem:s26+$0x0]  }
0x2a2: {  	s22 =	simm.s32 $0x6590;
	v11 =	vld [tilespmem:s19+$0x0]  }
0x2a3: {  	v12 =	vld [tilespmem:s22+$0x10]  }
0x2a4: {  	v13 =	vld [tilespmem:s20+$0xFFFFFFE0];
	v3 =	vsub.f32 v3, v4  }
0x2a5: {  	s13 =	simm.s32 $0x18590;
	v4 =	vld [tilespmem:s26+$0xFFFFFFE0]  }
0x2a6: {  	v14 =	vld [tilespmem:s13+$0x10];
	v3 =	vmul.f32 v3, v6  }
0x2a7: {  	v15 =	vld [tilespmem:s20+$0x0]  }
0x2a8: {  	v6 =	vld [tilespmem:s20+$0xFFFFFFF0];
	v3 =	vadd.f32 v3, v8  }
0x2a9: {  	v16 =	vld [tilespmem:s21+$0xFFFFFFE0]  }
0x2aa: {  	v17 =	vld [tilespmem:s21+$0xFFFFFFF0];
	v4 =	vsub.f32 v4, v5;
	v3 =	vmul.f32 v3, v3  }
0x2ab: {  	v10 =	vsub.f32 v10, v11;
	v5 =	vsub.f32 v7, v9;
	v9 =	vld [tilespmem:s21+$0x0]  }
0x2ac: {  	v8 =	vld [tilespmem:s22+$0xFFFFFFE0];
	v4 =	vmul.f32 v4, v13;
	v3 =	vsub.f32 v3, v12;
	v12 =	vadd.f32 $-9.000000000e+00, v12  }
0x2ad: {  	v7 =	vld [tilespmem:s22+$0xFFFFFFF0];
	v11 =	vmul.f32 v5, v6  }
0x2ae: {  	v6 =	vld [tilespmem:s22+$0x0];
	v4 =	vadd.f32 v4, v16;
	v3 =	vor.u32 v12, v3;
	v12 =	vmul.f32 v10, v15  }
0x2af: {  	v5 =	vld [tilespmem:s13+$0xFFFFFFE0];
	v11 =	vadd.f32 v11, v17;
	v3 =	vshrl.u32 v3, $0x1F  }
0x2b0: {  	v10 =	vmul.f32 v4, v4;
	v4 =	vld [tilespmem:s13+$0x0];
	v13 =	vadd.s32 v14, v3;
	v12 =	vadd.f32 v12, v9  }
0x2b1: {  	s23 =	simm.s32 $0x0;
	s2 =	simm.s32 $0x25D0;
	v11 =	vmul.f32 v11, v11;
	v3 =	vld [tilespmem:s13+$0xFFFFFFF0];
	v9 =	vadd.f32 $-9.000000000e+00, v8;
	[tilespmem:s13+$0x10] =	vst v13  }
.LBB2_28:
0x2b2: {  	v13 =	vld [tilespmem:s2+$0x10];
	v8 =	vsub.f32 v10, v8;
	v10 =	vadd.f32 $-9.000000000e+00, v7;
	v12 =	vmul.f32 v12, v12;
	s19 =	sadd.s32 $0x40, s19  }
0x2b3: {  	s23 =	sadd.s32 $0x40, s23;
	v14 =	vld [tilespmem:s19+$0x10];
	v7 =	vsub.f32 v11, v7;
	v11 =	vadd.f32 $-9.000000000e+00, v6  }
0x2b4: {  	s20 =	sadd.s32 $0x40, s20;
	p2 =	slt.u32 s23, $0x1FC0;
	v15 =	vld [tilespmem:s19+$0xFFFFFFE0];
	v8 =	vor.u32 v9, v8;
	v6 =	vsub.f32 v12, v6  }
0x2b5: {  	v9 =	vld [tilespmem:s20+$0x10];
	v8 =	vshrl.u32 v8, $0x1F;
	v7 =	vor.u32 v10, v7  }
0x2b6: {  	s21 =	sadd.s32 $0x40, s21;
	v10 =	vld [tilespmem:s2+$0xFFFFFFF0];
	v5 =	vadd.s32 v5, v8;
	v7 =	vshrl.u32 v7, $0x1F;
	v6 =	vor.u32 v11, v6  }
0x2b7: {  	v8 =	vld [tilespmem:s21+$0x10];
	[tilespmem:s13+$0xFFFFFFE0] =	vst v5;
	v3 =	vadd.s32 v3, v7;
	v5 =	vshrl.u32 v6, $0x1F  }
0x2b8: {  	v6 =	vld [tilespmem:s19+$0xFFFFFFF0];
	v7 =	vsub.f32 v13, v14;
	[tilespmem:s13+$0xFFFFFFF0] =	vst v3;
	v3 =	vadd.s32 v4, v5  }
0x2b9: {  	v4 =	vld [tilespmem:s2+$0x0];
	[tilespmem:s13+$0x0] =	vst v3  }
0x2ba: {  	s22 =	sadd.s32 $0x40, s22;
	v3 =	vld [tilespmem:s19+$0x0];
	v5 =	vmul.f32 v7, v9  }
0x2bb: {  	v7 =	vld [tilespmem:s22+$0x10]  }
0x2bc: {  	v9 =	vld [tilespmem:s2+$0xFFFFFFE0];
	v5 =	vadd.f32 v5, v8  }
0x2bd: {  	v8 =	vld [tilespmem:s20+$0xFFFFFFE0];
	v6 =	vsub.f32 v10, v6  }
0x2be: {  	s13 =	sadd.s32 $0x40, s13;
	v10 =	vld [tilespmem:s20+$0xFFFFFFF0];
	v5 =	vmul.f32 v5, v5  }
0x2bf: {  	v3 =	vsub.f32 v4, v3;
	v4 =	vld [tilespmem:s13+$0x10]  }
0x2c0: {  	v11 =	vld [tilespmem:s20+$0x0];
	v5 =	vsub.f32 v5, v7;
	v7 =	vadd.f32 $-9.000000000e+00, v7  }
0x2c1: {  	v12 =	vld [tilespmem:s21+$0xFFFFFFE0];
	v9 =	vsub.f32 v9, v15  }
0x2c2: {  	v13 =	vld [tilespmem:s21+$0xFFFFFFF0];
	v5 =	vor.u32 v7, v5  }
0x2c3: {  	v9 =	vmul.f32 v9, v8;
	v10 =	vmul.f32 v6, v10;
	v14 =	vld [tilespmem:s21+$0x0];
	v5 =	vshrl.u32 v5, $0x1F  }
0x2c4: {  	v8 =	vld [tilespmem:s22+$0xFFFFFFE0];
	v4 =	vadd.s32 v4, v5  }
.Ltmp15:
0x2c5: {  	v7 =	vld [tilespmem:s22+$0xFFFFFFF0];
	v11 =	vmul.f32 v3, v11;
	[tilespmem:s13+$0x10] =	vst v4;
	(pc) =	sbr.rel @p2 .LBB2_28-.Ltmp15, $4  }
0x2c6: {  	v3 =	vadd.f32 v9, v12;
	v6 =	vld [tilespmem:s22+$0x0]  }
0x2c7: {  	v5 =	vld [tilespmem:s13+$0xFFFFFFE0];
	v4 =	vadd.f32 v10, v13  }
0x2c8: {  	v10 =	vmul.f32 v3, v3;
	v3 =	vld [tilespmem:s13+$0xFFFFFFF0];
	v12 =	vadd.f32 v11, v14  }
0x2c9: {  	s2 =	sadd.s32 $0x40, s2;
	v9 =	vadd.f32 $-9.000000000e+00, v8;
	v11 =	vmul.f32 v4, v4;
	v4 =	vld [tilespmem:s13+$0x0]  }
0x2ca: {  	v8 =	vsub.f32 v10, v8;
	v58 =	vmul.f32 v12, v12  }
0x2cb: {  	v59 =	vadd.f32 $-9.000000000e+00, v7;
	v60 =	vsub.f32 v11, v7  }
0x2cc: {  	v61 =	vadd.f32 $-9.000000000e+00, v6;
	v8 =	vor.u32 v9, v8;
	v62 =	vsub.f32 v58, v6  }
.Ltmp16:
0x2cd: {  	v8 =	vshrl.u32 v8, $0x1F;
	v7 =	vor.u32 v59, v60;
	(pc) =	sbr.rel @p1 .LBB2_31-.Ltmp16, $4  }
0x2ce: {  	v5 =	vadd.s32 v5, v8;
	v7 =	vshrl.u32 v7, $0x1F;
	v6 =	vor.u32 v61, v62  }
0x2cf: {  	[tilespmem:s13+$0xFFFFFFE0] =	vst v5;
	v3 =	vadd.s32 v3, v7;
	v63 =	vshrl.u32 v6, $0x1F  }
0x2d0: {  	[tilespmem:s13+$0xFFFFFFF0] =	vst v3;
	v3 =	vadd.s32 v4, v63  }
0x2d1: {  	[tilespmem:s13+$0x0] =	vst v3  }
0x2d2: {  	s2 =	sshll.u32 s18, $0x14  }
0x2d3: {  	s2 =	sadd.s32 s25, s2  }
0x2d4: {  	s2 =	sshrl.u32 s2, $0x3  }
0x2d5: {  	s13 =	sadd.s32 s7, s2  }
0x2d6: {  	[tilespmem:s31], [sflag:$0x4] =	stream.linear.gather [hbm4b:s13+s6], $0x2000, $0x38;
	[tilespmem:$0x1A670] =	vst v63  }
0x2d7: {  	_ =	swait.ge [sflag:s14], $0x2000  }
0x2d8: {  	[sflag:s14] =	ssyncset.done $0x0  }
.Ltmp17:
0x2d9: {  	s2 =	sadd.s32 s8, s2;
	[sflag:s14] =	ssyncadd.s32 $0xFFFFE000;
	(pc) =	sbr.rel .LBB2_21-.Ltmp17, $4  }
0x2da: {  	[tilespmem:s10], [sflag:$0x3] =	stream.linear.gather [hbm4b:s2+s6], $0x2000, $0x38;
	[tilespmem:$0x1A670] =	vst v63  }
0x2db: {  	_ =	swait.ge [sflag:s29], $0x2000  }
0x2dc: {  	[sflag:s29] =	ssyncset.done $0x0  }
0x2dd: {  	s18 =	sadd.s32 $0x1, s18;
	[sflag:s29] =	ssyncadd.s32 $0xFFFFE000  }
.LBB2_32:
0x2de: {  	_ =	sfence.sel $0x180000  }
0x2df: {  	[bflag:$0x0] =	sbarrier.arrive $0xFFFF  }
0x2e0: {  	_ =	strace $0x9000004D  }
0x2e1: {  	[bflag:$0x2] =	sbarrier.arrive $0xFFFF  }
0x2e2: {  	s0 =	rddreg [dreg:$0x6]  }
0x2e3: {  	s0 =	sadd.s32 @!p0 $0x100000, s0  }
0x2e4: {  	[sflag:s0] =	ssyncadd.tile.s32 @!p0 $0x1;
	_ =	shalt  }
.Lfunc_end2:
_tile_overlayer_lowered:
.L_overlay_start_2:
0x2e5: {  	(tag) =	ssettag $0x2  }
0x2e6: {  	s0 =	rddreg [dreg:$0x0];
	s2 =	stileid.u32  }
0x2e7: {  	s1 =	rddreg [dreg:$0x1];
	p0 =	sne.s32 s2, $0x0  }
0x2e8: {  	s3 =	rddreg [dreg:$0x2];
	[bflag:$0x3] =	sbarrier.arrive $0xFFFF;
	s2 =	simm.s32 @!p0 $0x1C03  }
0x2e9: {  	[timem:s3], [sflag:s2] =	dma.local @!p0 [hbm:s0], s1  }
0x2ea: {  	s0 =	simm.s32 @!p0 $0x3  }
0x2eb: {  	_ =	swait.ge @!p0 [sflag:s0], s1  }
0x2ec: {  	s1 =	ssub.s32 @!p0 $0x0, s1;
	[sflag:s0] =	ssyncset.done @!p0 $0x0  }
0x2ed: {  	[sflag:s0] =	ssyncadd.s32 @!p0 s1  }
0x2ee: {  	[bflag:$0x3] =	sbarrier.arrive $0xFFFF  }
0x2ef: {  	_ =	shalt  }

// kernel: sparse-core-data-format-call.1.cloned.1.call-start
scs
called_computation.1_lowered:
.L_overlay_start_0:
0x0: {  	s1 =	sld [smem:$0x3FD9]  }
0x1: {  	s2 =	sld [smem:$0x3FFE];
	_ =	sdelay $0x1  }
0x2: {  	s3 =	srdreg.scid  }
0x3: {  	s0 =	sand.u32 $0x1, s3  }
0x4: {  	s17 =	sshll.u32 s0, $0xA;
	s1 =	sadd.s32 s2, s1  }
0x5: {  	s1 =	sadd.s32 s1, s17  }
0x6: {  	[smem:$0x3FC5] =	sst s1  }
0x7: {  	_ = 	snop  }
0x8: {  	(tm) =	ssettm $0x1  }
0x9: {  	s18 =	sld [smem:$0x3FFB];
	_ =	sdelay $0x3  }
0xa: {  	_ =	strace s18  }
0xb: {  	s1 =	sld [smem:$0x3FFC];
	_ =	sdelay $0x3  }
0xc: {  	_ =	strace s1  }
0xd: {  	s1 =	sld [smem:$0x3FFD];
	_ =	sdelay $0x3  }
0xe: {  	_ =	strace s1  }
0xf: {  	_ =	strace $0x8FFFFFFF  }
0x10: {  	s19 =	sld [smem:$0x3FDB];
	_ =	sdelay $0x1  }
0x11: {  	s20 =	simm.s32 $_scs_section_size  }
0x12: {  	s4 =	simm.s32 $_size__tile_overlayer_lowered;
	s5 =	simm.s32 $_tile_overlayer_lowered  }
0x13: {  	s23 =	simm.s32 $0x1BFF;
	s22 =	sshll.u32 s5, $0x1;
	s1 =	sadd.s32 s20, s19  }
0x14: {  	s6 =	simm.s32 $0x0;
	s21 =	sshll.u32 s4, $0x1;
	s4 =	sadd.s32 s22, s1  }
0x15: {  	[timem:s6], [sflag:s23] =	dma.local [hbm:s4], s21  }
0x16: {  	_ =	swait.ge [sflag:s23], s21  }
0x17: {  	s2 =	ssub.s32 $0x0, s21;
	[sflag:s23] =	ssyncset.done $0x0  }
0x18: {  	[sflag:s23] =	ssyncadd.s32 s2;
	_ =	sdelay $0x1  }
0x19: {  	s24 =	simm.s32 $0x1B8B  }
0x1a: {  	_ =	swait.ge [sflag:s24], $0x1  }
0x1b: {  	[sflag:s24] =	ssyncset.done $0x0  }
0x1c: {  	s26 =	simm.s32 $0x1B8E;
	s25 =	sld [smem:$0x3FFE];
	[sflag:s24] =	ssyncadd.s32 $0xFFFFFFFF  }
0x1d: {  	s27 =	simm.s32 $execute0_lowered;
	[smem:$0x3FD2] =	sst s26  }
0x1e: {  	s4 =	sshll.u32 s27, $0x1;
	_ =	strace $0x80000046;
	[dreg:$0x1] =	wrdreg $0xFFFFFFFF  }
0x1f: {  	s28 =	simm.s32 $_size_execute0_lowered;
	s1 =	sadd.s32 s1, s4;
	[dreg:$0x0] =	wrdreg $0x0  }
0x20: {  	s4 =	sshll.u32 s28, $0x1;
	[dreg:$0x2] =	wrdreg s1  }
0x21: {  	[dreg:$0x3] =	wrdreg s4  }
0x22: {  	[dreg:$0x4] =	wrdreg $0xC0  }
0x23: {  	_ =	task [dreg:s6], $0x5FFFF  }
0x24: {  	[dreg:$0x1] =	wrdreg $0xFFFFFFFF  }
0x25: {  	[dreg:$0x0] =	wrdreg $0x60  }
0x26: {  	[dreg:$0x2] =	wrdreg s25  }
0x27: {  	[dreg:$0x3] =	wrdreg $0xA  }
0x28: {  	_ =	task.clear_ibuf [dreg:s6], $0x4FFFF;
	_ =	strace $0x90000046  }
0x29: {  	s29 =	simm.s32 $0xA;
	_ =	strace $0x80000048  }
0x2a: {  	_ =	swait.ge [sflag:s29], $0x1  }
0x2b: {  	[sflag:s29] =	ssyncadd.s32 $0xFFFFFFFF  }
0x2c: {  	_ =	strace $0x90000048  }
0x2d: {  	_ =	sfence  }
0x2e: {  	s30 =	sld [smem:$0x0];
	_ =	sdelay $0x2  }
0x2f: {  	s31 =	sshll.u32 s3, $0xD;
	s3 =	sshrl.u32 s3, $0x2  }
0x30: {  	s2 =	sand.u32 $0x4000, s31;
	s1 =	sadd.s32 s3, s30  }
0x31: {  	s0 =	sor.u32 s2, s0;
	s1 =	sshll.u32 s1, $0x11  }
0x32: {  	s0 =	sor.u32 s1, s0  }
0x33: {  	s0 =	sadd.s32 $0x8F2B, s0  }
0x34: {  	[sflag:s0] =	ssyncadd.remote.s32 $0x1  }
0x35: {  	_ =	sfence.sel $0xFFFF  }
0x36: {  	[dreg:$0x0] =	wrdreg $0xFFFFFFFF;
	(pc) =	sbr.abs _section_cstart, $3  }
0x37: {  	[dreg:$0x1] =	wrdreg $0xFFFFFFFF  }
0x38: {  	_ =	task.clear_ibuf [dreg:s6], $0x2FFFF;
	_ =	strace $0x9FFFFFFF  }
0x39: {  	(tm) =	ssettm $0x7FFFFFFF  }
tec
execute0_lowered:
.L_overlay_start_1:
0x0: {  	(tag) =	ssettag $0x1  }
0x1: {  	s0 =	srdreg.scid  }
0x2: {  	s1 =	sshll.u32 s0, $0x4  }
0x3: {  	s0 =	stileid.u32;
	s1 =	sand.u32 $0x10, s1  }
0x4: {  	s6 =	rddreg [dreg:$0x0];
	s1 =	sor.u32 s0, s1  }
0x5: {  	s4 =	simm.s32 $0x1;
	s7 =	simm.s32 $0x2;
	s2 =	sshll.u32 s1, $0x4  }
0x6: {  	s14 =	simm.s32 $0x0;
	s8 =	simm.s32 $0x800;
	s3 =	ssub.s32 $0x1000, s2  }
0x7: {  	s9 =	simm.s32 $0x80000;
	s10 =	simm.s32 $0x0;
	s31 =	sand.u32 $0x1F0, s3  }
0x8: {  	s15 =	simm.s32 $0x0;
	s12 =	simm.s32 $0x0;
	p0 =	sne.s32 s31, $0x0  }
.Ltmp0:
0x9: {  	s3 =	sshrl.u32 s3, $0x9;
	s4 =	simm.s32 @!p0 $0x0;
	(pc) =	sbr.rel .LBB1_1-.Ltmp0, $4  }
0xa: {  	s13 =	simm.s32 $0x0;
	s1 =	rddreg [dreg:$0x1];
	s5 =	sadd.s32 s4, s3  }
0xb: {  	_ =	strace $0x80000047;
	s4 =	simm.s32 $0x1;
	s5 =	smul.u32 $0x3, s5  }
0xc: {  	s11 =	smov.u32 s2;
	s3 =	sadd.s32 $0x1400, s6;
	[sflag:s4] =	ssyncpa.u1 $0x0  }
0xd: {  	s6 =	sadd.s32 $0x301400, s6;
	[sflag:s7] =	ssyncpa.u1 $0x0;
	s7 =	sadd.s32 $0x1, s5  }
.LBB1_7:
0xe: {  	s16 =	sadd.s32 $0x200, s11  }
0xf: {  	s14 =	simm.s32 $0x1;
	p1 =	sgt.s32 s16, $0xFFF  }
0x10: {  	s14 =	simm.s32 @!p1 $0x0  }
0x11: {  	s18 =	sadd.s32 s14, s12  }
0x12: {  	s16 =	smov.u32 @p1 s2;
	p1 =	sgt.s32 s18, $0x2  }
0x13: {  	s18 =	simm.s32 @p1 $0x0;
	p1 =	sne.s32 s13, s7  }
.Ltmp1:
0x14: {  	p0 =	slt.u32 s13, $0x2;
	(pc) =	sbr.rel @!p1 .LBB1_8-.Ltmp1, $4  }
0x15: {  	s17 =	simm.s32 @!p0 $0x2  }
0x16: {  	s15 =	smov.u32 s12;
	s10 =	sadd.s32 $0x4000, s10;
	_ =	swait.ge @!p0 [sflag:s17], $0x4000  }
0x17: {  	[sflag:s17] =	ssyncset.done @!p0 $0x0;
	s14 =	smov.u32 s11;
	s11 =	smov.u32 s16  }
0x18: {  	[sflag:s17] =	ssyncadd.s32 @!p0 $0xFFFFC000;
	s13 =	sadd.s32 $0x1, s13;
	s12 =	smov.u32 s18  }
.LBB1_1:
0x19: {  	p0 =	sge.u32 s13, s5  }
0x1a: {  	s31 =	sadd.s32 $0xFFFFFFFF, s13;
	s16 =	sxor.u32 @!p0 $0xFFFFFFFF, s13;
	s17 =	sshll.u32 @!p0 s12, $0x13  }
0x1b: {  	s18 =	sshll.u32 @!p0 s11, $0x7;
	s16 =	sshll.u32 @!p0 s16, $0xE;
	s17 =	sadd.s32 @!p0 s3, s17  }
0x1c: {  	s16 =	sand.u32 @!p0 $0x4000, s16;
	s17 =	sadd.s32 @!p0 s18, s17;
	s18 =	simm.s32 @!p0 $0x0  }
0x1d: {  	[tilespmem:s16], [sflag:$0x1] =	stream.linear.gather @!p0 [hbm4b:s17+s18], $0x4000, $0x38;
	[tilespmem:$0x10000] =	vst v63  }
0x1e: {  	p0 =	sge.u32 s31, s5  }
.Ltmp2:
0x1f: {  	_ = 	snop;
	(pc) =	sbr.rel @p0 .LBB1_7-.Ltmp2, $1  }
0x20: {  	_ =	sdelay $0x3  }
0x21: {  	s17 =	sand.u32 $0x4000, s10  }
0x22: {  	_ =	swait.ge [sflag:s4], $0x4000;
	s19 =	sshll.u32 s13, $0xE;
	s16 =	sor.u32 $0x8040, s17  }
0x23: {  	s18 =	sor.u32 $0x40, s17;
	[sflag:s4] =	ssyncset.done $0x0;
	s31 =	sand.u32 $0x4000, s19  }
0x24: {  	s19 =	simm.s32 $0x0;
	[sflag:s4] =	ssyncadd.s32 $0xFFFFC000;
	s17 =	sor.u32 $0x8000, s31  }
.LBB1_3:
0x25: {  	v0 =	vmov s18;
	_ =	sdelay $0x3  }
0x26: {  	s21 =	simm.s32 $0x0  }
0x27: {  	v6 =	vld.idx.msk [tilespmem:v0+s21+$0x30 ss:$0x1], $0xffff  }
0x28: {  	v7 =	vld.idx.msk [tilespmem:v0+s21+$0xFFFFFFC0 ss:$0x1], $0xffff  }
0x29: {  	v5 =	vld.idx.msk [tilespmem:v0+s21+$0xFFFFFFD0 ss:$0x1], $0xffff  }
0x2a: {  	v4 =	vld.idx.msk [tilespmem:v0+s21+$0xFFFFFFE0 ss:$0x1], $0xffff  }
0x2b: {  	v3 =	vld.idx.msk [tilespmem:v0+s21+$0xFFFFFFF0 ss:$0x1], $0xffff  }
0x2c: {  	v1 =	vld.idx.msk [tilespmem:v0+s21+$0x0 ss:$0x1], $0xffff  }
0x2d: {  	v2 =	vld.idx.msk [tilespmem:v0+s21+$0x10 ss:$0x1], $0xffff;
	[tilespmem:s16+$0x30] =	vst v6  }
0x2e: {  	s20 =	simm.s32 $0x80;
	s22 =	simm.s32 $0x400;
	[tilespmem:s16+$0xFFFFFFC0] =	vst v7;
	v6 =	vld.idx.msk [tilespmem:v0+s21+$0x20 ss:$0x1], $0xffff;
	s21 =	smov.u32 s16  }
.LBB1_4:
0x2f: {  	p0 =	sne.s32 s22, $0xE00;
	v7 =	vld.idx.msk [tilespmem:v0+s20+$0x30 ss:$0x1], $0xffff;
	[tilespmem:s21+$0xFFFFFFD0] =	vst v5  }
0x30: {  	v8 =	vld.idx.msk [tilespmem:v0+s20+$0xFFFFFFC0 ss:$0x1], $0xffff;
	[tilespmem:s21+$0xFFFFFFE0] =	vst v4  }
0x31: {  	v5 =	vld.idx.msk [tilespmem:v0+s20+$0xFFFFFFD0 ss:$0x1], $0xffff;
	[tilespmem:s21+$0xFFFFFFF0] =	vst v3  }
.Ltmp3:
0x32: {  	v4 =	vld.idx.msk [tilespmem:v0+s20+$0xFFFFFFE0 ss:$0x1], $0xffff;
	[tilespmem:s21+$0x0] =	vst v1;
	(pc) =	sbr.rel @p0 .LBB1_4-.Ltmp3, $4  }
0x33: {  	v3 =	vld.idx.msk [tilespmem:v0+s20+$0xFFFFFFF0 ss:$0x1], $0xffff;
	[tilespmem:s21+$0x10] =	vst v2  }
0x34: {  	v1 =	vld.idx.msk [tilespmem:v0+s20+$0x0 ss:$0x1], $0xffff;
	[tilespmem:s21+$0x20] =	vst v6;
	s21 =	sadd.s32 $0x800, s21  }
0x35: {  	v2 =	vld.idx.msk [tilespmem:v0+s20+$0x10 ss:$0x1], $0xffff;
	[tilespmem:s21+$0x30] =	vst v7  }
0x36: {  	[tilespmem:s21+$0xFFFFFFC0] =	vst v8;
	v6 =	vld.idx.msk [tilespmem:v0+s20+$0x20 ss:$0x1], $0xffff;
	s20 =	sshra.s32 s22, $0x2;
	s22 =	sadd.s32 $0x200, s22  }
0x37: {  	_ =	sdelay $0x2  }
0x38: {  	[tilespmem:s21+$0xFFFFFFD0] =	vst v5  }
0x39: {  	v56 =	vld.idx.msk [tilespmem:v0+s20+$0x30 ss:$0x1], $0xffff;
	[tilespmem:s21+$0xFFFFFFE0] =	vst v4  }
0x3a: {  	v57 =	vld.idx.msk [tilespmem:v0+s20+$0xFFFFFFC0 ss:$0x1], $0xffff;
	[tilespmem:s21+$0xFFFFFFF0] =	vst v3  }
0x3b: {  	v58 =	vld.idx.msk [tilespmem:v0+s20+$0xFFFFFFD0 ss:$0x1], $0xffff;
	[tilespmem:s21+$0x0] =	vst v1  }
0x3c: {  	v59 =	vld.idx.msk [tilespmem:v0+s20+$0xFFFFFFE0 ss:$0x1], $0xffff;
	[tilespmem:s21+$0x10] =	vst v2  }
0x3d: {  	v60 =	vld.idx.msk [tilespmem:v0+s20+$0xFFFFFFF0 ss:$0x1], $0xffff;
	s31 =	sadd.s32 $0x800, s21;
	[tilespmem:s21+$0x20] =	vst v6  }
0x3e: {  	v61 =	vld.idx.msk [tilespmem:v0+s20+$0x0 ss:$0x1], $0xffff;
	[tilespmem:s31+$0x30] =	vst v56  }
0x3f: {  	v62 =	vld.idx.msk [tilespmem:v0+s20+$0x10 ss:$0x1], $0xffff;
	s19 =	sadd.s32 $0x1, s19;
	[tilespmem:s31+$0xFFFFFFC0] =	vst v57  }
0x40: {  	v63 =	vld.idx.msk [tilespmem:v0+s20+$0x20 ss:$0x1], $0xffff;
	p0 =	sne.s32 s19, $0x10;
	[tilespmem:s31+$0xFFFFFFD0] =	vst v58  }
.Ltmp4:
0x41: {  	[tilespmem:s31+$0xFFFFFFE0] =	vst v59;
	(pc) =	sbr.rel @p0 .LBB1_3-.Ltmp4, $4  }
0x42: {  	[tilespmem:s31+$0xFFFFFFF0] =	vst v60  }
0x43: {  	[tilespmem:s31+$0x0] =	vst v61  }
0x44: {  	[tilespmem:s31+$0x10] =	vst v62  }
0x45: {  	s16 =	sadd.s32 $0x80, s16;
	s18 =	sadd.s32 $0x400, s18;
	[tilespmem:s31+$0x20] =	vst v63  }
.Ltmp5:
0x46: {  	(pc) =	sbr.rel .LBB1_7-.Ltmp5, $4  }
0x47: {  	s15 =	sshll.u32 s15, $0x13;
	s14 =	sshll.u32 s14, $0x4  }
0x48: {  	s14 =	sand.u32 $0xFFF0, s14;
	s15 =	sadd.s32 s6, s15  }
0x49: {  	s14 =	sadd.s32 s14, s15  }
0x4a: {  	[hbm4b:s14+s8] =	stream.strided.scatter [tilespmem:s17], [sflag:$0x2], $0x4000, s9, s8, $0x38;
	[tilespmem:$0x10000] =	vst v63  }
.LBB1_8:
0x4b: {  	_ =	sfence.sel $0x180000  }
0x4c: {  	s2 =	simm.s32 $0x1;
	[bflag:$0x0] =	sbarrier.arrive $0xFFFF  }
0x4d: {  	s31 =	simm.s32 $0x2;
	[sflag:s2] =	ssyncpa.u1 $0x1  }
0x4e: {  	[sflag:s31] =	ssyncpa.u1 $0x1  }
0x4f: {  	p0 =	sne.s32 s0, $0x0;
	_ =	strace $0x90000047  }
0x50: {  	s0 =	sadd.s32 @!p0 $0x100000, s1;
	[bflag:$0x2] =	sbarrier.arrive $0xFFFF  }
0x51: {  	[sflag:s0] =	ssyncadd.tile.s32 @!p0 $0x1;
	_ =	shalt  }
.Lfunc_end1:
_tile_overlayer_lowered:
.L_overlay_start_2:
0x52: {  	(tag) =	ssettag $0x2  }
0x53: {  	s0 =	rddreg [dreg:$0x0];
	s2 =	stileid.u32  }
0x54: {  	s1 =	rddreg [dreg:$0x1];
	p0 =	sne.s32 s2, $0x0  }
0x55: {  	s3 =	rddreg [dreg:$0x2];
	[bflag:$0x3] =	sbarrier.arrive $0xFFFF;
	s2 =	simm.s32 @!p0 $0x1C01  }
0x56: {  	[timem:s3], [sflag:s2] =	dma.local @!p0 [hbm:s0], s1  }
0x57: {  	s0 =	simm.s32 @!p0 $0x1  }
0x58: {  	_ =	swait.ge @!p0 [sflag:s0], s1  }
0x59: {  	s1 =	ssub.s32 @!p0 $0x0, s1;
	[sflag:s0] =	ssyncset.done @!p0 $0x0  }
0x5a: {  	[sflag:s0] =	ssyncadd.s32 @!p0 s1  }
0x5b: {  	[bflag:$0x3] =	sbarrier.arrive $0xFFFF  }
0x5c: {  	_ =	shalt  }

// kernel: sparse-core-data-format-call.cloned.1.call-start
scs
called_computation_lowered:
.L_overlay_start_0:
0x0: {  	s2 =	sld [smem:$0x3FD9]  }
0x1: {  	s3 =	sld [smem:$0x3FFE];
	_ =	sdelay $0x1  }
0x2: {  	s1 =	srdreg.scid  }
0x3: {  	s0 =	sand.u32 $0x1, s1  }
0x4: {  	s18 =	sshll.u32 s0, $0xA;
	s2 =	sadd.s32 s3, s2  }
0x5: {  	s2 =	sadd.s32 s2, s18  }
0x6: {  	[smem:$0x3FC5] =	sst s2  }
0x7: {  	_ = 	snop  }
0x8: {  	(tm) =	ssettm $0x1  }
0x9: {  	s19 =	sld [smem:$0x3FFB];
	_ =	sdelay $0x3  }
0xa: {  	_ =	strace s19  }
0xb: {  	s2 =	sld [smem:$0x3FFC];
	_ =	sdelay $0x3  }
0xc: {  	_ =	strace s2  }
0xd: {  	s2 =	sld [smem:$0x3FFD];
	_ =	sdelay $0x3  }
0xe: {  	_ =	strace s2  }
0xf: {  	_ =	strace $0x8FFFFFFF  }
0x10: {  	s20 =	sld [smem:$0x3FDB];
	_ =	sdelay $0x1  }
0x11: {  	s21 =	simm.s32 $_scs_section_size  }
0x12: {  	s4 =	simm.s32 $_size__tile_overlayer_lowered;
	s5 =	simm.s32 $_tile_overlayer_lowered  }
0x13: {  	s6 =	simm.s32 $0x1BFF;
	s22 =	sshll.u32 s5, $0x1;
	s3 =	sadd.s32 s21, s20  }
0x14: {  	s23 =	simm.s32 $0x0;
	s4 =	sshll.u32 s4, $0x1;
	s5 =	sadd.s32 s22, s3  }
0x15: {  	[timem:s23], [sflag:s6] =	dma.local [hbm:s5], s4  }
0x16: {  	_ =	swait.ge [sflag:s6], s4  }
0x17: {  	s4 =	ssub.s32 $0x0, s4;
	[sflag:s6] =	ssyncset.done $0x0  }
0x18: {  	[sflag:s6] =	ssyncadd.s32 s4;
	_ =	sdelay $0x1  }
0x19: {  	s24 =	simm.s32 $0x1B8B  }
0x1a: {  	_ =	swait.ge [sflag:s24], $0x1  }
0x1b: {  	[sflag:s24] =	ssyncset.done $0x0  }
0x1c: {  	[sflag:s24] =	ssyncadd.s32 $0xFFFFFFFF  }
0x1d: {  	s4 =	sld [smem:$0x0]  }
0x1e: {  	s5 =	sand.u32 $0xFFFFFFFE, s1  }
0x1f: {  	p0 =	sne.s32 s1, s5  }
0x20: {  	s5 =	sshll.u32 @p0 s5, $0xE  }
0x21: {  	s5 =	sadd.s32 @p0 $0x11B8D, s5;
	s6 =	sshll.u32 @p0 s4, $0x11  }
0x22: {  	s5 =	sor.u32 @p0 s6, s5  }
0x23: {  	[sflag:s5] =	ssyncadd.remote.s32 @p0 $0x1;
	_ =	sdelay $0x1  }
0x24: {  	s5 =	simm.s32 @p0 $0x1B8D  }
0x25: {  	_ =	swait.eq @p0 [sflag:s5], $0x1  }
0x26: {  	[sflag:s5] =	ssyncadd.s32 @p0 $0xFFFFFFFF  }
0x27: {  	s6 =	sshll.u32 @!p0 s1, $0xE  }
0x28: {  	s6 =	sor.u32 @!p0 $0x4000, s6;
	s5 =	simm.s32 @!p0 $0x1B8D  }
0x29: {  	s4 =	sshll.u32 @!p0 s4, $0x11;
	s6 =	sadd.s32 @!p0 $0x11B8D, s6;
	_ =	swait.eq @!p0 [sflag:s5], $0x1  }
0x2a: {  	s4 =	sor.u32 @!p0 s4, s6;
	[sflag:s5] =	ssyncadd.s32 @!p0 $0xFFFFFFFF  }
0x2b: {  	s26 =	simm.s32 $0x1B8E;
	s25 =	sld [smem:$0x3FFE];
	[sflag:s4] =	ssyncadd.remote.s32 @!p0 $0x1  }
0x2c: {  	s27 =	simm.s32 $execute0_lowered;
	[smem:$0x3FD2] =	sst s26  }
0x2d: {  	s5 =	sshll.u32 s27, $0x1;
	_ =	strace $0x80000049;
	[dreg:$0x1] =	wrdreg $0xFFFFFFFF  }
0x2e: {  	s28 =	simm.s32 $_size_execute0_lowered;
	s3 =	sadd.s32 s3, s5;
	[dreg:$0x0] =	wrdreg $0x0  }
0x2f: {  	s5 =	sshll.u32 s28, $0x1;
	[dreg:$0x2] =	wrdreg s3  }
0x30: {  	[dreg:$0x3] =	wrdreg s5  }
0x31: {  	[dreg:$0x4] =	wrdreg $0xC0  }
0x32: {  	_ =	task [dreg:s23], $0x5FFFF  }
0x33: {  	[dreg:$0x1] =	wrdreg $0xFFFFFFFF  }
0x34: {  	[dreg:$0x0] =	wrdreg $0x60  }
0x35: {  	[dreg:$0x2] =	wrdreg s25  }
0x36: {  	[dreg:$0x3] =	wrdreg $0x9  }
0x37: {  	_ =	task.clear_ibuf [dreg:s23], $0x4FFFF;
	_ =	strace $0x90000049  }
0x38: {  	s29 =	simm.s32 $0x9;
	_ =	strace $0x8000004B  }
0x39: {  	_ =	swait.ge [sflag:s29], $0x1  }
0x3a: {  	[sflag:s29] =	ssyncadd.s32 $0xFFFFFFFF  }
0x3b: {  	_ =	strace $0x9000004B  }
0x3c: {  	_ =	sfence  }
0x3d: {  	s30 =	sld [smem:$0x0];
	_ =	sdelay $0x2  }
0x3e: {  	s31 =	sshll.u32 s1, $0xD;
	s1 =	sshrl.u32 s1, $0x2  }
0x3f: {  	s4 =	sand.u32 $0x4000, s31;
	s1 =	sadd.s32 s1, s30  }
0x40: {  	s0 =	sor.u32 s4, s0;
	s1 =	sshll.u32 s1, $0x11  }
0x41: {  	s0 =	sor.u32 s1, s0  }
0x42: {  	s0 =	sadd.s32 $0x8F2B, s0  }
0x43: {  	[sflag:s0] =	ssyncadd.remote.s32 $0x1  }
0x44: {  	_ =	sfence.sel $0xFFFF  }
0x45: {  	[dreg:$0x0] =	wrdreg $0xFFFFFFFF;
	(pc) =	sbr.abs _section_cstart, $3  }
0x46: {  	[dreg:$0x1] =	wrdreg $0xFFFFFFFF  }
0x47: {  	_ =	task.clear_ibuf [dreg:s23], $0x2FFFF;
	_ =	strace $0x9FFFFFFF  }
0x48: {  	(tm) =	ssettm $0x7FFFFFFF  }
0x49: {  	_ =	shalt  }
tec
execute0_lowered:
.L_overlay_start_1:
0x0: {  	(tag) =	ssettag $0x1  }
0x1: {  	s0 =	srdreg.scid  }
0x2: {  	s1 =	sshll.u32 s0, $0x4  }
0x3: {  	s0 =	stileid.u32;
	s1 =	sand.u32 $0x10, s1  }
0x4: {  	s6 =	rddreg [dreg:$0x0];
	s1 =	sor.u32 s0, s1  }
0x5: {  	s4 =	simm.s32 $0x1;
	s7 =	simm.s32 $0x2;
	s2 =	sshll.u32 s1, $0x4  }
0x6: {  	s14 =	simm.s32 $0x0;
	s8 =	simm.s32 $0x800;
	s3 =	ssub.s32 $0x1000, s2  }
0x7: {  	s9 =	simm.s32 $0x80000;
	s10 =	simm.s32 $0x0;
	s31 =	sand.u32 $0x1F0, s3  }
0x8: {  	s15 =	simm.s32 $0x0;
	s12 =	simm.s32 $0x0;
	p0 =	sne.s32 s31, $0x0  }
.Ltmp0:
0x9: {  	s3 =	sshrl.u32 s3, $0x9;
	s4 =	simm.s32 @!p0 $0x0;
	(pc) =	sbr.rel .LBB1_1-.Ltmp0, $4  }
0xa: {  	s13 =	simm.s32 $0x0;
	s1 =	rddreg [dreg:$0x1];
	s5 =	sadd.s32 s4, s3  }
0xb: {  	_ =	strace $0x8000004A;
	s4 =	simm.s32 $0x1;
	s5 =	smul.u32 $0x3, s5  }
0xc: {  	s11 =	smov.u32 s2;
	s3 =	sadd.s32 $0x181400, s6;
	[sflag:s4] =	ssyncpa.u1 $0x0  }
0xd: {  	s6 =	sadd.s32 $0x481400, s6;
	[sflag:s7] =	ssyncpa.u1 $0x0;
	s7 =	sadd.s32 $0x1, s5  }
.LBB1_7:
0xe: {  	s16 =	sadd.s32 $0x200, s11  }
0xf: {  	s14 =	simm.s32 $0x1;
	p1 =	sgt.s32 s16, $0xFFF  }
0x10: {  	s14 =	simm.s32 @!p1 $0x0  }
0x11: {  	s18 =	sadd.s32 s14, s12  }
0x12: {  	s16 =	smov.u32 @p1 s2;
	p1 =	sgt.s32 s18, $0x2  }
0x13: {  	s18 =	simm.s32 @p1 $0x0;
	p1 =	sne.s32 s13, s7  }
.Ltmp1:
0x14: {  	p0 =	slt.u32 s13, $0x2;
	(pc) =	sbr.rel @!p1 .LBB1_8-.Ltmp1, $4  }
0x15: {  	s17 =	simm.s32 @!p0 $0x2  }
0x16: {  	s15 =	smov.u32 s12;
	s10 =	sadd.s32 $0x4000, s10;
	_ =	swait.ge @!p0 [sflag:s17], $0x4000  }
0x17: {  	[sflag:s17] =	ssyncset.done @!p0 $0x0;
	s14 =	smov.u32 s11;
	s11 =	smov.u32 s16  }
0x18: {  	[sflag:s17] =	ssyncadd.s32 @!p0 $0xFFFFC000;
	s13 =	sadd.s32 $0x1, s13;
	s12 =	smov.u32 s18  }
.LBB1_1:
0x19: {  	p0 =	sge.u32 s13, s5  }
0x1a: {  	s31 =	sadd.s32 $0xFFFFFFFF, s13;
	s16 =	sxor.u32 @!p0 $0xFFFFFFFF, s13;
	s17 =	sshll.u32 @!p0 s12, $0x13  }
0x1b: {  	s18 =	sshll.u32 @!p0 s11, $0x7;
	s16 =	sshll.u32 @!p0 s16, $0xE;
	s17 =	sadd.s32 @!p0 s3, s17  }
0x1c: {  	s16 =	sand.u32 @!p0 $0x4000, s16;
	s17 =	sadd.s32 @!p0 s18, s17;
	s18 =	simm.s32 @!p0 $0x0  }
0x1d: {  	[tilespmem:s16], [sflag:$0x1] =	stream.linear.gather @!p0 [hbm4b:s17+s18], $0x4000, $0x38;
	[tilespmem:$0x10000] =	vst v63  }
0x1e: {  	p0 =	sge.u32 s31, s5  }
.Ltmp2:
0x1f: {  	_ = 	snop;
	(pc) =	sbr.rel @p0 .LBB1_7-.Ltmp2, $1  }
0x20: {  	_ =	sdelay $0x3  }
0x21: {  	s17 =	sand.u32 $0x4000, s10  }
0x22: {  	_ =	swait.ge [sflag:s4], $0x4000;
	s19 =	sshll.u32 s13, $0xE;
	s16 =	sor.u32 $0x8040, s17  }
0x23: {  	s18 =	sor.u32 $0x40, s17;
	[sflag:s4] =	ssyncset.done $0x0;
	s31 =	sand.u32 $0x4000, s19  }
0x24: {  	s19 =	simm.s32 $0x0;
	[sflag:s4] =	ssyncadd.s32 $0xFFFFC000;
	s17 =	sor.u32 $0x8000, s31  }
.LBB1_3:
0x25: {  	v0 =	vmov s18;
	_ =	sdelay $0x3  }
0x26: {  	s21 =	simm.s32 $0x0  }
0x27: {  	v6 =	vld.idx.msk [tilespmem:v0+s21+$0x30 ss:$0x1], $0xffff  }
0x28: {  	v7 =	vld.idx.msk [tilespmem:v0+s21+$0xFFFFFFC0 ss:$0x1], $0xffff  }
0x29: {  	v5 =	vld.idx.msk [tilespmem:v0+s21+$0xFFFFFFD0 ss:$0x1], $0xffff  }
0x2a: {  	v4 =	vld.idx.msk [tilespmem:v0+s21+$0xFFFFFFE0 ss:$0x1], $0xffff  }
0x2b: {  	v3 =	vld.idx.msk [tilespmem:v0+s21+$0xFFFFFFF0 ss:$0x1], $0xffff  }
0x2c: {  	v1 =	vld.idx.msk [tilespmem:v0+s21+$0x0 ss:$0x1], $0xffff  }
0x2d: {  	v2 =	vld.idx.msk [tilespmem:v0+s21+$0x10 ss:$0x1], $0xffff;
	[tilespmem:s16+$0x30] =	vst v6  }
0x2e: {  	s20 =	simm.s32 $0x80;
	s22 =	simm.s32 $0x400;
	[tilespmem:s16+$0xFFFFFFC0] =	vst v7;
	v6 =	vld.idx.msk [tilespmem:v0+s21+$0x20 ss:$0x1], $0xffff;
	s21 =	smov.u32 s16  }
.LBB1_4:
0x2f: {  	p0 =	sne.s32 s22, $0xE00;
	v7 =	vld.idx.msk [tilespmem:v0+s20+$0x30 ss:$0x1], $0xffff;
	[tilespmem:s21+$0xFFFFFFD0] =	vst v5  }
0x30: {  	v8 =	vld.idx.msk [tilespmem:v0+s20+$0xFFFFFFC0 ss:$0x1], $0xffff;
	[tilespmem:s21+$0xFFFFFFE0] =	vst v4  }
0x31: {  	v5 =	vld.idx.msk [tilespmem:v0+s20+$0xFFFFFFD0 ss:$0x1], $0xffff;
	[tilespmem:s21+$0xFFFFFFF0] =	vst v3  }
.Ltmp3:
0x32: {  	v4 =	vld.idx.msk [tilespmem:v0+s20+$0xFFFFFFE0 ss:$0x1], $0xffff;
	[tilespmem:s21+$0x0] =	vst v1;
	(pc) =	sbr.rel @p0 .LBB1_4-.Ltmp3, $4  }
0x33: {  	v3 =	vld.idx.msk [tilespmem:v0+s20+$0xFFFFFFF0 ss:$0x1], $0xffff;
	[tilespmem:s21+$0x10] =	vst v2  }
0x34: {  	v1 =	vld.idx.msk [tilespmem:v0+s20+$0x0 ss:$0x1], $0xffff;
	[tilespmem:s21+$0x20] =	vst v6;
	s21 =	sadd.s32 $0x800, s21  }
0x35: {  	v2 =	vld.idx.msk [tilespmem:v0+s20+$0x10 ss:$0x1], $0xffff;
	[tilespmem:s21+$0x30] =	vst v7  }
0x36: {  	[tilespmem:s21+$0xFFFFFFC0] =	vst v8;
	v6 =	vld.idx.msk [tilespmem:v0+s20+$0x20 ss:$0x1], $0xffff;
	s20 =	sshra.s32 s22, $0x2;
	s22 =	sadd.s32 $0x200, s22  }
0x37: {  	_ =	sdelay $0x2  }
0x38: {  	[tilespmem:s21+$0xFFFFFFD0] =	vst v5  }
0x39: {  	v56 =	vld.idx.msk [tilespmem:v0+s20+$0x30 ss:$0x1], $0xffff;
	[tilespmem:s21+$0xFFFFFFE0] =	vst v4  }
0x3a: {  	v57 =	vld.idx.msk [tilespmem:v0+s20+$0xFFFFFFC0 ss:$0x1], $0xffff;
	[tilespmem:s21+$0xFFFFFFF0] =	vst v3  }
0x3b: {  	v58 =	vld.idx.msk [tilespmem:v0+s20+$0xFFFFFFD0 ss:$0x1], $0xffff;
	[tilespmem:s21+$0x0] =	vst v1  }
0x3c: {  	v59 =	vld.idx.msk [tilespmem:v0+s20+$0xFFFFFFE0 ss:$0x1], $0xffff;
	[tilespmem:s21+$0x10] =	vst v2  }
0x3d: {  	v60 =	vld.idx.msk [tilespmem:v0+s20+$0xFFFFFFF0 ss:$0x1], $0xffff;
	s31 =	sadd.s32 $0x800, s21;
	[tilespmem:s21+$0x20] =	vst v6  }
0x3e: {  	v61 =	vld.idx.msk [tilespmem:v0+s20+$0x0 ss:$0x1], $0xffff;
	[tilespmem:s31+$0x30] =	vst v56  }
0x3f: {  	v62 =	vld.idx.msk [tilespmem:v0+s20+$0x10 ss:$0x1], $0xffff;
	s19 =	sadd.s32 $0x1, s19;
	[tilespmem:s31+$0xFFFFFFC0] =	vst v57  }
0x40: {  	v63 =	vld.idx.msk [tilespmem:v0+s20+$0x20 ss:$0x1], $0xffff;
	p0 =	sne.s32 s19, $0x10;
	[tilespmem:s31+$0xFFFFFFD0] =	vst v58  }
.Ltmp4:
0x41: {  	[tilespmem:s31+$0xFFFFFFE0] =	vst v59;
	(pc) =	sbr.rel @p0 .LBB1_3-.Ltmp4, $4  }
0x42: {  	[tilespmem:s31+$0xFFFFFFF0] =	vst v60  }
0x43: {  	[tilespmem:s31+$0x0] =	vst v61  }
0x44: {  	[tilespmem:s31+$0x10] =	vst v62  }
0x45: {  	s16 =	sadd.s32 $0x80, s16;
	s18 =	sadd.s32 $0x400, s18;
	[tilespmem:s31+$0x20] =	vst v63  }
.Ltmp5:
0x46: {  	(pc) =	sbr.rel .LBB1_7-.Ltmp5, $4  }
0x47: {  	s15 =	sshll.u32 s15, $0x13;
	s14 =	sshll.u32 s14, $0x4  }
0x48: {  	s14 =	sand.u32 $0xFFF0, s14;
	s15 =	sadd.s32 s6, s15  }
0x49: {  	s14 =	sadd.s32 s14, s15  }
0x4a: {  	[hbm4b:s14+s8] =	stream.strided.scatter [tilespmem:s17], [sflag:$0x2], $0x4000, s9, s8, $0x38;
	[tilespmem:$0x10000] =	vst v63  }
.LBB1_8:
0x4b: {  	_ =	sfence.sel $0x180000  }
0x4c: {  	s2 =	simm.s32 $0x1;
	[bflag:$0x0] =	sbarrier.arrive $0xFFFF  }
0x4d: {  	s31 =	simm.s32 $0x2;
	[sflag:s2] =	ssyncpa.u1 $0x1  }
0x4e: {  	[sflag:s31] =	ssyncpa.u1 $0x1  }
0x4f: {  	p0 =	sne.s32 s0, $0x0;
	_ =	strace $0x9000004A  }
0x50: {  	s0 =	sadd.s32 @!p0 $0x100000, s1;
	[bflag:$0x2] =	sbarrier.arrive $0xFFFF  }
0x51: {  	[sflag:s0] =	ssyncadd.tile.s32 @!p0 $0x1;
	_ =	shalt  }
.Lfunc_end1:
_tile_overlayer_lowered:
.L_overlay_start_2:
0x52: {  	(tag) =	ssettag $0x2  }
0x53: {  	s0 =	rddreg [dreg:$0x0];
	s2 =	stileid.u32  }
0x54: {  	s1 =	rddreg [dreg:$0x1];
	p0 =	sne.s32 s2, $0x0  }
0x55: {  	s3 =	rddreg [dreg:$0x2];
	[bflag:$0x3] =	sbarrier.arrive $0xFFFF;
	s2 =	simm.s32 @!p0 $0x1C01  }
0x56: {  	[timem:s3], [sflag:s2] =	dma.local @!p0 [hbm:s0], s1  }
0x57: {  	s0 =	simm.s32 @!p0 $0x1  }
0x58: {  	_ =	swait.ge @!p0 [sflag:s0], s1  }
0x59: {  	s1 =	ssub.s32 @!p0 $0x0, s1;
	[sflag:s0] =	ssyncset.done @!p0 $0x0  }
0x5a: {  	[sflag:s0] =	ssyncadd.s32 @!p0 s1  }
0x5b: {  	[bflag:$0x3] =	sbarrier.arrive $0xFFFF  }
0x5c: {  	_ =	shalt  }

</sc_bundles>
